<compile_context>
chip_gen: v7x
topology: tpu7x:2x2x1
jax: 0.10.2.dev20260603
libtpu: 0.0.44.dev20260713+nightly
codegen_flags: <defaults>
</compile_context>

<pallas_src>
import dataclasses
import functools

import jax
import jax.numpy as jnp
from jax import lax
from jax.experimental import pallas as pl
from jax.experimental.pallas import tpu as pltpu
from jax.experimental.pallas import tpu_sc as plsc

N = 10000
E = 320000
D_IN = 128
HID = 128
NCL = 16

NC = 2
NS = 16
LANES = 16
NW = NC * NS

CHUNK = 128
EP = 327680
EPW = EP // NW
NCHUNKS = EPW // CHUNK
NP = 10240
NPAD = NP - N
RPS = NP // NS
ZROWS = 128


def _mesh():
    return plsc.VectorSubcoreMesh(core_axis_name="c", subcore_axis_name="s")


def _sc_compiler_params():
    cp = pltpu.CompilerParams()
    if "needs_layout_passes" in pltpu.CompilerParams.__dataclass_fields__:
        cp = dataclasses.replace(cp, needs_layout_passes=False)
    return cp


@functools.partial(
    pl.kernel,
    out_type=jax.ShapeDtypeStruct((NW, NP), jnp.float32),
    mesh=_mesh(),
    compiler_params=_sc_compiler_params(),
    scratch_types=[
        pltpu.VMEM((NP,), jnp.float32),
        pltpu.VMEM((NCHUNKS, CHUNK), jnp.int32),
    ],
)
def _deg_kernel(edges_hbm, out_hbm, hist, didx):
    c = lax.axis_index("c")
    s = lax.axis_index("s")
    w = c * NS + s

    @pl.loop(0, NP, step=LANES)
    def _(i):
        hist[pl.ds(i, LANES)] = jnp.zeros((LANES,), jnp.float32)

    pltpu.sync_copy(edges_hbm.at[1, pl.ds(w * NCHUNKS, NCHUNKS)], didx)

    ones = jnp.ones((LANES,), jnp.float32)

    @pl.loop(0, NCHUNKS)
    def _(r):
        @pl.loop(0, CHUNK, step=LANES)
        def _(k):
            plsc.addupdate_scatter(hist, [didx[r, pl.ds(k, LANES)]], ones)

    pltpu.sync_copy(hist, out_hbm.at[w])


def _make_agg(D):
    PHASES = 2
    WCH = NCHUNKS // PHASES

    @functools.partial(
        pl.kernel,
        out_type=jax.ShapeDtypeStruct((NC, NP, D), jnp.float32),
        mesh=_mesh(),
        scratch_types=[
            pltpu.VMEM_SHARED((NP, D), jnp.float32),
            pltpu.VMEM((WCH, CHUNK), jnp.int32),
            pltpu.VMEM((WCH, CHUNK), jnp.int32),
            pltpu.VMEM((CHUNK, D), jnp.float32),
            pltpu.VMEM((CHUNK, D), jnp.float32),
            pltpu.SemaphoreType.DMA,
            pltpu.SemaphoreType.DMA,
            pltpu.SemaphoreType.DMA,
        ],
    )
    def agg_kernel(edges_hbm, z_hbm, g_hbm, out_hbm,
                   acc, sidx, didx, rows0, rows1, sem0, sem1, zsem):
        c = lax.axis_index("c")
        s = lax.axis_index("s")
        w = c * NS + s
        rows = (rows0, rows1)
        sems = (sem0, sem1)

        def start(j, b):
            pltpu.async_copy(g_hbm.at[sidx.at[j]], rows[b], sems[b])

        def wait(j, b):
            pltpu.make_async_copy(g_hbm.at[sidx.at[j]], rows[b], sems[b]).wait()

        def scat(j, b):
            pltpu.sync_copy(rows[b], acc.at[didx.at[j]], add=True)

        @pl.loop(0, RPS, step=ZROWS)
        def _(r):
            pltpu.async_copy(z_hbm, acc.at[pl.ds(s * RPS + r, ZROWS)], zsem)

        pltpu.sync_copy(edges_hbm.at[0, pl.ds(w * NCHUNKS, WCH)], sidx)
        pltpu.sync_copy(edges_hbm.at[1, pl.ds(w * NCHUNKS, WCH)], didx)
        start(0, 0)
        start(1, 1)

        @pl.loop(0, RPS, step=ZROWS)
        def _(r):
            pltpu.make_async_copy(z_hbm, acc.at[pl.ds(s * RPS + r, ZROWS)], zsem).wait()

        plsc.subcore_barrier()

        @pl.loop(0, PHASES)
        def _(p):
            base = w * NCHUNKS + p * WCH

            @pl.when(p > 0)
            def _():
                pltpu.sync_copy(edges_hbm.at[0, pl.ds(base, WCH)], sidx)
                pltpu.sync_copy(edges_hbm.at[1, pl.ds(base, WCH)], didx)
                start(0, 0)
                start(1, 1)

            @pl.loop(0, WCH - 2, step=2)
            def _(j):
                wait(j, 0)
                scat(j, 0)
                start(j + 2, 0)
                wait(j + 1, 1)
                scat(j + 1, 1)
                start(j + 3, 1)

            wait(WCH - 2, 0)
            scat(WCH - 2, 0)
            wait(WCH - 1, 1)
            scat(WCH - 1, 1)

        plsc.subcore_barrier()
        pltpu.sync_copy(acc.at[pl.ds(s * RPS, RPS)], out_hbm.at[c, pl.ds(s * RPS, RPS)])

    return agg_kernel


_agg128 = _make_agg(HID)


def _dis_from_hist(degh_ref):
    deg = jnp.sum(degh_ref[...], axis=0)[0:N] + 1.0
    return lax.rsqrt(deg)[:, None]


def _mm_body(x_ref, w_ref, o_ref):
    o_ref[...] = jnp.dot(x_ref[...], w_ref[...], preferred_element_type=jnp.float32)


def _tc_matmul(x, w):
    return pl.pallas_call(
        _mm_body,
        out_shape=jax.ShapeDtypeStruct((x.shape[0], w.shape[1]), jnp.float32),
    )(x, w)


def _g1_body(h_ref, degh_ref, g_ref):
    g_ref[...] = h_ref[...] * _dis_from_hist(degh_ref)


def _tc_g1(h, degh):
    return pl.pallas_call(
        _g1_body,
        out_shape=jax.ShapeDtypeStruct(h.shape, jnp.float32),
    )(h, degh)


def _combine_body(aggp_ref, h_ref, degh_ref, w_ref, b_ref, hn_ref, gn_ref):
    dis = _dis_from_hist(degh_ref)
    agg = aggp_ref[0, 0:N] + aggp_ref[1, 0:N]
    z = jnp.maximum(dis * agg + (dis * dis) * h_ref[...] + b_ref[...], 0.0)
    hn = jnp.dot(z, w_ref[...], preferred_element_type=jnp.float32)
    hn_ref[...] = hn
    gn_ref[...] = hn * dis


def _tc_combine(aggp, h, degh, w, b):
    d_out = w.shape[1]
    return pl.pallas_call(
        _combine_body,
        out_shape=[
            jax.ShapeDtypeStruct((N, d_out), jnp.float32),
            jax.ShapeDtypeStruct((N, d_out), jnp.float32),
        ],
    )(aggp, h, degh, w, b)


def _combine3_body(aggp_ref, h_ref, degh_ref, b_ref, z_ref, y_ref):
    dis = _dis_from_hist(degh_ref)
    agg = aggp_ref[0, 0:N] + aggp_ref[1, 0:N]
    z = jnp.maximum(dis * agg + (dis * dis) * h_ref[...] + b_ref[...], 0.0)
    z_ref[...] = z
    y_ref[...] = z * dis


def _tc_combine3(aggp, h, degh, b):
    return pl.pallas_call(
        _combine3_body,
        out_shape=[
            jax.ShapeDtypeStruct((N, HID), jnp.float32),
            jax.ShapeDtypeStruct((N, HID), jnp.float32),
        ],
    )(aggp, h, degh, b)


def _final_body(aggp_ref, z_ref, degh_ref, w_ref, b_ref, o_ref):
    dis = _dis_from_hist(degh_ref)
    agg = aggp_ref[0, 0:N] + aggp_ref[1, 0:N]
    t = dis * agg + (dis * dis) * z_ref[...]
    o_ref[...] = jnp.dot(t, w_ref[...], preferred_element_type=jnp.float32) + b_ref[...]


def _tc_final(aggp, z2, degh, w, b):
    return pl.pallas_call(
        _final_body,
        out_shape=jax.ShapeDtypeStruct((N, NCL), jnp.float32),
    )(aggp, z2, degh, w, b)


def kernel(x, edge_index, W1, b1, W2, b2, W3, b3):
    npad_e = EP - E
    pad_iota = jnp.arange(npad_e, dtype=jnp.int32)
    pad_src = (pad_iota * 37 % N)[None, :]
    pad_dst = (N + pad_iota % NPAD)[None, :]
    edges = jnp.concatenate(
        [edge_index, jnp.concatenate([pad_src, pad_dst], axis=0)], axis=1
    ).reshape(2, EP // CHUNK, CHUNK)
    z128 = jnp.zeros((ZROWS, HID), jnp.float32)

    degh = _deg_kernel(edges)
    h1 = _tc_matmul(x, W1)
    g1 = _tc_g1(h1, degh)
    agg1 = _agg128(edges, z128, g1)
    h2, g2 = _tc_combine(agg1, h1, degh, W2, b1)
    agg2 = _agg128(edges, z128, g2)
    z2, y2 = _tc_combine3(agg2, h2, degh, b2)
    agg3 = _agg128(edges, z128, y2)
    return _tc_final(agg3, z2, degh, W3, b3)

# --- scband reference (transcript-rebuilt; emitter-appended) ---
"""Pipeline reference for scband-gcn-2499670966928 (READ-ONLY COPY).

The authoritative reference and input builder live on the scoring server;
editing this copy changes nothing except your own understanding.
"""

import jax, jax.numpy as jnp
import numpy as np

N = 10000
E = 320000
D_IN = 128
HID = 128
N_CLASSES = 16


def _glorot(key, fan_in, fan_out):
    limit = np.sqrt(6.0 / (fan_in + fan_out))
    return jax.random.uniform(key, (fan_in, fan_out), minval=-limit, maxval=limit, dtype=jnp.float32)


def setup_inputs(seed: int = 0) -> dict:
    key = jax.random.key(seed)
    ks = jax.random.split(key, 8)
    x = jax.random.normal(ks[0], (N, D_IN), dtype=jnp.float32)
    edge_index = jax.random.randint(ks[1], (2, E), 0, N, dtype=jnp.int32)
    W1 = _glorot(ks[2], D_IN, HID)
    b1 = jnp.zeros((HID,), dtype=jnp.float32)
    W2 = _glorot(ks[3], HID, HID)
    b2 = jnp.zeros((HID,), dtype=jnp.float32)
    W3 = _glorot(ks[4], HID, N_CLASSES)
    b3 = jnp.zeros((N_CLASSES,), dtype=jnp.float32)
    return {"x": x, "edge_index": edge_index, "W1": W1, "b1": b1, "W2": W2, "b2": b2, "W3": W3, "b3": b3}


def _gcn_conv(x, src, dst, W, b):
    # PyG GCNConv: linear transform, add self-loops, symmetric normalization, scatter-add aggregate
    n = x.shape[0]
    h = x @ W
    loop = jnp.arange(n, dtype=src.dtype)
    src_sl = jnp.concatenate([src, loop])
    dst_sl = jnp.concatenate([dst, loop])
    deg = jnp.zeros((n,), dtype=h.dtype).at[dst_sl].add(1.0)
    deg_inv_sqrt = jnp.where(deg > 0, jax.lax.rsqrt(jnp.maximum(deg, 1e-12)), 0.0)
    norm = deg_inv_sqrt[src_sl] * deg_inv_sqrt[dst_sl]
    msg = h[src_sl] * norm[:, None]
    out = jax.ops.segment_sum(msg, dst_sl, num_segments=n)
    return out + b


def reference(x, edge_index, W1, b1, W2, b2, W3, b3):
    src = edge_index[0]
    dst = edge_index[1]
    h = _gcn_conv(x, src, dst, W1, b1)
    h = jax.nn.relu(h)
    h = _gcn_conv(h, src, dst, W2, b2)
    h = jax.nn.relu(h)
    # dropout(p=0.2) is identity in eval mode
    h = _gcn_conv(h, src, dst, W3, b3)
    return h

if __name__ == "__main__":
    import jax
    _d = setup_inputs()
    print(jax.jit(kernel)(*tuple(_d.values())))

</pallas_src>

<mosaic_0001>
#map = affine_map<(d0, d1) -> (0, 0, 0)>
#map1 = affine_map<(d0, d1) -> (0, 0)>
module attributes {stable_mosaic.version = 14 : i64} {
  func.func @agg_kernel(%arg0: i32, %arg1: i32, %arg2: memref<2x2560x128xi32, #tpu.memory_space<hbm>>, %arg3: memref<128x128xf32, #tpu.memory_space<hbm>>, %arg4: memref<10000x128xf32, #tpu.memory_space<hbm>>, %arg5: memref<2x10240x128xf32, #tpu.memory_space<hbm>>, %arg6: memref<10240x128xf32, #tpu.memory_space<vmem_shared>>, %arg7: memref<40x128xi32, #tpu.memory_space<vmem>>, %arg8: memref<40x128xi32, #tpu.memory_space<vmem>>, %arg9: memref<128x128xf32, #tpu.memory_space<vmem>>, %arg10: memref<128x128xf32, #tpu.memory_space<vmem>>, %arg11: memref<!tpu.dma_semaphore, #tpu.memory_space<semaphore_mem>>, %arg12: memref<!tpu.dma_semaphore, #tpu.memory_space<semaphore_mem>>, %arg13: memref<!tpu.dma_semaphore, #tpu.memory_space<semaphore_mem>>) attributes {dimension_semantics = [#tpu.dimension_semantics<core_parallel>, #tpu.dimension_semantics<subcore_parallel>], iteration_bounds = array<i64: 2, 16>, scalar_prefetch = 0 : i64, scratch_operands = 8 : i64, tpu.core_type = #tpu.core_type<sc_vector_subcore>, window_params = [{transform_indices = #map}, {transform_indices = #map1}, {transform_indices = #map1}, {transform_indices = #map}]} {
    %mul3A = arith.constant 16 : i32
    %mul3A_0 = arith.muli %arg0, %mul3A : i32
    %add3A = arith.addi %mul3A_0, %arg1 : i32
    %scan3A = arith.constant 0 : i32
    %scan3A_1 = arith.constant 5 : i32
    %scan3A_2 = arith.addi %scan3A, %scan3A_1 : i32
    %scan3A_3 = arith.constant 1 : i32
    scf.for %scan3A_38 = %scan3A to %scan3A_2 step %scan3A_3  : i32 {
      %mul3A_39 = arith.constant 128 : i32
      %mul3A_40 = arith.muli %scan3A_38, %mul3A_39 : i32
      %add3A_41 = arith.constant 0 : i32
      %add3A_42 = arith.addi %add3A_41, %mul3A_40 : i32
      %mul3A_43 = arith.constant 640 : i32
      %mul3A_44 = arith.muli %arg1, %mul3A_43 : i32
      %add3A_45 = arith.addi %mul3A_44, %add3A_42 : i32
      %dma_start3A_46 = arith.constant 0 : i32
      %dma_start3A_47 = tpu.memref_slice %arg6[%add3A_45, %dma_start3A_46] : memref<10240x128xf32, #tpu.memory_space<vmem_shared>> -> memref<128x128xf32, #tpu.memory_space<vmem_shared>>
      tpu.enqueue_dma source(%arg3 : memref<128x128xf32, #tpu.memory_space<hbm>>) target(%dma_start3A_47 : memref<128x128xf32, #tpu.memory_space<vmem_shared>>) target_semaphore(%arg13 : memref<!tpu.dma_semaphore, #tpu.memory_space<semaphore_mem>>)
    }
    %scan3A_4 = arith.constant 5 : i32
    %mul3A_5 = arith.constant 80 : i32
    %mul3A_6 = arith.muli %add3A, %mul3A_5 : i32
    %run_scoped3A = arith.constant 0 : i32
    "tpu.region"() ({
      %run_scoped3A_38 = tpu.sem_alloc : memref<!tpu.dma_semaphore, #tpu.memory_space<semaphore_mem>>
      %dma_start3A_39 = arith.constant 0 : i32
      %dma_start3A_40 = tpu.memref_slice %arg2[%run_scoped3A, %mul3A_6, %dma_start3A_39] : memref<2x2560x128xi32, #tpu.memory_space<hbm>> -> memref<1x40x128xi32, #tpu.memory_space<hbm>>
      %dma_start3A_41 = tpu.memref_squeeze %dma_start3A_40 : memref<1x40x128xi32, #tpu.memory_space<hbm>> -> memref<40x128xi32, #tpu.memory_space<hbm>>
      %dma_start3A_42 = arith.constant 0 : i32
      %dma_start3A_43 = tpu.memref_slice %arg2[%run_scoped3A, %mul3A_6, %dma_start3A_42] : memref<2x2560x128xi32, #tpu.memory_space<hbm>> -> memref<1x40x128xi32, #tpu.memory_space<hbm>>
      %dma_start3A_44 = tpu.memref_squeeze %dma_start3A_43 : memref<1x40x128xi32, #tpu.memory_space<hbm>> -> memref<40x128xi32, #tpu.memory_space<hbm>>
      tpu.enqueue_dma source(%dma_start3A_44 : memref<40x128xi32, #tpu.memory_space<hbm>>) target(%arg7 : memref<40x128xi32, #tpu.memory_space<vmem>>) target_semaphore(%run_scoped3A_38 : memref<!tpu.dma_semaphore, #tpu.memory_space<semaphore_mem>>)
      %dma_wait3A = arith.constant 0 : i32
      %dma_wait3A_45 = tpu.memref_slice %arg2[%run_scoped3A, %mul3A_6, %dma_wait3A] : memref<2x2560x128xi32, #tpu.memory_space<hbm>> -> memref<1x40x128xi32, #tpu.memory_space<hbm>>
      %dma_wait3A_46 = tpu.memref_squeeze %dma_wait3A_45 : memref<1x40x128xi32, #tpu.memory_space<hbm>> -> memref<40x128xi32, #tpu.memory_space<hbm>>
      %dma_wait3A_47 = arith.constant 0 : i32
      %dma_wait3A_48 = tpu.memref_slice %arg2[%run_scoped3A, %mul3A_6, %dma_wait3A_47] : memref<2x2560x128xi32, #tpu.memory_space<hbm>> -> memref<1x40x128xi32, #tpu.memory_space<hbm>>
      %dma_wait3A_49 = tpu.memref_squeeze %dma_wait3A_48 : memref<1x40x128xi32, #tpu.memory_space<hbm>> -> memref<40x128xi32, #tpu.memory_space<hbm>>
      tpu.wait_dma2 semaphore(%run_scoped3A_38 : memref<!tpu.dma_semaphore, #tpu.memory_space<semaphore_mem>>) src(%dma_wait3A_49 : memref<40x128xi32, #tpu.memory_space<hbm>>) dst(%arg7 : memref<40x128xi32, #tpu.memory_space<vmem>>)
      tpu.yield
    }) : () -> ()
    %mul3A_7 = arith.constant 80 : i32
    %mul3A_8 = arith.muli %add3A, %mul3A_7 : i32
    %run_scoped3A_9 = arith.constant 1 : i32
    "tpu.region"() ({
      %run_scoped3A_38 = tpu.sem_alloc : memref<!tpu.dma_semaphore, #tpu.memory_space<semaphore_mem>>
      %dma_start3A_39 = arith.constant 0 : i32
      %dma_start3A_40 = tpu.memref_slice %arg2[%run_scoped3A_9, %mul3A_8, %dma_start3A_39] : memref<2x2560x128xi32, #tpu.memory_space<hbm>> -> memref<1x40x128xi32, #tpu.memory_space<hbm>>
      %dma_start3A_41 = tpu.memref_squeeze %dma_start3A_40 : memref<1x40x128xi32, #tpu.memory_space<hbm>> -> memref<40x128xi32, #tpu.memory_space<hbm>>
      %dma_start3A_42 = arith.constant 0 : i32
      %dma_start3A_43 = tpu.memref_slice %arg2[%run_scoped3A_9, %mul3A_8, %dma_start3A_42] : memref<2x2560x128xi32, #tpu.memory_space<hbm>> -> memref<1x40x128xi32, #tpu.memory_space<hbm>>
      %dma_start3A_44 = tpu.memref_squeeze %dma_start3A_43 : memref<1x40x128xi32, #tpu.memory_space<hbm>> -> memref<40x128xi32, #tpu.memory_space<hbm>>
      tpu.enqueue_dma source(%dma_start3A_44 : memref<40x128xi32, #tpu.memory_space<hbm>>) target(%arg8 : memref<40x128xi32, #tpu.memory_space<vmem>>) target_semaphore(%run_scoped3A_38 : memref<!tpu.dma_semaphore, #tpu.memory_space<semaphore_mem>>)
      %dma_wait3A = arith.constant 0 : i32
      %dma_wait3A_45 = tpu.memref_slice %arg2[%run_scoped3A_9, %mul3A_8, %dma_wait3A] : memref<2x2560x128xi32, #tpu.memory_space<hbm>> -> memref<1x40x128xi32, #tpu.memory_space<hbm>>
      %dma_wait3A_46 = tpu.memref_squeeze %dma_wait3A_45 : memref<1x40x128xi32, #tpu.memory_space<hbm>> -> memref<40x128xi32, #tpu.memory_space<hbm>>
      %dma_wait3A_47 = arith.constant 0 : i32
      %dma_wait3A_48 = tpu.memref_slice %arg2[%run_scoped3A_9, %mul3A_8, %dma_wait3A_47] : memref<2x2560x128xi32, #tpu.memory_space<hbm>> -> memref<1x40x128xi32, #tpu.memory_space<hbm>>
      %dma_wait3A_49 = tpu.memref_squeeze %dma_wait3A_48 : memref<1x40x128xi32, #tpu.memory_space<hbm>> -> memref<40x128xi32, #tpu.memory_space<hbm>>
      tpu.wait_dma2 semaphore(%run_scoped3A_38 : memref<!tpu.dma_semaphore, #tpu.memory_space<semaphore_mem>>) src(%dma_wait3A_49 : memref<40x128xi32, #tpu.memory_space<hbm>>) dst(%arg8 : memref<40x128xi32, #tpu.memory_space<vmem>>)
      tpu.yield
    }) : () -> ()
    %dma_start3A = arith.constant 0 : i32
    %dma_start3A_10 = arith.constant 0 : i32
    %dma_start3A_11 = tpu.memref_slice %arg7[%dma_start3A, %dma_start3A_10] : memref<40x128xi32, #tpu.memory_space<vmem>> -> memref<1x128xi32, #tpu.memory_space<vmem>>
    %dma_start3A_12 = tpu.memref_squeeze %dma_start3A_11 : memref<1x128xi32, #tpu.memory_space<vmem>> -> memref<128xi32, #tpu.memory_space<vmem>>
    %dma_start3A_13 = arith.constant 0 : i32
    %dma_start3A_14 = arith.constant 0 : i32
    %dma_start3A_15 = tpu.memref_slice %arg4[%dma_start3A_13, %dma_start3A_14] : memref<10000x128xf32, #tpu.memory_space<hbm>> -> memref<10000x128xf32, #tpu.memory_space<hbm>>
    tpu.enqueue_indirect_dma source(%dma_start3A_15 : memref<10000x128xf32, #tpu.memory_space<hbm>>) target(%arg9 : memref<128x128xf32, #tpu.memory_space<vmem>>) offsets(%dma_start3A_12 : memref<128xi32, #tpu.memory_space<vmem>>) semaphore(%arg11 : memref<!tpu.dma_semaphore, #tpu.memory_space<semaphore_mem>>)
    %dma_start3A_16 = arith.constant 1 : i32
    %dma_start3A_17 = arith.constant 0 : i32
    %dma_start3A_18 = tpu.memref_slice %arg7[%dma_start3A_16, %dma_start3A_17] : memref<40x128xi32, #tpu.memory_space<vmem>> -> memref<1x128xi32, #tpu.memory_space<vmem>>
    %dma_start3A_19 = tpu.memref_squeeze %dma_start3A_18 : memref<1x128xi32, #tpu.memory_space<vmem>> -> memref<128xi32, #tpu.memory_space<vmem>>
    %dma_start3A_20 = arith.constant 0 : i32
    %dma_start3A_21 = arith.constant 0 : i32
    %dma_start3A_22 = tpu.memref_slice %arg4[%dma_start3A_20, %dma_start3A_21] : memref<10000x128xf32, #tpu.memory_space<hbm>> -> memref<10000x128xf32, #tpu.memory_space<hbm>>
    tpu.enqueue_indirect_dma source(%dma_start3A_22 : memref<10000x128xf32, #tpu.memory_space<hbm>>) target(%arg10 : memref<128x128xf32, #tpu.memory_space<vmem>>) offsets(%dma_start3A_19 : memref<128xi32, #tpu.memory_space<vmem>>) semaphore(%arg12 : memref<!tpu.dma_semaphore, #tpu.memory_space<semaphore_mem>>)
    %scan3A_23 = arith.constant 0 : i32
    %scan3A_24 = arith.constant 5 : i32
    %scan3A_25 = arith.addi %scan3A_23, %scan3A_24 : i32
    %scan3A_26 = arith.constant 1 : i32
    scf.for %scan3A_38 = %scan3A_23 to %scan3A_25 step %scan3A_26  : i32 {
      %mul3A_39 = arith.constant 128 : i32
      %mul3A_40 = arith.muli %scan3A_38, %mul3A_39 : i32
      %add3A_41 = arith.constant 0 : i32
      %add3A_42 = arith.addi %add3A_41, %mul3A_40 : i32
      %mul3A_43 = arith.constant 640 : i32
      %mul3A_44 = arith.muli %arg1, %mul3A_43 : i32
      %add3A_45 = arith.addi %mul3A_44, %add3A_42 : i32
      %dma_wait3A = arith.constant 0 : i32
      %dma_wait3A_46 = tpu.memref_slice %arg6[%add3A_45, %dma_wait3A] : memref<10240x128xf32, #tpu.memory_space<vmem_shared>> -> memref<128x128xf32, #tpu.memory_space<vmem_shared>>
      tpu.wait_dma2 semaphore(%arg13 : memref<!tpu.dma_semaphore, #tpu.memory_space<semaphore_mem>>) src(%arg3 : memref<128x128xf32, #tpu.memory_space<hbm>>) dst(%dma_wait3A_46 : memref<128x128xf32, #tpu.memory_space<vmem_shared>>)
    }
    %scan3A_27 = arith.constant 5 : i32
    %barrier3A = arith.constant 0 : index
    tpu.barrier barrier_id(%barrier3A)
    %scan3A_28 = arith.constant 0 : i32
    %scan3A_29 = arith.constant 2 : i32
    %scan3A_30 = arith.addi %scan3A_28, %scan3A_29 : i32
    %scan3A_31 = arith.constant 1 : i32
    scf.for %scan3A_38 = %scan3A_28 to %scan3A_30 step %scan3A_31  : i32 {
      %mul3A_39 = arith.constant 1 : i32
      %mul3A_40 = arith.muli %scan3A_38, %mul3A_39 : i32
      %add3A_41 = arith.constant 0 : i32
      %add3A_42 = arith.addi %add3A_41, %mul3A_40 : i32
      %mul3A_43 = arith.constant 80 : i32
      %mul3A_44 = arith.muli %add3A, %mul3A_43 : i32
      %mul3A_45 = arith.constant 40 : i32
      %mul3A_46 = arith.muli %add3A_42, %mul3A_45 : i32
      %add3A_47 = arith.addi %mul3A_44, %mul3A_46 : i32
      %gt3A = arith.constant 0 : i32
      %gt3A_48 = arith.cmpi sgt, %add3A_42, %gt3A : i32
      %convert_element_type3A = arith.extui %gt3A_48 : i1 to i32
      %cond3A = arith.constant 0 : i32
      %cond3A_49 = arith.cmpi ne, %convert_element_type3A, %cond3A : i32
      scf.if %cond3A_49 {
        %run_scoped3A_70 = arith.constant 0 : i32
        "tpu.region"() ({
          %run_scoped3A_86 = tpu.sem_alloc : memref<!tpu.dma_semaphore, #tpu.memory_space<semaphore_mem>>
          %dma_start3A_87 = arith.constant 0 : i32
          %dma_start3A_88 = tpu.memref_slice %arg2[%run_scoped3A_70, %add3A_47, %dma_start3A_87] : memref<2x2560x128xi32, #tpu.memory_space<hbm>> -> memref<1x40x128xi32, #tpu.memory_space<hbm>>
          %dma_start3A_89 = tpu.memref_squeeze %dma_start3A_88 : memref<1x40x128xi32, #tpu.memory_space<hbm>> -> memref<40x128xi32, #tpu.memory_space<hbm>>
          %dma_start3A_90 = arith.constant 0 : i32
          %dma_start3A_91 = tpu.memref_slice %arg2[%run_scoped3A_70, %add3A_47, %dma_start3A_90] : memref<2x2560x128xi32, #tpu.memory_space<hbm>> -> memref<1x40x128xi32, #tpu.memory_space<hbm>>
          %dma_start3A_92 = tpu.memref_squeeze %dma_start3A_91 : memref<1x40x128xi32, #tpu.memory_space<hbm>> -> memref<40x128xi32, #tpu.memory_space<hbm>>
          tpu.enqueue_dma source(%dma_start3A_92 : memref<40x128xi32, #tpu.memory_space<hbm>>) target(%arg7 : memref<40x128xi32, #tpu.memory_space<vmem>>) target_semaphore(%run_scoped3A_86 : memref<!tpu.dma_semaphore, #tpu.memory_space<semaphore_mem>>)
          %dma_wait3A_93 = arith.constant 0 : i32
          %dma_wait3A_94 = tpu.memref_slice %arg2[%run_scoped3A_70, %add3A_47, %dma_wait3A_93] : memref<2x2560x128xi32, #tpu.memory_space<hbm>> -> memref<1x40x128xi32, #tpu.memory_space<hbm>>
          %dma_wait3A_95 = tpu.memref_squeeze %dma_wait3A_94 : memref<1x40x128xi32, #tpu.memory_space<hbm>> -> memref<40x128xi32, #tpu.memory_space<hbm>>
          %dma_wait3A_96 = arith.constant 0 : i32
          %dma_wait3A_97 = tpu.memref_slice %arg2[%run_scoped3A_70, %add3A_47, %dma_wait3A_96] : memref<2x2560x128xi32, #tpu.memory_space<hbm>> -> memref<1x40x128xi32, #tpu.memory_space<hbm>>
          %dma_wait3A_98 = tpu.memref_squeeze %dma_wait3A_97 : memref<1x40x128xi32, #tpu.memory_space<hbm>> -> memref<40x128xi32, #tpu.memory_space<hbm>>
          tpu.wait_dma2 semaphore(%run_scoped3A_86 : memref<!tpu.dma_semaphore, #tpu.memory_space<semaphore_mem>>) src(%dma_wait3A_98 : memref<40x128xi32, #tpu.memory_space<hbm>>) dst(%arg7 : memref<40x128xi32, #tpu.memory_space<vmem>>)
          tpu.yield
        }) : () -> ()
        %run_scoped3A_71 = arith.constant 1 : i32
        "tpu.region"() ({
          %run_scoped3A_86 = tpu.sem_alloc : memref<!tpu.dma_semaphore, #tpu.memory_space<semaphore_mem>>
          %dma_start3A_87 = arith.constant 0 : i32
          %dma_start3A_88 = tpu.memref_slice %arg2[%run_scoped3A_71, %add3A_47, %dma_start3A_87] : memref<2x2560x128xi32, #tpu.memory_space<hbm>> -> memref<1x40x128xi32, #tpu.memory_space<hbm>>
          %dma_start3A_89 = tpu.memref_squeeze %dma_start3A_88 : memref<1x40x128xi32, #tpu.memory_space<hbm>> -> memref<40x128xi32, #tpu.memory_space<hbm>>
          %dma_start3A_90 = arith.constant 0 : i32
          %dma_start3A_91 = tpu.memref_slice %arg2[%run_scoped3A_71, %add3A_47, %dma_start3A_90] : memref<2x2560x128xi32, #tpu.memory_space<hbm>> -> memref<1x40x128xi32, #tpu.memory_space<hbm>>
          %dma_start3A_92 = tpu.memref_squeeze %dma_start3A_91 : memref<1x40x128xi32, #tpu.memory_space<hbm>> -> memref<40x128xi32, #tpu.memory_space<hbm>>
          tpu.enqueue_dma source(%dma_start3A_92 : memref<40x128xi32, #tpu.memory_space<hbm>>) target(%arg8 : memref<40x128xi32, #tpu.memory_space<vmem>>) target_semaphore(%run_scoped3A_86 : memref<!tpu.dma_semaphore, #tpu.memory_space<semaphore_mem>>)
          %dma_wait3A_93 = arith.constant 0 : i32
          %dma_wait3A_94 = tpu.memref_slice %arg2[%run_scoped3A_71, %add3A_47, %dma_wait3A_93] : memref<2x2560x128xi32, #tpu.memory_space<hbm>> -> memref<1x40x128xi32, #tpu.memory_space<hbm>>
          %dma_wait3A_95 = tpu.memref_squeeze %dma_wait3A_94 : memref<1x40x128xi32, #tpu.memory_space<hbm>> -> memref<40x128xi32, #tpu.memory_space<hbm>>
          %dma_wait3A_96 = arith.constant 0 : i32
          %dma_wait3A_97 = tpu.memref_slice %arg2[%run_scoped3A_71, %add3A_47, %dma_wait3A_96] : memref<2x2560x128xi32, #tpu.memory_space<hbm>> -> memref<1x40x128xi32, #tpu.memory_space<hbm>>
          %dma_wait3A_98 = tpu.memref_squeeze %dma_wait3A_97 : memref<1x40x128xi32, #tpu.memory_space<hbm>> -> memref<40x128xi32, #tpu.memory_space<hbm>>
          tpu.wait_dma2 semaphore(%run_scoped3A_86 : memref<!tpu.dma_semaphore, #tpu.memory_space<semaphore_mem>>) src(%dma_wait3A_98 : memref<40x128xi32, #tpu.memory_space<hbm>>) dst(%arg8 : memref<40x128xi32, #tpu.memory_space<vmem>>)
          tpu.yield
        }) : () -> ()
        %dma_start3A_72 = arith.constant 0 : i32
        %dma_start3A_73 = arith.constant 0 : i32
        %dma_start3A_74 = tpu.memref_slice %arg7[%dma_start3A_72, %dma_start3A_73] : memref<40x128xi32, #tpu.memory_space<vmem>> -> memref<1x128xi32, #tpu.memory_space<vmem>>
        %dma_start3A_75 = tpu.memref_squeeze %dma_start3A_74 : memref<1x128xi32, #tpu.memory_space<vmem>> -> memref<128xi32, #tpu.memory_space<vmem>>
        %dma_start3A_76 = arith.constant 0 : i32
        %dma_start3A_77 = arith.constant 0 : i32
        %dma_start3A_78 = tpu.memref_slice %arg4[%dma_start3A_76, %dma_start3A_77] : memref<10000x128xf32, #tpu.memory_space<hbm>> -> memref<10000x128xf32, #tpu.memory_space<hbm>>
        tpu.enqueue_indirect_dma source(%dma_start3A_78 : memref<10000x128xf32, #tpu.memory_space<hbm>>) target(%arg9 : memref<128x128xf32, #tpu.memory_space<vmem>>) offsets(%dma_start3A_75 : memref<128xi32, #tpu.memory_space<vmem>>) semaphore(%arg11 : memref<!tpu.dma_semaphore, #tpu.memory_space<semaphore_mem>>)
        %dma_start3A_79 = arith.constant 1 : i32
        %dma_start3A_80 = arith.constant 0 : i32
        %dma_start3A_81 = tpu.memref_slice %arg7[%dma_start3A_79, %dma_start3A_80] : memref<40x128xi32, #tpu.memory_space<vmem>> -> memref<1x128xi32, #tpu.memory_space<vmem>>
        %dma_start3A_82 = tpu.memref_squeeze %dma_start3A_81 : memref<1x128xi32, #tpu.memory_space<vmem>> -> memref<128xi32, #tpu.memory_space<vmem>>
        %dma_start3A_83 = arith.constant 0 : i32
        %dma_start3A_84 = arith.constant 0 : i32
        %dma_start3A_85 = tpu.memref_slice %arg4[%dma_start3A_83, %dma_start3A_84] : memref<10000x128xf32, #tpu.memory_space<hbm>> -> memref<10000x128xf32, #tpu.memory_space<hbm>>
        tpu.enqueue_indirect_dma source(%dma_start3A_85 : memref<10000x128xf32, #tpu.memory_space<hbm>>) target(%arg10 : memref<128x128xf32, #tpu.memory_space<vmem>>) offsets(%dma_start3A_82 : memref<128xi32, #tpu.memory_space<vmem>>) semaphore(%arg12 : memref<!tpu.dma_semaphore, #tpu.memory_space<semaphore_mem>>)
      } else {
      }
      %scan3A_50 = arith.constant 0 : i32
      %scan3A_51 = arith.constant 19 : i32
      %scan3A_52 = arith.addi %scan3A_50, %scan3A_51 : i32
      %scan3A_53 = arith.constant 1 : i32
      scf.for %scan3A_70 = %scan3A_50 to %scan3A_52 step %scan3A_53  : i32 {
        %mul3A_71 = arith.constant 2 : i32
        %mul3A_72 = arith.muli %scan3A_70, %mul3A_71 : i32
        %add3A_73 = arith.constant 0 : i32
        %add3A_74 = arith.addi %add3A_73, %mul3A_72 : i32
        %dma_wait3A_75 = arith.constant 0 : i32
        %dma_wait3A_76 = tpu.memref_slice %arg7[%add3A_74, %dma_wait3A_75] : memref<40x128xi32, #tpu.memory_space<vmem>> -> memref<1x128xi32, #tpu.memory_space<vmem>>
        %dma_wait3A_77 = tpu.memref_squeeze %dma_wait3A_76 : memref<1x128xi32, #tpu.memory_space<vmem>> -> memref<128xi32, #tpu.memory_space<vmem>>
        %dma_wait3A_78 = arith.constant 0 : i32
        %dma_wait3A_79 = arith.constant 0 : i32
        %dma_wait3A_80 = tpu.memref_slice %arg4[%dma_wait3A_78, %dma_wait3A_79] : memref<10000x128xf32, #tpu.memory_space<hbm>> -> memref<10000x128xf32, #tpu.memory_space<hbm>>
        tpu.wait_indirect_dma semaphore(%arg11 : memref<!tpu.dma_semaphore, #tpu.memory_space<semaphore_mem>>) src(%dma_wait3A_80 : memref<10000x128xf32, #tpu.memory_space<hbm>>) dst(%arg9 : memref<128x128xf32, #tpu.memory_space<vmem>>)
        "tpu.region"() ({
          %run_scoped3A_107 = tpu.sem_alloc : memref<!tpu.dma_semaphore, #tpu.memory_space<semaphore_mem>>
          %dma_start3A_108 = arith.constant 0 : i32
          %dma_start3A_109 = tpu.memref_slice %arg8[%add3A_74, %dma_start3A_108] : memref<40x128xi32, #tpu.memory_space<vmem>> -> memref<1x128xi32, #tpu.memory_space<vmem>>
          %dma_start3A_110 = tpu.memref_squeeze %dma_start3A_109 : memref<1x128xi32, #tpu.memory_space<vmem>> -> memref<128xi32, #tpu.memory_space<vmem>>
          %dma_start3A_111 = arith.constant 0 : i32
          %dma_start3A_112 = arith.constant 0 : i32
          %dma_start3A_113 = tpu.memref_slice %arg6[%dma_start3A_111, %dma_start3A_112] : memref<10240x128xf32, #tpu.memory_space<vmem_shared>> -> memref<10240x128xf32, #tpu.memory_space<vmem_shared>>
          tpu.enqueue_indirect_dma source(%arg9 : memref<128x128xf32, #tpu.memory_space<vmem>>) target(%dma_start3A_113 : memref<10240x128xf32, #tpu.memory_space<vmem_shared>>) offsets(%dma_start3A_110 : memref<128xi32, #tpu.memory_space<vmem>>) semaphore(%run_scoped3A_107 : memref<!tpu.dma_semaphore, #tpu.memory_space<semaphore_mem>>) {add = true}
          %dma_wait3A_114 = arith.constant 0 : i32
          %dma_wait3A_115 = tpu.memref_slice %arg8[%add3A_74, %dma_wait3A_114] : memref<40x128xi32, #tpu.memory_space<vmem>> -> memref<1x128xi32, #tpu.memory_space<vmem>>
          %dma_wait3A_116 = tpu.memref_squeeze %dma_wait3A_115 : memref<1x128xi32, #tpu.memory_space<vmem>> -> memref<128xi32, #tpu.memory_space<vmem>>
          %dma_wait3A_117 = arith.constant 0 : i32
          %dma_wait3A_118 = arith.constant 0 : i32
          %dma_wait3A_119 = tpu.memref_slice %arg6[%dma_wait3A_117, %dma_wait3A_118] : memref<10240x128xf32, #tpu.memory_space<vmem_shared>> -> memref<10240x128xf32, #tpu.memory_space<vmem_shared>>
          tpu.wait_indirect_dma semaphore(%run_scoped3A_107 : memref<!tpu.dma_semaphore, #tpu.memory_space<semaphore_mem>>) src(%arg9 : memref<128x128xf32, #tpu.memory_space<vmem>>) dst(%dma_wait3A_119 : memref<10240x128xf32, #tpu.memory_space<vmem_shared>>)
          tpu.yield
        }) : () -> ()
        %add3A_81 = arith.constant 2 : i32
        %add3A_82 = arith.addi %add3A_74, %add3A_81 : i32
        %dma_start3A_83 = arith.constant 0 : i32
        %dma_start3A_84 = tpu.memref_slice %arg7[%add3A_82, %dma_start3A_83] : memref<40x128xi32, #tpu.memory_space<vmem>> -> memref<1x128xi32, #tpu.memory_space<vmem>>
        %dma_start3A_85 = tpu.memref_squeeze %dma_start3A_84 : memref<1x128xi32, #tpu.memory_space<vmem>> -> memref<128xi32, #tpu.memory_space<vmem>>
        %dma_start3A_86 = arith.constant 0 : i32
        %dma_start3A_87 = arith.constant 0 : i32
        %dma_start3A_88 = tpu.memref_slice %arg4[%dma_start3A_86, %dma_start3A_87] : memref<10000x128xf32, #tpu.memory_space<hbm>> -> memref<10000x128xf32, #tpu.memory_space<hbm>>
        tpu.enqueue_indirect_dma source(%dma_start3A_88 : memref<10000x128xf32, #tpu.memory_space<hbm>>) target(%arg9 : memref<128x128xf32, #tpu.memory_space<vmem>>) offsets(%dma_start3A_85 : memref<128xi32, #tpu.memory_space<vmem>>) semaphore(%arg11 : memref<!tpu.dma_semaphore, #tpu.memory_space<semaphore_mem>>)
        %add3A_89 = arith.constant 1 : i32
        %add3A_90 = arith.addi %add3A_74, %add3A_89 : i32
        %dma_wait3A_91 = arith.constant 0 : i32
        %dma_wait3A_92 = tpu.memref_slice %arg7[%add3A_90, %dma_wait3A_91] : memref<40x128xi32, #tpu.memory_space<vmem>> -> memref<1x128xi32, #tpu.memory_space<vmem>>
        %dma_wait3A_93 = tpu.memref_squeeze %dma_wait3A_92 : memref<1x128xi32, #tpu.memory_space<vmem>> -> memref<128xi32, #tpu.memory_space<vmem>>
        %dma_wait3A_94 = arith.constant 0 : i32
        %dma_wait3A_95 = arith.constant 0 : i32
        %dma_wait3A_96 = tpu.memref_slice %arg4[%dma_wait3A_94, %dma_wait3A_95] : memref<10000x128xf32, #tpu.memory_space<hbm>> -> memref<10000x128xf32, #tpu.memory_space<hbm>>
        tpu.wait_indirect_dma semaphore(%arg12 : memref<!tpu.dma_semaphore, #tpu.memory_space<semaphore_mem>>) src(%dma_wait3A_96 : memref<10000x128xf32, #tpu.memory_space<hbm>>) dst(%arg10 : memref<128x128xf32, #tpu.memory_space<vmem>>)
        %add3A_97 = arith.constant 1 : i32
        %add3A_98 = arith.addi %add3A_74, %add3A_97 : i32
        "tpu.region"() ({
          %run_scoped3A_107 = tpu.sem_alloc : memref<!tpu.dma_semaphore, #tpu.memory_space<semaphore_mem>>
          %dma_start3A_108 = arith.constant 0 : i32
          %dma_start3A_109 = tpu.memref_slice %arg8[%add3A_98, %dma_start3A_108] : memref<40x128xi32, #tpu.memory_space<vmem>> -> memref<1x128xi32, #tpu.memory_space<vmem>>
          %dma_start3A_110 = tpu.memref_squeeze %dma_start3A_109 : memref<1x128xi32, #tpu.memory_space<vmem>> -> memref<128xi32, #tpu.memory_space<vmem>>
          %dma_start3A_111 = arith.constant 0 : i32
          %dma_start3A_112 = arith.constant 0 : i32
          %dma_start3A_113 = tpu.memref_slice %arg6[%dma_start3A_111, %dma_start3A_112] : memref<10240x128xf32, #tpu.memory_space<vmem_shared>> -> memref<10240x128xf32, #tpu.memory_space<vmem_shared>>
          tpu.enqueue_indirect_dma source(%arg10 : memref<128x128xf32, #tpu.memory_space<vmem>>) target(%dma_start3A_113 : memref<10240x128xf32, #tpu.memory_space<vmem_shared>>) offsets(%dma_start3A_110 : memref<128xi32, #tpu.memory_space<vmem>>) semaphore(%run_scoped3A_107 : memref<!tpu.dma_semaphore, #tpu.memory_space<semaphore_mem>>) {add = true}
          %dma_wait3A_114 = arith.constant 0 : i32
          %dma_wait3A_115 = tpu.memref_slice %arg8[%add3A_98, %dma_wait3A_114] : memref<40x128xi32, #tpu.memory_space<vmem>> -> memref<1x128xi32, #tpu.memory_space<vmem>>
          %dma_wait3A_116 = tpu.memref_squeeze %dma_wait3A_115 : memref<1x128xi32, #tpu.memory_space<vmem>> -> memref<128xi32, #tpu.memory_space<vmem>>
          %dma_wait3A_117 = arith.constant 0 : i32
          %dma_wait3A_118 = arith.constant 0 : i32
          %dma_wait3A_119 = tpu.memref_slice %arg6[%dma_wait3A_117, %dma_wait3A_118] : memref<10240x128xf32, #tpu.memory_space<vmem_shared>> -> memref<10240x128xf32, #tpu.memory_space<vmem_shared>>
          tpu.wait_indirect_dma semaphore(%run_scoped3A_107 : memref<!tpu.dma_semaphore, #tpu.memory_space<semaphore_mem>>) src(%arg10 : memref<128x128xf32, #tpu.memory_space<vmem>>) dst(%dma_wait3A_119 : memref<10240x128xf32, #tpu.memory_space<vmem_shared>>)
          tpu.yield
        }) : () -> ()
        %add3A_99 = arith.constant 3 : i32
        %add3A_100 = arith.addi %add3A_74, %add3A_99 : i32
        %dma_start3A_101 = arith.constant 0 : i32
        %dma_start3A_102 = tpu.memref_slice %arg7[%add3A_100, %dma_start3A_101] : memref<40x128xi32, #tpu.memory_space<vmem>> -> memref<1x128xi32, #tpu.memory_space<vmem>>
        %dma_start3A_103 = tpu.memref_squeeze %dma_start3A_102 : memref<1x128xi32, #tpu.memory_space<vmem>> -> memref<128xi32, #tpu.memory_space<vmem>>
        %dma_start3A_104 = arith.constant 0 : i32
        %dma_start3A_105 = arith.constant 0 : i32
        %dma_start3A_106 = tpu.memref_slice %arg4[%dma_start3A_104, %dma_start3A_105] : memref<10000x128xf32, #tpu.memory_space<hbm>> -> memref<10000x128xf32, #tpu.memory_space<hbm>>
        tpu.enqueue_indirect_dma source(%dma_start3A_106 : memref<10000x128xf32, #tpu.memory_space<hbm>>) target(%arg10 : memref<128x128xf32, #tpu.memory_space<vmem>>) offsets(%dma_start3A_103 : memref<128xi32, #tpu.memory_space<vmem>>) semaphore(%arg12 : memref<!tpu.dma_semaphore, #tpu.memory_space<semaphore_mem>>)
      }
      %scan3A_54 = arith.constant 19 : i32
      %dma_wait3A = arith.constant 38 : i32
      %dma_wait3A_55 = arith.constant 0 : i32
      %dma_wait3A_56 = tpu.memref_slice %arg7[%dma_wait3A, %dma_wait3A_55] : memref<40x128xi32, #tpu.memory_space<vmem>> -> memref<1x128xi32, #tpu.memory_space<vmem>>
      %dma_wait3A_57 = tpu.memref_squeeze %dma_wait3A_56 : memref<1x128xi32, #tpu.memory_space<vmem>> -> memref<128xi32, #tpu.memory_space<vmem>>
      %dma_wait3A_58 = arith.constant 0 : i32
      %dma_wait3A_59 = arith.constant 0 : i32
      %dma_wait3A_60 = tpu.memref_slice %arg4[%dma_wait3A_58, %dma_wait3A_59] : memref<10000x128xf32, #tpu.memory_space<hbm>> -> memref<10000x128xf32, #tpu.memory_space<hbm>>
      tpu.wait_indirect_dma semaphore(%arg11 : memref<!tpu.dma_semaphore, #tpu.memory_space<semaphore_mem>>) src(%dma_wait3A_60 : memref<10000x128xf32, #tpu.memory_space<hbm>>) dst(%arg9 : memref<128x128xf32, #tpu.memory_space<vmem>>)
      %run_scoped3A_61 = arith.constant 38 : i32
      "tpu.region"() ({
        %run_scoped3A_70 = tpu.sem_alloc : memref<!tpu.dma_semaphore, #tpu.memory_space<semaphore_mem>>
        %dma_start3A_71 = arith.constant 0 : i32
        %dma_start3A_72 = tpu.memref_slice %arg8[%run_scoped3A_61, %dma_start3A_71] : memref<40x128xi32, #tpu.memory_space<vmem>> -> memref<1x128xi32, #tpu.memory_space<vmem>>
        %dma_start3A_73 = tpu.memref_squeeze %dma_start3A_72 : memref<1x128xi32, #tpu.memory_space<vmem>> -> memref<128xi32, #tpu.memory_space<vmem>>
        %dma_start3A_74 = arith.constant 0 : i32
        %dma_start3A_75 = arith.constant 0 : i32
        %dma_start3A_76 = tpu.memref_slice %arg6[%dma_start3A_74, %dma_start3A_75] : memref<10240x128xf32, #tpu.memory_space<vmem_shared>> -> memref<10240x128xf32, #tpu.memory_space<vmem_shared>>
        tpu.enqueue_indirect_dma source(%arg9 : memref<128x128xf32, #tpu.memory_space<vmem>>) target(%dma_start3A_76 : memref<10240x128xf32, #tpu.memory_space<vmem_shared>>) offsets(%dma_start3A_73 : memref<128xi32, #tpu.memory_space<vmem>>) semaphore(%run_scoped3A_70 : memref<!tpu.dma_semaphore, #tpu.memory_space<semaphore_mem>>) {add = true}
        %dma_wait3A_77 = arith.constant 0 : i32
        %dma_wait3A_78 = tpu.memref_slice %arg8[%run_scoped3A_61, %dma_wait3A_77] : memref<40x128xi32, #tpu.memory_space<vmem>> -> memref<1x128xi32, #tpu.memory_space<vmem>>
        %dma_wait3A_79 = tpu.memref_squeeze %dma_wait3A_78 : memref<1x128xi32, #tpu.memory_space<vmem>> -> memref<128xi32, #tpu.memory_space<vmem>>
        %dma_wait3A_80 = arith.constant 0 : i32
        %dma_wait3A_81 = arith.constant 0 : i32
        %dma_wait3A_82 = tpu.memref_slice %arg6[%dma_wait3A_80, %dma_wait3A_81] : memref<10240x128xf32, #tpu.memory_space<vmem_shared>> -> memref<10240x128xf32, #tpu.memory_space<vmem_shared>>
        tpu.wait_indirect_dma semaphore(%run_scoped3A_70 : memref<!tpu.dma_semaphore, #tpu.memory_space<semaphore_mem>>) src(%arg9 : memref<128x128xf32, #tpu.memory_space<vmem>>) dst(%dma_wait3A_82 : memref<10240x128xf32, #tpu.memory_space<vmem_shared>>)
        tpu.yield
      }) : () -> ()
      %dma_wait3A_62 = arith.constant 39 : i32
      %dma_wait3A_63 = arith.constant 0 : i32
      %dma_wait3A_64 = tpu.memref_slice %arg7[%dma_wait3A_62, %dma_wait3A_63] : memref<40x128xi32, #tpu.memory_space<vmem>> -> memref<1x128xi32, #tpu.memory_space<vmem>>
      %dma_wait3A_65 = tpu.memref_squeeze %dma_wait3A_64 : memref<1x128xi32, #tpu.memory_space<vmem>> -> memref<128xi32, #tpu.memory_space<vmem>>
      %dma_wait3A_66 = arith.constant 0 : i32
      %dma_wait3A_67 = arith.constant 0 : i32
      %dma_wait3A_68 = tpu.memref_slice %arg4[%dma_wait3A_66, %dma_wait3A_67] : memref<10000x128xf32, #tpu.memory_space<hbm>> -> memref<10000x128xf32, #tpu.memory_space<hbm>>
      tpu.wait_indirect_dma semaphore(%arg12 : memref<!tpu.dma_semaphore, #tpu.memory_space<semaphore_mem>>) src(%dma_wait3A_68 : memref<10000x128xf32, #tpu.memory_space<hbm>>) dst(%arg10 : memref<128x128xf32, #tpu.memory_space<vmem>>)
      %run_scoped3A_69 = arith.constant 39 : i32
      "tpu.region"() ({
        %run_scoped3A_70 = tpu.sem_alloc : memref<!tpu.dma_semaphore, #tpu.memory_space<semaphore_mem>>
        %dma_start3A_71 = arith.constant 0 : i32
        %dma_start3A_72 = tpu.memref_slice %arg8[%run_scoped3A_69, %dma_start3A_71] : memref<40x128xi32, #tpu.memory_space<vmem>> -> memref<1x128xi32, #tpu.memory_space<vmem>>
        %dma_start3A_73 = tpu.memref_squeeze %dma_start3A_72 : memref<1x128xi32, #tpu.memory_space<vmem>> -> memref<128xi32, #tpu.memory_space<vmem>>
        %dma_start3A_74 = arith.constant 0 : i32
        %dma_start3A_75 = arith.constant 0 : i32
        %dma_start3A_76 = tpu.memref_slice %arg6[%dma_start3A_74, %dma_start3A_75] : memref<10240x128xf32, #tpu.memory_space<vmem_shared>> -> memref<10240x128xf32, #tpu.memory_space<vmem_shared>>
        tpu.enqueue_indirect_dma source(%arg10 : memref<128x128xf32, #tpu.memory_space<vmem>>) target(%dma_start3A_76 : memref<10240x128xf32, #tpu.memory_space<vmem_shared>>) offsets(%dma_start3A_73 : memref<128xi32, #tpu.memory_space<vmem>>) semaphore(%run_scoped3A_70 : memref<!tpu.dma_semaphore, #tpu.memory_space<semaphore_mem>>) {add = true}
        %dma_wait3A_77 = arith.constant 0 : i32
        %dma_wait3A_78 = tpu.memref_slice %arg8[%run_scoped3A_69, %dma_wait3A_77] : memref<40x128xi32, #tpu.memory_space<vmem>> -> memref<1x128xi32, #tpu.memory_space<vmem>>
        %dma_wait3A_79 = tpu.memref_squeeze %dma_wait3A_78 : memref<1x128xi32, #tpu.memory_space<vmem>> -> memref<128xi32, #tpu.memory_space<vmem>>
        %dma_wait3A_80 = arith.constant 0 : i32
        %dma_wait3A_81 = arith.constant 0 : i32
        %dma_wait3A_82 = tpu.memref_slice %arg6[%dma_wait3A_80, %dma_wait3A_81] : memref<10240x128xf32, #tpu.memory_space<vmem_shared>> -> memref<10240x128xf32, #tpu.memory_space<vmem_shared>>
        tpu.wait_indirect_dma semaphore(%run_scoped3A_70 : memref<!tpu.dma_semaphore, #tpu.memory_space<semaphore_mem>>) src(%arg10 : memref<128x128xf32, #tpu.memory_space<vmem>>) dst(%dma_wait3A_82 : memref<10240x128xf32, #tpu.memory_space<vmem_shared>>)
        tpu.yield
      }) : () -> ()
    }
    %scan3A_32 = arith.constant 2 : i32
    %barrier3A_33 = arith.constant 0 : index
    tpu.barrier barrier_id(%barrier3A_33)
    %mul3A_34 = arith.constant 640 : i32
    %mul3A_35 = arith.muli %arg1, %mul3A_34 : i32
    %mul3A_36 = arith.constant 640 : i32
    %mul3A_37 = arith.muli %arg1, %mul3A_36 : i32
    "tpu.region"() ({
      %run_scoped3A_38 = tpu.sem_alloc : memref<!tpu.dma_semaphore, #tpu.memory_space<semaphore_mem>>
      %dma_start3A_39 = arith.constant 0 : i32
      %dma_start3A_40 = tpu.memref_slice %arg5[%arg0, %mul3A_37, %dma_start3A_39] : memref<2x10240x128xf32, #tpu.memory_space<hbm>> -> memref<1x640x128xf32, #tpu.memory_space<hbm>>
      %dma_start3A_41 = tpu.memref_squeeze %dma_start3A_40 : memref<1x640x128xf32, #tpu.memory_space<hbm>> -> memref<640x128xf32, #tpu.memory_space<hbm>>
      %dma_start3A_42 = arith.constant 0 : i32
      %dma_start3A_43 = tpu.memref_slice %arg6[%mul3A_35, %dma_start3A_42] : memref<10240x128xf32, #tpu.memory_space<vmem_shared>> -> memref<640x128xf32, #tpu.memory_space<vmem_shared>>
      tpu.enqueue_dma source(%dma_start3A_43 : memref<640x128xf32, #tpu.memory_space<vmem_shared>>) target(%dma_start3A_41 : memref<640x128xf32, #tpu.memory_space<hbm>>) target_semaphore(%run_scoped3A_38 : memref<!tpu.dma_semaphore, #tpu.memory_space<semaphore_mem>>)
      %dma_wait3A = arith.constant 0 : i32
      %dma_wait3A_44 = tpu.memref_slice %arg5[%arg0, %mul3A_37, %dma_wait3A] : memref<2x10240x128xf32, #tpu.memory_space<hbm>> -> memref<1x640x128xf32, #tpu.memory_space<hbm>>
      %dma_wait3A_45 = tpu.memref_squeeze %dma_wait3A_44 : memref<1x640x128xf32, #tpu.memory_space<hbm>> -> memref<640x128xf32, #tpu.memory_space<hbm>>
      %dma_wait3A_46 = arith.constant 0 : i32
      %dma_wait3A_47 = tpu.memref_slice %arg6[%mul3A_35, %dma_wait3A_46] : memref<10240x128xf32, #tpu.memory_space<vmem_shared>> -> memref<640x128xf32, #tpu.memory_space<vmem_shared>>
      tpu.wait_dma2 semaphore(%run_scoped3A_38 : memref<!tpu.dma_semaphore, #tpu.memory_space<semaphore_mem>>) src(%dma_wait3A_47 : memref<640x128xf32, #tpu.memory_space<vmem_shared>>) dst(%dma_wait3A_45 : memref<640x128xf32, #tpu.memory_space<hbm>>)
      tpu.yield
    }) : () -> ()
    return
  }
}

#map = affine_map<(d0, d1) -> (0, 0, 0)>
#map1 = affine_map<(d0, d1) -> (0, 0)>
module attributes {stable_mosaic.version = 14 : i64} {
  func.func @_deg_kernel(%arg0: i32, %arg1: i32, %arg2: memref<2x2560x128xi32, #tpu.memory_space<hbm>>, %arg3: memref<32x10240xf32, #tpu.memory_space<hbm>>, %arg4: memref<10240xf32, #tpu.memory_space<vmem>>, %arg5: memref<80x128xi32, #tpu.memory_space<vmem>>) attributes {dimension_semantics = [#tpu.dimension_semantics<core_parallel>, #tpu.dimension_semantics<subcore_parallel>], iteration_bounds = array<i64: 2, 16>, scalar_prefetch = 0 : i64, scratch_operands = 2 : i64, tpu.core_type = #tpu.core_type<sc_vector_subcore>, window_params = [{transform_indices = #map}, {transform_indices = #map1}]} {
    %mul3A = arith.constant 16 : i32
    %mul3A_0 = arith.muli %arg0, %mul3A : i32
    %add3A = arith.addi %mul3A_0, %arg1 : i32
    %scan3A = arith.constant 0 : i32
    %scan3A_1 = arith.constant 640 : i32
    %scan3A_2 = arith.addi %scan3A, %scan3A_1 : i32
    %scan3A_3 = arith.constant 1 : i32
    scf.for %scan3A_13 = %scan3A to %scan3A_2 step %scan3A_3  : i32 {
      %mul3A_14 = arith.constant 16 : i32
      %mul3A_15 = arith.muli %scan3A_13, %mul3A_14 : i32
      %add3A_16 = arith.constant 0 : i32
      %add3A_17 = arith.addi %add3A_16, %mul3A_15 : i32
      %broadcast_in_dim3A_18 = arith.constant 0.000000e+00 : f32
      %broadcast_in_dim3A_19 = vector.broadcast %broadcast_in_dim3A_18 : f32 to vector<16xf32>
      %swap3A = arith.index_cast %add3A_17 : i32 to index
      %swap3A_20 = tpu.vector_load %arg4[%swap3A] {strides = array<i32>} : memref<10240xf32, #tpu.memory_space<vmem>>, vector<16xf32>,
      tpu.vector_store %arg4[%swap3A], %broadcast_in_dim3A_19 {strides = array<i32>} : memref<10240xf32, #tpu.memory_space<vmem>>, vector<16xf32>,
    }
    %scan3A_4 = arith.constant 640 : i32
    %mul3A_5 = arith.constant 80 : i32
    %mul3A_6 = arith.muli %add3A, %mul3A_5 : i32
    %run_scoped3A = arith.constant 1 : i32
    "tpu.region"() ({
      %run_scoped3A_13 = tpu.sem_alloc : memref<!tpu.dma_semaphore, #tpu.memory_space<semaphore_mem>>
      %dma_start3A = arith.constant 0 : i32
      %dma_start3A_14 = tpu.memref_slice %arg2[%run_scoped3A, %mul3A_6, %dma_start3A] : memref<2x2560x128xi32, #tpu.memory_space<hbm>> -> memref<1x80x128xi32, #tpu.memory_space<hbm>>
      %dma_start3A_15 = tpu.memref_squeeze %dma_start3A_14 : memref<1x80x128xi32, #tpu.memory_space<hbm>> -> memref<80x128xi32, #tpu.memory_space<hbm>>
      %dma_start3A_16 = arith.constant 0 : i32
      %dma_start3A_17 = tpu.memref_slice %arg2[%run_scoped3A, %mul3A_6, %dma_start3A_16] : memref<2x2560x128xi32, #tpu.memory_space<hbm>> -> memref<1x80x128xi32, #tpu.memory_space<hbm>>
      %dma_start3A_18 = tpu.memref_squeeze %dma_start3A_17 : memref<1x80x128xi32, #tpu.memory_space<hbm>> -> memref<80x128xi32, #tpu.memory_space<hbm>>
      tpu.enqueue_dma source(%dma_start3A_18 : memref<80x128xi32, #tpu.memory_space<hbm>>) target(%arg5 : memref<80x128xi32, #tpu.memory_space<vmem>>) target_semaphore(%run_scoped3A_13 : memref<!tpu.dma_semaphore, #tpu.memory_space<semaphore_mem>>)
      %dma_wait3A = arith.constant 0 : i32
      %dma_wait3A_19 = tpu.memref_slice %arg2[%run_scoped3A, %mul3A_6, %dma_wait3A] : memref<2x2560x128xi32, #tpu.memory_space<hbm>> -> memref<1x80x128xi32, #tpu.memory_space<hbm>>
      %dma_wait3A_20 = tpu.memref_squeeze %dma_wait3A_19 : memref<1x80x128xi32, #tpu.memory_space<hbm>> -> memref<80x128xi32, #tpu.memory_space<hbm>>
      %dma_wait3A_21 = arith.constant 0 : i32
      %dma_wait3A_22 = tpu.memref_slice %arg2[%run_scoped3A, %mul3A_6, %dma_wait3A_21] : memref<2x2560x128xi32, #tpu.memory_space<hbm>> -> memref<1x80x128xi32, #tpu.memory_space<hbm>>
      %dma_wait3A_23 = tpu.memref_squeeze %dma_wait3A_22 : memref<1x80x128xi32, #tpu.memory_space<hbm>> -> memref<80x128xi32, #tpu.memory_space<hbm>>
      tpu.wait_dma2 semaphore(%run_scoped3A_13 : memref<!tpu.dma_semaphore, #tpu.memory_space<semaphore_mem>>) src(%dma_wait3A_23 : memref<80x128xi32, #tpu.memory_space<hbm>>) dst(%arg5 : memref<80x128xi32, #tpu.memory_space<vmem>>)
      tpu.yield
    }) : () -> ()
    %broadcast_in_dim3A = arith.constant 1.000000e+00 : f32
    %broadcast_in_dim3A_7 = vector.broadcast %broadcast_in_dim3A : f32 to vector<16xf32>
    %scan3A_8 = arith.constant 0 : i32
    %scan3A_9 = arith.constant 80 : i32
    %scan3A_10 = arith.addi %scan3A_8, %scan3A_9 : i32
    %scan3A_11 = arith.constant 1 : i32
    scf.for %scan3A_13 = %scan3A_8 to %scan3A_10 step %scan3A_11  : i32 {
      %mul3A_14 = arith.constant 1 : i32
      %mul3A_15 = arith.muli %scan3A_13, %mul3A_14 : i32
      %add3A_16 = arith.constant 0 : i32
      %add3A_17 = arith.addi %add3A_16, %mul3A_15 : i32
      %scan3A_18 = arith.constant 0 : i32
      %scan3A_19 = arith.constant 8 : i32
      %scan3A_20 = arith.addi %scan3A_18, %scan3A_19 : i32
      %scan3A_21 = arith.constant 1 : i32
      scf.for %scan3A_23 = %scan3A_18 to %scan3A_20 step %scan3A_21  : i32 {
        %mul3A_24 = arith.constant 16 : i32
        %mul3A_25 = arith.muli %scan3A_23, %mul3A_24 : i32
        %add3A_26 = arith.constant 0 : i32
        %add3A_27 = arith.addi %add3A_26, %mul3A_25 : i32
        %get3A = arith.index_cast %add3A_17 : i32 to index
        %get3A_28 = arith.index_cast %add3A_27 : i32 to index
        %get3A_29 = tpu.vector_load %arg5[%get3A, %get3A_28] {strides = array<i32>} : memref<80x128xi32, #tpu.memory_space<vmem>>, vector<16xi32>,
        tpu.vector_store_idx %arg4[%get3A_29], %broadcast_in_dim3A_7 {add = true} : memref<10240xf32, #tpu.memory_space<vmem>>[vector<16xi32>], vector<16xf32>,
      }
      %scan3A_22 = arith.constant 8 : i32
    }
    %scan3A_12 = arith.constant 80 : i32
    "tpu.region"() ({
      %run_scoped3A_13 = tpu.sem_alloc : memref<!tpu.dma_semaphore, #tpu.memory_space<semaphore_mem>>
      %dma_start3A = arith.constant 0 : i32
      %dma_start3A_14 = tpu.memref_slice %arg3[%add3A, %dma_start3A] : memref<32x10240xf32, #tpu.memory_space<hbm>> -> memref<1x10240xf32, #tpu.memory_space<hbm>>
      %dma_start3A_15 = tpu.memref_squeeze %dma_start3A_14 : memref<1x10240xf32, #tpu.memory_space<hbm>> -> memref<10240xf32, #tpu.memory_space<hbm>>
      %dma_start3A_16 = arith.constant 0 : i32
      %dma_start3A_17 = tpu.memref_slice %arg3[%add3A, %dma_start3A_16] : memref<32x10240xf32, #tpu.memory_space<hbm>> -> memref<1x10240xf32, #tpu.memory_space<hbm>>
      %dma_start3A_18 = tpu.memref_squeeze %dma_start3A_17 : memref<1x10240xf32, #tpu.memory_space<hbm>> -> memref<10240xf32, #tpu.memory_space<hbm>>
      tpu.enqueue_dma source(%arg4 : memref<10240xf32, #tpu.memory_space<vmem>>) target(%dma_start3A_18 : memref<10240xf32, #tpu.memory_space<hbm>>) target_semaphore(%run_scoped3A_13 : memref<!tpu.dma_semaphore, #tpu.memory_space<semaphore_mem>>)
      %dma_wait3A = arith.constant 0 : i32
      %dma_wait3A_19 = tpu.memref_slice %arg3[%add3A, %dma_wait3A] : memref<32x10240xf32, #tpu.memory_space<hbm>> -> memref<1x10240xf32, #tpu.memory_space<hbm>>
      %dma_wait3A_20 = tpu.memref_squeeze %dma_wait3A_19 : memref<1x10240xf32, #tpu.memory_space<hbm>> -> memref<10240xf32, #tpu.memory_space<hbm>>
      %dma_wait3A_21 = arith.constant 0 : i32
      %dma_wait3A_22 = tpu.memref_slice %arg3[%add3A, %dma_wait3A_21] : memref<32x10240xf32, #tpu.memory_space<hbm>> -> memref<1x10240xf32, #tpu.memory_space<hbm>>
      %dma_wait3A_23 = tpu.memref_squeeze %dma_wait3A_22 : memref<1x10240xf32, #tpu.memory_space<hbm>> -> memref<10240xf32, #tpu.memory_space<hbm>>
      tpu.wait_dma2 semaphore(%run_scoped3A_13 : memref<!tpu.dma_semaphore, #tpu.memory_space<semaphore_mem>>) src(%arg4 : memref<10240xf32, #tpu.memory_space<vmem>>) dst(%dma_wait3A_23 : memref<10240xf32, #tpu.memory_space<hbm>>)
      tpu.yield
    }) : () -> ()
    return
  }
}

#map = affine_map<(d0, d1) -> (0, 0, 0)>
#map1 = affine_map<(d0, d1) -> (0, 0)>
module attributes {stable_mosaic.version = 14 : i64} {
  func.func @agg_kernel(%arg0: i32, %arg1: i32, %arg2: memref<2x2560x128xi32, #tpu.memory_space<hbm>>, %arg3: memref<128x128xf32, #tpu.memory_space<hbm>>, %arg4: memref<10000x128xf32, #tpu.memory_space<hbm>>, %arg5: memref<2x10240x128xf32, #tpu.memory_space<hbm>>, %arg6: memref<10240x128xf32, #tpu.memory_space<vmem_shared>>, %arg7: memref<40x128xi32, #tpu.memory_space<vmem>>, %arg8: memref<40x128xi32, #tpu.memory_space<vmem>>, %arg9: memref<128x128xf32, #tpu.memory_space<vmem>>, %arg10: memref<128x128xf32, #tpu.memory_space<vmem>>, %arg11: memref<!tpu.dma_semaphore, #tpu.memory_space<semaphore_mem>>, %arg12: memref<!tpu.dma_semaphore, #tpu.memory_space<semaphore_mem>>, %arg13: memref<!tpu.dma_semaphore, #tpu.memory_space<semaphore_mem>>) attributes {dimension_semantics = [#tpu.dimension_semantics<core_parallel>, #tpu.dimension_semantics<subcore_parallel>], iteration_bounds = array<i64: 2, 16>, scalar_prefetch = 0 : i64, scratch_operands = 8 : i64, tpu.core_type = #tpu.core_type<sc_vector_subcore>, window_params = [{transform_indices = #map}, {transform_indices = #map1}, {transform_indices = #map1}, {transform_indices = #map}]} {
    %mul3A = arith.constant 16 : i32
    %mul3A_0 = arith.muli %arg0, %mul3A : i32
    %add3A = arith.addi %mul3A_0, %arg1 : i32
    %scan3A = arith.constant 0 : i32
    %scan3A_1 = arith.constant 5 : i32
    %scan3A_2 = arith.addi %scan3A, %scan3A_1 : i32
    %scan3A_3 = arith.constant 1 : i32
    scf.for %scan3A_38 = %scan3A to %scan3A_2 step %scan3A_3  : i32 {
      %mul3A_39 = arith.constant 128 : i32
      %mul3A_40 = arith.muli %scan3A_38, %mul3A_39 : i32
      %add3A_41 = arith.constant 0 : i32
      %add3A_42 = arith.addi %add3A_41, %mul3A_40 : i32
      %mul3A_43 = arith.constant 640 : i32
      %mul3A_44 = arith.muli %arg1, %mul3A_43 : i32
      %add3A_45 = arith.addi %mul3A_44, %add3A_42 : i32
      %dma_start3A_46 = arith.constant 0 : i32
      %dma_start3A_47 = tpu.memref_slice %arg6[%add3A_45, %dma_start3A_46] : memref<10240x128xf32, #tpu.memory_space<vmem_shared>> -> memref<128x128xf32, #tpu.memory_space<vmem_shared>>
      tpu.enqueue_dma source(%arg3 : memref<128x128xf32, #tpu.memory_space<hbm>>) target(%dma_start3A_47 : memref<128x128xf32, #tpu.memory_space<vmem_shared>>) target_semaphore(%arg13 : memref<!tpu.dma_semaphore, #tpu.memory_space<semaphore_mem>>)
    }
    %scan3A_4 = arith.constant 5 : i32
    %mul3A_5 = arith.constant 80 : i32
    %mul3A_6 = arith.muli %add3A, %mul3A_5 : i32
    %run_scoped3A = arith.constant 0 : i32
    "tpu.region"() ({
      %run_scoped3A_38 = tpu.sem_alloc : memref<!tpu.dma_semaphore, #tpu.memory_space<semaphore_mem>>
      %dma_start3A_39 = arith.constant 0 : i32
      %dma_start3A_40 = tpu.memref_slice %arg2[%run_scoped3A, %mul3A_6, %dma_start3A_39] : memref<2x2560x128xi32, #tpu.memory_space<hbm>> -> memref<1x40x128xi32, #tpu.memory_space<hbm>>
      %dma_start3A_41 = tpu.memref_squeeze %dma_start3A_40 : memref<1x40x128xi32, #tpu.memory_space<hbm>> -> memref<40x128xi32, #tpu.memory_space<hbm>>
      %dma_start3A_42 = arith.constant 0 : i32
      %dma_start3A_43 = tpu.memref_slice %arg2[%run_scoped3A, %mul3A_6, %dma_start3A_42] : memref<2x2560x128xi32, #tpu.memory_space<hbm>> -> memref<1x40x128xi32, #tpu.memory_space<hbm>>
      %dma_start3A_44 = tpu.memref_squeeze %dma_start3A_43 : memref<1x40x128xi32, #tpu.memory_space<hbm>> -> memref<40x128xi32, #tpu.memory_space<hbm>>
      tpu.enqueue_dma source(%dma_start3A_44 : memref<40x128xi32, #tpu.memory_space<hbm>>) target(%arg7 : memref<40x128xi32, #tpu.memory_space<vmem>>) target_semaphore(%run_scoped3A_38 : memref<!tpu.dma_semaphore, #tpu.memory_space<semaphore_mem>>)
      %dma_wait3A = arith.constant 0 : i32
      %dma_wait3A_45 = tpu.memref_slice %arg2[%run_scoped3A, %mul3A_6, %dma_wait3A] : memref<2x2560x128xi32, #tpu.memory_space<hbm>> -> memref<1x40x128xi32, #tpu.memory_space<hbm>>
      %dma_wait3A_46 = tpu.memref_squeeze %dma_wait3A_45 : memref<1x40x128xi32, #tpu.memory_space<hbm>> -> memref<40x128xi32, #tpu.memory_space<hbm>>
      %dma_wait3A_47 = arith.constant 0 : i32
      %dma_wait3A_48 = tpu.memref_slice %arg2[%run_scoped3A, %mul3A_6, %dma_wait3A_47] : memref<2x2560x128xi32, #tpu.memory_space<hbm>> -> memref<1x40x128xi32, #tpu.memory_space<hbm>>
      %dma_wait3A_49 = tpu.memref_squeeze %dma_wait3A_48 : memref<1x40x128xi32, #tpu.memory_space<hbm>> -> memref<40x128xi32, #tpu.memory_space<hbm>>
      tpu.wait_dma2 semaphore(%run_scoped3A_38 : memref<!tpu.dma_semaphore, #tpu.memory_space<semaphore_mem>>) src(%dma_wait3A_49 : memref<40x128xi32, #tpu.memory_space<hbm>>) dst(%arg7 : memref<40x128xi32, #tpu.memory_space<vmem>>)
      tpu.yield
    }) : () -> ()
    %mul3A_7 = arith.constant 80 : i32
    %mul3A_8 = arith.muli %add3A, %mul3A_7 : i32
    %run_scoped3A_9 = arith.constant 1 : i32
    "tpu.region"() ({
      %run_scoped3A_38 = tpu.sem_alloc : memref<!tpu.dma_semaphore, #tpu.memory_space<semaphore_mem>>
      %dma_start3A_39 = arith.constant 0 : i32
      %dma_start3A_40 = tpu.memref_slice %arg2[%run_scoped3A_9, %mul3A_8, %dma_start3A_39] : memref<2x2560x128xi32, #tpu.memory_space<hbm>> -> memref<1x40x128xi32, #tpu.memory_space<hbm>>
      %dma_start3A_41 = tpu.memref_squeeze %dma_start3A_40 : memref<1x40x128xi32, #tpu.memory_space<hbm>> -> memref<40x128xi32, #tpu.memory_space<hbm>>
      %dma_start3A_42 = arith.constant 0 : i32
      %dma_start3A_43 = tpu.memref_slice %arg2[%run_scoped3A_9, %mul3A_8, %dma_start3A_42] : memref<2x2560x128xi32, #tpu.memory_space<hbm>> -> memref<1x40x128xi32, #tpu.memory_space<hbm>>
      %dma_start3A_44 = tpu.memref_squeeze %dma_start3A_43 : memref<1x40x128xi32, #tpu.memory_space<hbm>> -> memref<40x128xi32, #tpu.memory_space<hbm>>
      tpu.enqueue_dma source(%dma_start3A_44 : memref<40x128xi32, #tpu.memory_space<hbm>>) target(%arg8 : memref<40x128xi32, #tpu.memory_space<vmem>>) target_semaphore(%run_scoped3A_38 : memref<!tpu.dma_semaphore, #tpu.memory_space<semaphore_mem>>)
      %dma_wait3A = arith.constant 0 : i32
      %dma_wait3A_45 = tpu.memref_slice %arg2[%run_scoped3A_9, %mul3A_8, %dma_wait3A] : memref<2x2560x128xi32, #tpu.memory_space<hbm>> -> memref<1x40x128xi32, #tpu.memory_space<hbm>>
      %dma_wait3A_46 = tpu.memref_squeeze %dma_wait3A_45 : memref<1x40x128xi32, #tpu.memory_space<hbm>> -> memref<40x128xi32, #tpu.memory_space<hbm>>
      %dma_wait3A_47 = arith.constant 0 : i32
      %dma_wait3A_48 = tpu.memref_slice %arg2[%run_scoped3A_9, %mul3A_8, %dma_wait3A_47] : memref<2x2560x128xi32, #tpu.memory_space<hbm>> -> memref<1x40x128xi32, #tpu.memory_space<hbm>>
      %dma_wait3A_49 = tpu.memref_squeeze %dma_wait3A_48 : memref<1x40x128xi32, #tpu.memory_space<hbm>> -> memref<40x128xi32, #tpu.memory_space<hbm>>
      tpu.wait_dma2 semaphore(%run_scoped3A_38 : memref<!tpu.dma_semaphore, #tpu.memory_space<semaphore_mem>>) src(%dma_wait3A_49 : memref<40x128xi32, #tpu.memory_space<hbm>>) dst(%arg8 : memref<40x128xi32, #tpu.memory_space<vmem>>)
      tpu.yield
    }) : () -> ()
    %dma_start3A = arith.constant 0 : i32
    %dma_start3A_10 = arith.constant 0 : i32
    %dma_start3A_11 = tpu.memref_slice %arg7[%dma_start3A, %dma_start3A_10] : memref<40x128xi32, #tpu.memory_space<vmem>> -> memref<1x128xi32, #tpu.memory_space<vmem>>
    %dma_start3A_12 = tpu.memref_squeeze %dma_start3A_11 : memref<1x128xi32, #tpu.memory_space<vmem>> -> memref<128xi32, #tpu.memory_space<vmem>>
    %dma_start3A_13 = arith.constant 0 : i32
    %dma_start3A_14 = arith.constant 0 : i32
    %dma_start3A_15 = tpu.memref_slice %arg4[%dma_start3A_13, %dma_start3A_14] : memref<10000x128xf32, #tpu.memory_space<hbm>> -> memref<10000x128xf32, #tpu.memory_space<hbm>>
    tpu.enqueue_indirect_dma source(%dma_start3A_15 : memref<10000x128xf32, #tpu.memory_space<hbm>>) target(%arg9 : memref<128x128xf32, #tpu.memory_space<vmem>>) offsets(%dma_start3A_12 : memref<128xi32, #tpu.memory_space<vmem>>) semaphore(%arg11 : memref<!tpu.dma_semaphore, #tpu.memory_space<semaphore_mem>>)
    %dma_start3A_16 = arith.constant 1 : i32
    %dma_start3A_17 = arith.constant 0 : i32
    %dma_start3A_18 = tpu.memref_slice %arg7[%dma_start3A_16, %dma_start3A_17] : memref<40x128xi32, #tpu.memory_space<vmem>> -> memref<1x128xi32, #tpu.memory_space<vmem>>
    %dma_start3A_19 = tpu.memref_squeeze %dma_start3A_18 : memref<1x128xi32, #tpu.memory_space<vmem>> -> memref<128xi32, #tpu.memory_space<vmem>>
    %dma_start3A_20 = arith.constant 0 : i32
    %dma_start3A_21 = arith.constant 0 : i32
    %dma_start3A_22 = tpu.memref_slice %arg4[%dma_start3A_20, %dma_start3A_21] : memref<10000x128xf32, #tpu.memory_space<hbm>> -> memref<10000x128xf32, #tpu.memory_space<hbm>>
    tpu.enqueue_indirect_dma source(%dma_start3A_22 : memref<10000x128xf32, #tpu.memory_space<hbm>>) target(%arg10 : memref<128x128xf32, #tpu.memory_space<vmem>>) offsets(%dma_start3A_19 : memref<128xi32, #tpu.memory_space<vmem>>) semaphore(%arg12 : memref<!tpu.dma_semaphore, #tpu.memory_space<semaphore_mem>>)
    %scan3A_23 = arith.constant 0 : i32
    %scan3A_24 = arith.constant 5 : i32
    %scan3A_25 = arith.addi %scan3A_23, %scan3A_24 : i32
    %scan3A_26 = arith.constant 1 : i32
    scf.for %scan3A_38 = %scan3A_23 to %scan3A_25 step %scan3A_26  : i32 {
      %mul3A_39 = arith.constant 128 : i32
      %mul3A_40 = arith.muli %scan3A_38, %mul3A_39 : i32
      %add3A_41 = arith.constant 0 : i32
      %add3A_42 = arith.addi %add3A_41, %mul3A_40 : i32
      %mul3A_43 = arith.constant 640 : i32
      %mul3A_44 = arith.muli %arg1, %mul3A_43 : i32
      %add3A_45 = arith.addi %mul3A_44, %add3A_42 : i32
      %dma_wait3A = arith.constant 0 : i32
      %dma_wait3A_46 = tpu.memref_slice %arg6[%add3A_45, %dma_wait3A] : memref<10240x128xf32, #tpu.memory_space<vmem_shared>> -> memref<128x128xf32, #tpu.memory_space<vmem_shared>>
      tpu.wait_dma2 semaphore(%arg13 : memref<!tpu.dma_semaphore, #tpu.memory_space<semaphore_mem>>) src(%arg3 : memref<128x128xf32, #tpu.memory_space<hbm>>) dst(%dma_wait3A_46 : memref<128x128xf32, #tpu.memory_space<vmem_shared>>)
    }
    %scan3A_27 = arith.constant 5 : i32
    %barrier3A = arith.constant 0 : index
    tpu.barrier barrier_id(%barrier3A)
    %scan3A_28 = arith.constant 0 : i32
    %scan3A_29 = arith.constant 2 : i32
    %scan3A_30 = arith.addi %scan3A_28, %scan3A_29 : i32
    %scan3A_31 = arith.constant 1 : i32
    scf.for %scan3A_38 = %scan3A_28 to %scan3A_30 step %scan3A_31  : i32 {
      %mul3A_39 = arith.constant 1 : i32
      %mul3A_40 = arith.muli %scan3A_38, %mul3A_39 : i32
      %add3A_41 = arith.constant 0 : i32
      %add3A_42 = arith.addi %add3A_41, %mul3A_40 : i32
      %mul3A_43 = arith.constant 80 : i32
      %mul3A_44 = arith.muli %add3A, %mul3A_43 : i32
      %mul3A_45 = arith.constant 40 : i32
      %mul3A_46 = arith.muli %add3A_42, %mul3A_45 : i32
      %add3A_47 = arith.addi %mul3A_44, %mul3A_46 : i32
      %gt3A = arith.constant 0 : i32
      %gt3A_48 = arith.cmpi sgt, %add3A_42, %gt3A : i32
      %convert_element_type3A = arith.extui %gt3A_48 : i1 to i32
      %cond3A = arith.constant 0 : i32
      %cond3A_49 = arith.cmpi ne, %convert_element_type3A, %cond3A : i32
      scf.if %cond3A_49 {
        %run_scoped3A_70 = arith.constant 0 : i32
        "tpu.region"() ({
          %run_scoped3A_86 = tpu.sem_alloc : memref<!tpu.dma_semaphore, #tpu.memory_space<semaphore_mem>>
          %dma_start3A_87 = arith.constant 0 : i32
          %dma_start3A_88 = tpu.memref_slice %arg2[%run_scoped3A_70, %add3A_47, %dma_start3A_87] : memref<2x2560x128xi32, #tpu.memory_space<hbm>> -> memref<1x40x128xi32, #tpu.memory_space<hbm>>
          %dma_start3A_89 = tpu.memref_squeeze %dma_start3A_88 : memref<1x40x128xi32, #tpu.memory_space<hbm>> -> memref<40x128xi32, #tpu.memory_space<hbm>>
          %dma_start3A_90 = arith.constant 0 : i32
          %dma_start3A_91 = tpu.memref_slice %arg2[%run_scoped3A_70, %add3A_47, %dma_start3A_90] : memref<2x2560x128xi32, #tpu.memory_space<hbm>> -> memref<1x40x128xi32, #tpu.memory_space<hbm>>
          %dma_start3A_92 = tpu.memref_squeeze %dma_start3A_91 : memref<1x40x128xi32, #tpu.memory_space<hbm>> -> memref<40x128xi32, #tpu.memory_space<hbm>>
          tpu.enqueue_dma source(%dma_start3A_92 : memref<40x128xi32, #tpu.memory_space<hbm>>) target(%arg7 : memref<40x128xi32, #tpu.memory_space<vmem>>) target_semaphore(%run_scoped3A_86 : memref<!tpu.dma_semaphore, #tpu.memory_space<semaphore_mem>>)
          %dma_wait3A_93 = arith.constant 0 : i32
          %dma_wait3A_94 = tpu.memref_slice %arg2[%run_scoped3A_70, %add3A_47, %dma_wait3A_93] : memref<2x2560x128xi32, #tpu.memory_space<hbm>> -> memref<1x40x128xi32, #tpu.memory_space<hbm>>
          %dma_wait3A_95 = tpu.memref_squeeze %dma_wait3A_94 : memref<1x40x128xi32, #tpu.memory_space<hbm>> -> memref<40x128xi32, #tpu.memory_space<hbm>>
          %dma_wait3A_96 = arith.constant 0 : i32
          %dma_wait3A_97 = tpu.memref_slice %arg2[%run_scoped3A_70, %add3A_47, %dma_wait3A_96] : memref<2x2560x128xi32, #tpu.memory_space<hbm>> -> memref<1x40x128xi32, #tpu.memory_space<hbm>>
          %dma_wait3A_98 = tpu.memref_squeeze %dma_wait3A_97 : memref<1x40x128xi32, #tpu.memory_space<hbm>> -> memref<40x128xi32, #tpu.memory_space<hbm>>
          tpu.wait_dma2 semaphore(%run_scoped3A_86 : memref<!tpu.dma_semaphore, #tpu.memory_space<semaphore_mem>>) src(%dma_wait3A_98 : memref<40x128xi32, #tpu.memory_space<hbm>>) dst(%arg7 : memref<40x128xi32, #tpu.memory_space<vmem>>)
          tpu.yield
        }) : () -> ()
        %run_scoped3A_71 = arith.constant 1 : i32
        "tpu.region"() ({
          %run_scoped3A_86 = tpu.sem_alloc : memref<!tpu.dma_semaphore, #tpu.memory_space<semaphore_mem>>
          %dma_start3A_87 = arith.constant 0 : i32
          %dma_start3A_88 = tpu.memref_slice %arg2[%run_scoped3A_71, %add3A_47, %dma_start3A_87] : memref<2x2560x128xi32, #tpu.memory_space<hbm>> -> memref<1x40x128xi32, #tpu.memory_space<hbm>>
          %dma_start3A_89 = tpu.memref_squeeze %dma_start3A_88 : memref<1x40x128xi32, #tpu.memory_space<hbm>> -> memref<40x128xi32, #tpu.memory_space<hbm>>
          %dma_start3A_90 = arith.constant 0 : i32
          %dma_start3A_91 = tpu.memref_slice %arg2[%run_scoped3A_71, %add3A_47, %dma_start3A_90] : memref<2x2560x128xi32, #tpu.memory_space<hbm>> -> memref<1x40x128xi32, #tpu.memory_space<hbm>>
          %dma_start3A_92 = tpu.memref_squeeze %dma_start3A_91 : memref<1x40x128xi32, #tpu.memory_space<hbm>> -> memref<40x128xi32, #tpu.memory_space<hbm>>
          tpu.enqueue_dma source(%dma_start3A_92 : memref<40x128xi32, #tpu.memory_space<hbm>>) target(%arg8 : memref<40x128xi32, #tpu.memory_space<vmem>>) target_semaphore(%run_scoped3A_86 : memref<!tpu.dma_semaphore, #tpu.memory_space<semaphore_mem>>)
          %dma_wait3A_93 = arith.constant 0 : i32
          %dma_wait3A_94 = tpu.memref_slice %arg2[%run_scoped3A_71, %add3A_47, %dma_wait3A_93] : memref<2x2560x128xi32, #tpu.memory_space<hbm>> -> memref<1x40x128xi32, #tpu.memory_space<hbm>>
          %dma_wait3A_95 = tpu.memref_squeeze %dma_wait3A_94 : memref<1x40x128xi32, #tpu.memory_space<hbm>> -> memref<40x128xi32, #tpu.memory_space<hbm>>
          %dma_wait3A_96 = arith.constant 0 : i32
          %dma_wait3A_97 = tpu.memref_slice %arg2[%run_scoped3A_71, %add3A_47, %dma_wait3A_96] : memref<2x2560x128xi32, #tpu.memory_space<hbm>> -> memref<1x40x128xi32, #tpu.memory_space<hbm>>
          %dma_wait3A_98 = tpu.memref_squeeze %dma_wait3A_97 : memref<1x40x128xi32, #tpu.memory_space<hbm>> -> memref<40x128xi32, #tpu.memory_space<hbm>>
          tpu.wait_dma2 semaphore(%run_scoped3A_86 : memref<!tpu.dma_semaphore, #tpu.memory_space<semaphore_mem>>) src(%dma_wait3A_98 : memref<40x128xi32, #tpu.memory_space<hbm>>) dst(%arg8 : memref<40x128xi32, #tpu.memory_space<vmem>>)
          tpu.yield
        }) : () -> ()
        %dma_start3A_72 = arith.constant 0 : i32
        %dma_start3A_73 = arith.constant 0 : i32
        %dma_start3A_74 = tpu.memref_slice %arg7[%dma_start3A_72, %dma_start3A_73] : memref<40x128xi32, #tpu.memory_space<vmem>> -> memref<1x128xi32, #tpu.memory_space<vmem>>
        %dma_start3A_75 = tpu.memref_squeeze %dma_start3A_74 : memref<1x128xi32, #tpu.memory_space<vmem>> -> memref<128xi32, #tpu.memory_space<vmem>>
        %dma_start3A_76 = arith.constant 0 : i32
        %dma_start3A_77 = arith.constant 0 : i32
        %dma_start3A_78 = tpu.memref_slice %arg4[%dma_start3A_76, %dma_start3A_77] : memref<10000x128xf32, #tpu.memory_space<hbm>> -> memref<10000x128xf32, #tpu.memory_space<hbm>>
        tpu.enqueue_indirect_dma source(%dma_start3A_78 : memref<10000x128xf32, #tpu.memory_space<hbm>>) target(%arg9 : memref<128x128xf32, #tpu.memory_space<vmem>>) offsets(%dma_start3A_75 : memref<128xi32, #tpu.memory_space<vmem>>) semaphore(%arg11 : memref<!tpu.dma_semaphore, #tpu.memory_space<semaphore_mem>>)
        %dma_start3A_79 = arith.constant 1 : i32
        %dma_start3A_80 = arith.constant 0 : i32
        %dma_start3A_81 = tpu.memref_slice %arg7[%dma_start3A_79, %dma_start3A_80] : memref<40x128xi32, #tpu.memory_space<vmem>> -> memref<1x128xi32, #tpu.memory_space<vmem>>
        %dma_start3A_82 = tpu.memref_squeeze %dma_start3A_81 : memref<1x128xi32, #tpu.memory_space<vmem>> -> memref<128xi32, #tpu.memory_space<vmem>>
        %dma_start3A_83 = arith.constant 0 : i32
        %dma_start3A_84 = arith.constant 0 : i32
        %dma_start3A_85 = tpu.memref_slice %arg4[%dma_start3A_83, %dma_start3A_84] : memref<10000x128xf32, #tpu.memory_space<hbm>> -> memref<10000x128xf32, #tpu.memory_space<hbm>>
        tpu.enqueue_indirect_dma source(%dma_start3A_85 : memref<10000x128xf32, #tpu.memory_space<hbm>>) target(%arg10 : memref<128x128xf32, #tpu.memory_space<vmem>>) offsets(%dma_start3A_82 : memref<128xi32, #tpu.memory_space<vmem>>) semaphore(%arg12 : memref<!tpu.dma_semaphore, #tpu.memory_space<semaphore_mem>>)
      } else {
      }
      %scan3A_50 = arith.constant 0 : i32
      %scan3A_51 = arith.constant 19 : i32
      %scan3A_52 = arith.addi %scan3A_50, %scan3A_51 : i32
      %scan3A_53 = arith.constant 1 : i32
      scf.for %scan3A_70 = %scan3A_50 to %scan3A_52 step %scan3A_53  : i32 {
        %mul3A_71 = arith.constant 2 : i32
        %mul3A_72 = arith.muli %scan3A_70, %mul3A_71 : i32
        %add3A_73 = arith.constant 0 : i32
        %add3A_74 = arith.addi %add3A_73, %mul3A_72 : i32
        %dma_wait3A_75 = arith.constant 0 : i32
        %dma_wait3A_76 = tpu.memref_slice %arg7[%add3A_74, %dma_wait3A_75] : memref<40x128xi32, #tpu.memory_space<vmem>> -> memref<1x128xi32, #tpu.memory_space<vmem>>
        %dma_wait3A_77 = tpu.memref_squeeze %dma_wait3A_76 : memref<1x128xi32, #tpu.memory_space<vmem>> -> memref<128xi32, #tpu.memory_space<vmem>>
        %dma_wait3A_78 = arith.constant 0 : i32
        %dma_wait3A_79 = arith.constant 0 : i32
        %dma_wait3A_80 = tpu.memref_slice %arg4[%dma_wait3A_78, %dma_wait3A_79] : memref<10000x128xf32, #tpu.memory_space<hbm>> -> memref<10000x128xf32, #tpu.memory_space<hbm>>
        tpu.wait_indirect_dma semaphore(%arg11 : memref<!tpu.dma_semaphore, #tpu.memory_space<semaphore_mem>>) src(%dma_wait3A_80 : memref<10000x128xf32, #tpu.memory_space<hbm>>) dst(%arg9 : memref<128x128xf32, #tpu.memory_space<vmem>>)
        "tpu.region"() ({
          %run_scoped3A_107 = tpu.sem_alloc : memref<!tpu.dma_semaphore, #tpu.memory_space<semaphore_mem>>
          %dma_start3A_108 = arith.constant 0 : i32
          %dma_start3A_109 = tpu.memref_slice %arg8[%add3A_74, %dma_start3A_108] : memref<40x128xi32, #tpu.memory_space<vmem>> -> memref<1x128xi32, #tpu.memory_space<vmem>>
          %dma_start3A_110 = tpu.memref_squeeze %dma_start3A_109 : memref<1x128xi32, #tpu.memory_space<vmem>> -> memref<128xi32, #tpu.memory_space<vmem>>
          %dma_start3A_111 = arith.constant 0 : i32
          %dma_start3A_112 = arith.constant 0 : i32
          %dma_start3A_113 = tpu.memref_slice %arg6[%dma_start3A_111, %dma_start3A_112] : memref<10240x128xf32, #tpu.memory_space<vmem_shared>> -> memref<10240x128xf32, #tpu.memory_space<vmem_shared>>
          tpu.enqueue_indirect_dma source(%arg9 : memref<128x128xf32, #tpu.memory_space<vmem>>) target(%dma_start3A_113 : memref<10240x128xf32, #tpu.memory_space<vmem_shared>>) offsets(%dma_start3A_110 : memref<128xi32, #tpu.memory_space<vmem>>) semaphore(%run_scoped3A_107 : memref<!tpu.dma_semaphore, #tpu.memory_space<semaphore_mem>>) {add = true}
          %dma_wait3A_114 = arith.constant 0 : i32
          %dma_wait3A_115 = tpu.memref_slice %arg8[%add3A_74, %dma_wait3A_114] : memref<40x128xi32, #tpu.memory_space<vmem>> -> memref<1x128xi32, #tpu.memory_space<vmem>>
          %dma_wait3A_116 = tpu.memref_squeeze %dma_wait3A_115 : memref<1x128xi32, #tpu.memory_space<vmem>> -> memref<128xi32, #tpu.memory_space<vmem>>
          %dma_wait3A_117 = arith.constant 0 : i32
          %dma_wait3A_118 = arith.constant 0 : i32
          %dma_wait3A_119 = tpu.memref_slice %arg6[%dma_wait3A_117, %dma_wait3A_118] : memref<10240x128xf32, #tpu.memory_space<vmem_shared>> -> memref<10240x128xf32, #tpu.memory_space<vmem_shared>>
          tpu.wait_indirect_dma semaphore(%run_scoped3A_107 : memref<!tpu.dma_semaphore, #tpu.memory_space<semaphore_mem>>) src(%arg9 : memref<128x128xf32, #tpu.memory_space<vmem>>) dst(%dma_wait3A_119 : memref<10240x128xf32, #tpu.memory_space<vmem_shared>>)
          tpu.yield
        }) : () -> ()
        %add3A_81 = arith.constant 2 : i32
        %add3A_82 = arith.addi %add3A_74, %add3A_81 : i32
        %dma_start3A_83 = arith.constant 0 : i32
        %dma_start3A_84 = tpu.memref_slice %arg7[%add3A_82, %dma_start3A_83] : memref<40x128xi32, #tpu.memory_space<vmem>> -> memref<1x128xi32, #tpu.memory_space<vmem>>
        %dma_start3A_85 = tpu.memref_squeeze %dma_start3A_84 : memref<1x128xi32, #tpu.memory_space<vmem>> -> memref<128xi32, #tpu.memory_space<vmem>>
        %dma_start3A_86 = arith.constant 0 : i32
        %dma_start3A_87 = arith.constant 0 : i32
        %dma_start3A_88 = tpu.memref_slice %arg4[%dma_start3A_86, %dma_start3A_87] : memref<10000x128xf32, #tpu.memory_space<hbm>> -> memref<10000x128xf32, #tpu.memory_space<hbm>>
        tpu.enqueue_indirect_dma source(%dma_start3A_88 : memref<10000x128xf32, #tpu.memory_space<hbm>>) target(%arg9 : memref<128x128xf32, #tpu.memory_space<vmem>>) offsets(%dma_start3A_85 : memref<128xi32, #tpu.memory_space<vmem>>) semaphore(%arg11 : memref<!tpu.dma_semaphore, #tpu.memory_space<semaphore_mem>>)
        %add3A_89 = arith.constant 1 : i32
        %add3A_90 = arith.addi %add3A_74, %add3A_89 : i32
        %dma_wait3A_91 = arith.constant 0 : i32
        %dma_wait3A_92 = tpu.memref_slice %arg7[%add3A_90, %dma_wait3A_91] : memref<40x128xi32, #tpu.memory_space<vmem>> -> memref<1x128xi32, #tpu.memory_space<vmem>>
        %dma_wait3A_93 = tpu.memref_squeeze %dma_wait3A_92 : memref<1x128xi32, #tpu.memory_space<vmem>> -> memref<128xi32, #tpu.memory_space<vmem>>
        %dma_wait3A_94 = arith.constant 0 : i32
        %dma_wait3A_95 = arith.constant 0 : i32
        %dma_wait3A_96 = tpu.memref_slice %arg4[%dma_wait3A_94, %dma_wait3A_95] : memref<10000x128xf32, #tpu.memory_space<hbm>> -> memref<10000x128xf32, #tpu.memory_space<hbm>>
        tpu.wait_indirect_dma semaphore(%arg12 : memref<!tpu.dma_semaphore, #tpu.memory_space<semaphore_mem>>) src(%dma_wait3A_96 : memref<10000x128xf32, #tpu.memory_space<hbm>>) dst(%arg10 : memref<128x128xf32, #tpu.memory_space<vmem>>)
        %add3A_97 = arith.constant 1 : i32
        %add3A_98 = arith.addi %add3A_74, %add3A_97 : i32
        "tpu.region"() ({
          %run_scoped3A_107 = tpu.sem_alloc : memref<!tpu.dma_semaphore, #tpu.memory_space<semaphore_mem>>
          %dma_start3A_108 = arith.constant 0 : i32
          %dma_start3A_109 = tpu.memref_slice %arg8[%add3A_98, %dma_start3A_108] : memref<40x128xi32, #tpu.memory_space<vmem>> -> memref<1x128xi32, #tpu.memory_space<vmem>>
          %dma_start3A_110 = tpu.memref_squeeze %dma_start3A_109 : memref<1x128xi32, #tpu.memory_space<vmem>> -> memref<128xi32, #tpu.memory_space<vmem>>
          %dma_start3A_111 = arith.constant 0 : i32
          %dma_start3A_112 = arith.constant 0 : i32
          %dma_start3A_113 = tpu.memref_slice %arg6[%dma_start3A_111, %dma_start3A_112] : memref<10240x128xf32, #tpu.memory_space<vmem_shared>> -> memref<10240x128xf32, #tpu.memory_space<vmem_shared>>
          tpu.enqueue_indirect_dma source(%arg10 : memref<128x128xf32, #tpu.memory_space<vmem>>) target(%dma_start3A_113 : memref<10240x128xf32, #tpu.memory_space<vmem_shared>>) offsets(%dma_start3A_110 : memref<128xi32, #tpu.memory_space<vmem>>) semaphore(%run_scoped3A_107 : memref<!tpu.dma_semaphore, #tpu.memory_space<semaphore_mem>>) {add = true}
          %dma_wait3A_114 = arith.constant 0 : i32
          %dma_wait3A_115 = tpu.memref_slice %arg8[%add3A_98, %dma_wait3A_114] : memref<40x128xi32, #tpu.memory_space<vmem>> -> memref<1x128xi32, #tpu.memory_space<vmem>>
          %dma_wait3A_116 = tpu.memref_squeeze %dma_wait3A_115 : memref<1x128xi32, #tpu.memory_space<vmem>> -> memref<128xi32, #tpu.memory_space<vmem>>
          %dma_wait3A_117 = arith.constant 0 : i32
          %dma_wait3A_118 = arith.constant 0 : i32
          %dma_wait3A_119 = tpu.memref_slice %arg6[%dma_wait3A_117, %dma_wait3A_118] : memref<10240x128xf32, #tpu.memory_space<vmem_shared>> -> memref<10240x128xf32, #tpu.memory_space<vmem_shared>>
          tpu.wait_indirect_dma semaphore(%run_scoped3A_107 : memref<!tpu.dma_semaphore, #tpu.memory_space<semaphore_mem>>) src(%arg10 : memref<128x128xf32, #tpu.memory_space<vmem>>) dst(%dma_wait3A_119 : memref<10240x128xf32, #tpu.memory_space<vmem_shared>>)
          tpu.yield
        }) : () -> ()
        %add3A_99 = arith.constant 3 : i32
        %add3A_100 = arith.addi %add3A_74, %add3A_99 : i32
        %dma_start3A_101 = arith.constant 0 : i32
        %dma_start3A_102 = tpu.memref_slice %arg7[%add3A_100, %dma_start3A_101] : memref<40x128xi32, #tpu.memory_space<vmem>> -> memref<1x128xi32, #tpu.memory_space<vmem>>
        %dma_start3A_103 = tpu.memref_squeeze %dma_start3A_102 : memref<1x128xi32, #tpu.memory_space<vmem>> -> memref<128xi32, #tpu.memory_space<vmem>>
        %dma_start3A_104 = arith.constant 0 : i32
        %dma_start3A_105 = arith.constant 0 : i32
        %dma_start3A_106 = tpu.memref_slice %arg4[%dma_start3A_104, %dma_start3A_105] : memref<10000x128xf32, #tpu.memory_space<hbm>> -> memref<10000x128xf32, #tpu.memory_space<hbm>>
        tpu.enqueue_indirect_dma source(%dma_start3A_106 : memref<10000x128xf32, #tpu.memory_space<hbm>>) target(%arg10 : memref<128x128xf32, #tpu.memory_space<vmem>>) offsets(%dma_start3A_103 : memref<128xi32, #tpu.memory_space<vmem>>) semaphore(%arg12 : memref<!tpu.dma_semaphore, #tpu.memory_space<semaphore_mem>>)
      }
      %scan3A_54 = arith.constant 19 : i32
      %dma_wait3A = arith.constant 38 : i32
      %dma_wait3A_55 = arith.constant 0 : i32
      %dma_wait3A_56 = tpu.memref_slice %arg7[%dma_wait3A, %dma_wait3A_55] : memref<40x128xi32, #tpu.memory_space<vmem>> -> memref<1x128xi32, #tpu.memory_space<vmem>>
      %dma_wait3A_57 = tpu.memref_squeeze %dma_wait3A_56 : memref<1x128xi32, #tpu.memory_space<vmem>> -> memref<128xi32, #tpu.memory_space<vmem>>
      %dma_wait3A_58 = arith.constant 0 : i32
      %dma_wait3A_59 = arith.constant 0 : i32
      %dma_wait3A_60 = tpu.memref_slice %arg4[%dma_wait3A_58, %dma_wait3A_59] : memref<10000x128xf32, #tpu.memory_space<hbm>> -> memref<10000x128xf32, #tpu.memory_space<hbm>>
      tpu.wait_indirect_dma semaphore(%arg11 : memref<!tpu.dma_semaphore, #tpu.memory_space<semaphore_mem>>) src(%dma_wait3A_60 : memref<10000x128xf32, #tpu.memory_space<hbm>>) dst(%arg9 : memref<128x128xf32, #tpu.memory_space<vmem>>)
      %run_scoped3A_61 = arith.constant 38 : i32
      "tpu.region"() ({
        %run_scoped3A_70 = tpu.sem_alloc : memref<!tpu.dma_semaphore, #tpu.memory_space<semaphore_mem>>
        %dma_start3A_71 = arith.constant 0 : i32
        %dma_start3A_72 = tpu.memref_slice %arg8[%run_scoped3A_61, %dma_start3A_71] : memref<40x128xi32, #tpu.memory_space<vmem>> -> memref<1x128xi32, #tpu.memory_space<vmem>>
        %dma_start3A_73 = tpu.memref_squeeze %dma_start3A_72 : memref<1x128xi32, #tpu.memory_space<vmem>> -> memref<128xi32, #tpu.memory_space<vmem>>
        %dma_start3A_74 = arith.constant 0 : i32
        %dma_start3A_75 = arith.constant 0 : i32
        %dma_start3A_76 = tpu.memref_slice %arg6[%dma_start3A_74, %dma_start3A_75] : memref<10240x128xf32, #tpu.memory_space<vmem_shared>> -> memref<10240x128xf32, #tpu.memory_space<vmem_shared>>
        tpu.enqueue_indirect_dma source(%arg9 : memref<128x128xf32, #tpu.memory_space<vmem>>) target(%dma_start3A_76 : memref<10240x128xf32, #tpu.memory_space<vmem_shared>>) offsets(%dma_start3A_73 : memref<128xi32, #tpu.memory_space<vmem>>) semaphore(%run_scoped3A_70 : memref<!tpu.dma_semaphore, #tpu.memory_space<semaphore_mem>>) {add = true}
        %dma_wait3A_77 = arith.constant 0 : i32
        %dma_wait3A_78 = tpu.memref_slice %arg8[%run_scoped3A_61, %dma_wait3A_77] : memref<40x128xi32, #tpu.memory_space<vmem>> -> memref<1x128xi32, #tpu.memory_space<vmem>>
        %dma_wait3A_79 = tpu.memref_squeeze %dma_wait3A_78 : memref<1x128xi32, #tpu.memory_space<vmem>> -> memref<128xi32, #tpu.memory_space<vmem>>
        %dma_wait3A_80 = arith.constant 0 : i32
        %dma_wait3A_81 = arith.constant 0 : i32
        %dma_wait3A_82 = tpu.memref_slice %arg6[%dma_wait3A_80, %dma_wait3A_81] : memref<10240x128xf32, #tpu.memory_space<vmem_shared>> -> memref<10240x128xf32, #tpu.memory_space<vmem_shared>>
        tpu.wait_indirect_dma semaphore(%run_scoped3A_70 : memref<!tpu.dma_semaphore, #tpu.memory_space<semaphore_mem>>) src(%arg9 : memref<128x128xf32, #tpu.memory_space<vmem>>) dst(%dma_wait3A_82 : memref<10240x128xf32, #tpu.memory_space<vmem_shared>>)
        tpu.yield
      }) : () -> ()
      %dma_wait3A_62 = arith.constant 39 : i32
      %dma_wait3A_63 = arith.constant 0 : i32
      %dma_wait3A_64 = tpu.memref_slice %arg7[%dma_wait3A_62, %dma_wait3A_63] : memref<40x128xi32, #tpu.memory_space<vmem>> -> memref<1x128xi32, #tpu.memory_space<vmem>>
      %dma_wait3A_65 = tpu.memref_squeeze %dma_wait3A_64 : memref<1x128xi32, #tpu.memory_space<vmem>> -> memref<128xi32, #tpu.memory_space<vmem>>
      %dma_wait3A_66 = arith.constant 0 : i32
      %dma_wait3A_67 = arith.constant 0 : i32
      %dma_wait3A_68 = tpu.memref_slice %arg4[%dma_wait3A_66, %dma_wait3A_67] : memref<10000x128xf32, #tpu.memory_space<hbm>> -> memref<10000x128xf32, #tpu.memory_space<hbm>>
      tpu.wait_indirect_dma semaphore(%arg12 : memref<!tpu.dma_semaphore, #tpu.memory_space<semaphore_mem>>) src(%dma_wait3A_68 : memref<10000x128xf32, #tpu.memory_space<hbm>>) dst(%arg10 : memref<128x128xf32, #tpu.memory_space<vmem>>)
      %run_scoped3A_69 = arith.constant 39 : i32
      "tpu.region"() ({
        %run_scoped3A_70 = tpu.sem_alloc : memref<!tpu.dma_semaphore, #tpu.memory_space<semaphore_mem>>
        %dma_start3A_71 = arith.constant 0 : i32
        %dma_start3A_72 = tpu.memref_slice %arg8[%run_scoped3A_69, %dma_start3A_71] : memref<40x128xi32, #tpu.memory_space<vmem>> -> memref<1x128xi32, #tpu.memory_space<vmem>>
        %dma_start3A_73 = tpu.memref_squeeze %dma_start3A_72 : memref<1x128xi32, #tpu.memory_space<vmem>> -> memref<128xi32, #tpu.memory_space<vmem>>
        %dma_start3A_74 = arith.constant 0 : i32
        %dma_start3A_75 = arith.constant 0 : i32
        %dma_start3A_76 = tpu.memref_slice %arg6[%dma_start3A_74, %dma_start3A_75] : memref<10240x128xf32, #tpu.memory_space<vmem_shared>> -> memref<10240x128xf32, #tpu.memory_space<vmem_shared>>
        tpu.enqueue_indirect_dma source(%arg10 : memref<128x128xf32, #tpu.memory_space<vmem>>) target(%dma_start3A_76 : memref<10240x128xf32, #tpu.memory_space<vmem_shared>>) offsets(%dma_start3A_73 : memref<128xi32, #tpu.memory_space<vmem>>) semaphore(%run_scoped3A_70 : memref<!tpu.dma_semaphore, #tpu.memory_space<semaphore_mem>>) {add = true}
        %dma_wait3A_77 = arith.constant 0 : i32
        %dma_wait3A_78 = tpu.memref_slice %arg8[%run_scoped3A_69, %dma_wait3A_77] : memref<40x128xi32, #tpu.memory_space<vmem>> -> memref<1x128xi32, #tpu.memory_space<vmem>>
        %dma_wait3A_79 = tpu.memref_squeeze %dma_wait3A_78 : memref<1x128xi32, #tpu.memory_space<vmem>> -> memref<128xi32, #tpu.memory_space<vmem>>
        %dma_wait3A_80 = arith.constant 0 : i32
        %dma_wait3A_81 = arith.constant 0 : i32
        %dma_wait3A_82 = tpu.memref_slice %arg6[%dma_wait3A_80, %dma_wait3A_81] : memref<10240x128xf32, #tpu.memory_space<vmem_shared>> -> memref<10240x128xf32, #tpu.memory_space<vmem_shared>>
        tpu.wait_indirect_dma semaphore(%run_scoped3A_70 : memref<!tpu.dma_semaphore, #tpu.memory_space<semaphore_mem>>) src(%arg10 : memref<128x128xf32, #tpu.memory_space<vmem>>) dst(%dma_wait3A_82 : memref<10240x128xf32, #tpu.memory_space<vmem_shared>>)
        tpu.yield
      }) : () -> ()
    }
    %scan3A_32 = arith.constant 2 : i32
    %barrier3A_33 = arith.constant 0 : index
    tpu.barrier barrier_id(%barrier3A_33)
    %mul3A_34 = arith.constant 640 : i32
    %mul3A_35 = arith.muli %arg1, %mul3A_34 : i32
    %mul3A_36 = arith.constant 640 : i32
    %mul3A_37 = arith.muli %arg1, %mul3A_36 : i32
    "tpu.region"() ({
      %run_scoped3A_38 = tpu.sem_alloc : memref<!tpu.dma_semaphore, #tpu.memory_space<semaphore_mem>>
      %dma_start3A_39 = arith.constant 0 : i32
      %dma_start3A_40 = tpu.memref_slice %arg5[%arg0, %mul3A_37, %dma_start3A_39] : memref<2x10240x128xf32, #tpu.memory_space<hbm>> -> memref<1x640x128xf32, #tpu.memory_space<hbm>>
      %dma_start3A_41 = tpu.memref_squeeze %dma_start3A_40 : memref<1x640x128xf32, #tpu.memory_space<hbm>> -> memref<640x128xf32, #tpu.memory_space<hbm>>
      %dma_start3A_42 = arith.constant 0 : i32
      %dma_start3A_43 = tpu.memref_slice %arg6[%mul3A_35, %dma_start3A_42] : memref<10240x128xf32, #tpu.memory_space<vmem_shared>> -> memref<640x128xf32, #tpu.memory_space<vmem_shared>>
      tpu.enqueue_dma source(%dma_start3A_43 : memref<640x128xf32, #tpu.memory_space<vmem_shared>>) target(%dma_start3A_41 : memref<640x128xf32, #tpu.memory_space<hbm>>) target_semaphore(%run_scoped3A_38 : memref<!tpu.dma_semaphore, #tpu.memory_space<semaphore_mem>>)
      %dma_wait3A = arith.constant 0 : i32
      %dma_wait3A_44 = tpu.memref_slice %arg5[%arg0, %mul3A_37, %dma_wait3A] : memref<2x10240x128xf32, #tpu.memory_space<hbm>> -> memref<1x640x128xf32, #tpu.memory_space<hbm>>
      %dma_wait3A_45 = tpu.memref_squeeze %dma_wait3A_44 : memref<1x640x128xf32, #tpu.memory_space<hbm>> -> memref<640x128xf32, #tpu.memory_space<hbm>>
      %dma_wait3A_46 = arith.constant 0 : i32
      %dma_wait3A_47 = tpu.memref_slice %arg6[%mul3A_35, %dma_wait3A_46] : memref<10240x128xf32, #tpu.memory_space<vmem_shared>> -> memref<640x128xf32, #tpu.memory_space<vmem_shared>>
      tpu.wait_dma2 semaphore(%run_scoped3A_38 : memref<!tpu.dma_semaphore, #tpu.memory_space<semaphore_mem>>) src(%dma_wait3A_47 : memref<640x128xf32, #tpu.memory_space<vmem_shared>>) dst(%dma_wait3A_45 : memref<640x128xf32, #tpu.memory_space<hbm>>)
      tpu.yield
    }) : () -> ()
    return
  }
}

#map = affine_map<(d0, d1) -> (0, 0, 0)>
#map1 = affine_map<(d0, d1) -> (0, 0)>
module attributes {stable_mosaic.version = 14 : i64} {
  func.func @agg_kernel(%arg0: i32, %arg1: i32, %arg2: memref<2x2560x128xi32, #tpu.memory_space<hbm>>, %arg3: memref<128x128xf32, #tpu.memory_space<hbm>>, %arg4: memref<10000x128xf32, #tpu.memory_space<hbm>>, %arg5: memref<2x10240x128xf32, #tpu.memory_space<hbm>>, %arg6: memref<10240x128xf32, #tpu.memory_space<vmem_shared>>, %arg7: memref<40x128xi32, #tpu.memory_space<vmem>>, %arg8: memref<40x128xi32, #tpu.memory_space<vmem>>, %arg9: memref<128x128xf32, #tpu.memory_space<vmem>>, %arg10: memref<128x128xf32, #tpu.memory_space<vmem>>, %arg11: memref<!tpu.dma_semaphore, #tpu.memory_space<semaphore_mem>>, %arg12: memref<!tpu.dma_semaphore, #tpu.memory_space<semaphore_mem>>, %arg13: memref<!tpu.dma_semaphore, #tpu.memory_space<semaphore_mem>>) attributes {dimension_semantics = [#tpu.dimension_semantics<core_parallel>, #tpu.dimension_semantics<subcore_parallel>], iteration_bounds = array<i64: 2, 16>, scalar_prefetch = 0 : i64, scratch_operands = 8 : i64, tpu.core_type = #tpu.core_type<sc_vector_subcore>, window_params = [{transform_indices = #map}, {transform_indices = #map1}, {transform_indices = #map1}, {transform_indices = #map}]} {
    %mul3A = arith.constant 16 : i32
    %mul3A_0 = arith.muli %arg0, %mul3A : i32
    %add3A = arith.addi %mul3A_0, %arg1 : i32
    %scan3A = arith.constant 0 : i32
    %scan3A_1 = arith.constant 5 : i32
    %scan3A_2 = arith.addi %scan3A, %scan3A_1 : i32
    %scan3A_3 = arith.constant 1 : i32
    scf.for %scan3A_38 = %scan3A to %scan3A_2 step %scan3A_3  : i32 {
      %mul3A_39 = arith.constant 128 : i32
      %mul3A_40 = arith.muli %scan3A_38, %mul3A_39 : i32
      %add3A_41 = arith.constant 0 : i32
      %add3A_42 = arith.addi %add3A_41, %mul3A_40 : i32
      %mul3A_43 = arith.constant 640 : i32
      %mul3A_44 = arith.muli %arg1, %mul3A_43 : i32
      %add3A_45 = arith.addi %mul3A_44, %add3A_42 : i32
      %dma_start3A_46 = arith.constant 0 : i32
      %dma_start3A_47 = tpu.memref_slice %arg6[%add3A_45, %dma_start3A_46] : memref<10240x128xf32, #tpu.memory_space<vmem_shared>> -> memref<128x128xf32, #tpu.memory_space<vmem_shared>>
      tpu.enqueue_dma source(%arg3 : memref<128x128xf32, #tpu.memory_space<hbm>>) target(%dma_start3A_47 : memref<128x128xf32, #tpu.memory_space<vmem_shared>>) target_semaphore(%arg13 : memref<!tpu.dma_semaphore, #tpu.memory_space<semaphore_mem>>)
    }
    %scan3A_4 = arith.constant 5 : i32
    %mul3A_5 = arith.constant 80 : i32
    %mul3A_6 = arith.muli %add3A, %mul3A_5 : i32
    %run_scoped3A = arith.constant 0 : i32
    "tpu.region"() ({
      %run_scoped3A_38 = tpu.sem_alloc : memref<!tpu.dma_semaphore, #tpu.memory_space<semaphore_mem>>
      %dma_start3A_39 = arith.constant 0 : i32
      %dma_start3A_40 = tpu.memref_slice %arg2[%run_scoped3A, %mul3A_6, %dma_start3A_39] : memref<2x2560x128xi32, #tpu.memory_space<hbm>> -> memref<1x40x128xi32, #tpu.memory_space<hbm>>
      %dma_start3A_41 = tpu.memref_squeeze %dma_start3A_40 : memref<1x40x128xi32, #tpu.memory_space<hbm>> -> memref<40x128xi32, #tpu.memory_space<hbm>>
      %dma_start3A_42 = arith.constant 0 : i32
      %dma_start3A_43 = tpu.memref_slice %arg2[%run_scoped3A, %mul3A_6, %dma_start3A_42] : memref<2x2560x128xi32, #tpu.memory_space<hbm>> -> memref<1x40x128xi32, #tpu.memory_space<hbm>>
      %dma_start3A_44 = tpu.memref_squeeze %dma_start3A_43 : memref<1x40x128xi32, #tpu.memory_space<hbm>> -> memref<40x128xi32, #tpu.memory_space<hbm>>
      tpu.enqueue_dma source(%dma_start3A_44 : memref<40x128xi32, #tpu.memory_space<hbm>>) target(%arg7 : memref<40x128xi32, #tpu.memory_space<vmem>>) target_semaphore(%run_scoped3A_38 : memref<!tpu.dma_semaphore, #tpu.memory_space<semaphore_mem>>)
      %dma_wait3A = arith.constant 0 : i32
      %dma_wait3A_45 = tpu.memref_slice %arg2[%run_scoped3A, %mul3A_6, %dma_wait3A] : memref<2x2560x128xi32, #tpu.memory_space<hbm>> -> memref<1x40x128xi32, #tpu.memory_space<hbm>>
      %dma_wait3A_46 = tpu.memref_squeeze %dma_wait3A_45 : memref<1x40x128xi32, #tpu.memory_space<hbm>> -> memref<40x128xi32, #tpu.memory_space<hbm>>
      %dma_wait3A_47 = arith.constant 0 : i32
      %dma_wait3A_48 = tpu.memref_slice %arg2[%run_scoped3A, %mul3A_6, %dma_wait3A_47] : memref<2x2560x128xi32, #tpu.memory_space<hbm>> -> memref<1x40x128xi32, #tpu.memory_space<hbm>>
      %dma_wait3A_49 = tpu.memref_squeeze %dma_wait3A_48 : memref<1x40x128xi32, #tpu.memory_space<hbm>> -> memref<40x128xi32, #tpu.memory_space<hbm>>
      tpu.wait_dma2 semaphore(%run_scoped3A_38 : memref<!tpu.dma_semaphore, #tpu.memory_space<semaphore_mem>>) src(%dma_wait3A_49 : memref<40x128xi32, #tpu.memory_space<hbm>>) dst(%arg7 : memref<40x128xi32, #tpu.memory_space<vmem>>)
      tpu.yield
    }) : () -> ()
    %mul3A_7 = arith.constant 80 : i32
    %mul3A_8 = arith.muli %add3A, %mul3A_7 : i32
    %run_scoped3A_9 = arith.constant 1 : i32
    "tpu.region"() ({
      %run_scoped3A_38 = tpu.sem_alloc : memref<!tpu.dma_semaphore, #tpu.memory_space<semaphore_mem>>
      %dma_start3A_39 = arith.constant 0 : i32
      %dma_start3A_40 = tpu.memref_slice %arg2[%run_scoped3A_9, %mul3A_8, %dma_start3A_39] : memref<2x2560x128xi32, #tpu.memory_space<hbm>> -> memref<1x40x128xi32, #tpu.memory_space<hbm>>
      %dma_start3A_41 = tpu.memref_squeeze %dma_start3A_40 : memref<1x40x128xi32, #tpu.memory_space<hbm>> -> memref<40x128xi32, #tpu.memory_space<hbm>>
      %dma_start3A_42 = arith.constant 0 : i32
      %dma_start3A_43 = tpu.memref_slice %arg2[%run_scoped3A_9, %mul3A_8, %dma_start3A_42] : memref<2x2560x128xi32, #tpu.memory_space<hbm>> -> memref<1x40x128xi32, #tpu.memory_space<hbm>>
      %dma_start3A_44 = tpu.memref_squeeze %dma_start3A_43 : memref<1x40x128xi32, #tpu.memory_space<hbm>> -> memref<40x128xi32, #tpu.memory_space<hbm>>
      tpu.enqueue_dma source(%dma_start3A_44 : memref<40x128xi32, #tpu.memory_space<hbm>>) target(%arg8 : memref<40x128xi32, #tpu.memory_space<vmem>>) target_semaphore(%run_scoped3A_38 : memref<!tpu.dma_semaphore, #tpu.memory_space<semaphore_mem>>)
      %dma_wait3A = arith.constant 0 : i32
      %dma_wait3A_45 = tpu.memref_slice %arg2[%run_scoped3A_9, %mul3A_8, %dma_wait3A] : memref<2x2560x128xi32, #tpu.memory_space<hbm>> -> memref<1x40x128xi32, #tpu.memory_space<hbm>>
      %dma_wait3A_46 = tpu.memref_squeeze %dma_wait3A_45 : memref<1x40x128xi32, #tpu.memory_space<hbm>> -> memref<40x128xi32, #tpu.memory_space<hbm>>
      %dma_wait3A_47 = arith.constant 0 : i32
      %dma_wait3A_48 = tpu.memref_slice %arg2[%run_scoped3A_9, %mul3A_8, %dma_wait3A_47] : memref<2x2560x128xi32, #tpu.memory_space<hbm>> -> memref<1x40x128xi32, #tpu.memory_space<hbm>>
      %dma_wait3A_49 = tpu.memref_squeeze %dma_wait3A_48 : memref<1x40x128xi32, #tpu.memory_space<hbm>> -> memref<40x128xi32, #tpu.memory_space<hbm>>
      tpu.wait_dma2 semaphore(%run_scoped3A_38 : memref<!tpu.dma_semaphore, #tpu.memory_space<semaphore_mem>>) src(%dma_wait3A_49 : memref<40x128xi32, #tpu.memory_space<hbm>>) dst(%arg8 : memref<40x128xi32, #tpu.memory_space<vmem>>)
      tpu.yield
    }) : () -> ()
    %dma_start3A = arith.constant 0 : i32
    %dma_start3A_10 = arith.constant 0 : i32
    %dma_start3A_11 = tpu.memref_slice %arg7[%dma_start3A, %dma_start3A_10] : memref<40x128xi32, #tpu.memory_space<vmem>> -> memref<1x128xi32, #tpu.memory_space<vmem>>
    %dma_start3A_12 = tpu.memref_squeeze %dma_start3A_11 : memref<1x128xi32, #tpu.memory_space<vmem>> -> memref<128xi32, #tpu.memory_space<vmem>>
    %dma_start3A_13 = arith.constant 0 : i32
    %dma_start3A_14 = arith.constant 0 : i32
    %dma_start3A_15 = tpu.memref_slice %arg4[%dma_start3A_13, %dma_start3A_14] : memref<10000x128xf32, #tpu.memory_space<hbm>> -> memref<10000x128xf32, #tpu.memory_space<hbm>>
    tpu.enqueue_indirect_dma source(%dma_start3A_15 : memref<10000x128xf32, #tpu.memory_space<hbm>>) target(%arg9 : memref<128x128xf32, #tpu.memory_space<vmem>>) offsets(%dma_start3A_12 : memref<128xi32, #tpu.memory_space<vmem>>) semaphore(%arg11 : memref<!tpu.dma_semaphore, #tpu.memory_space<semaphore_mem>>)
    %dma_start3A_16 = arith.constant 1 : i32
    %dma_start3A_17 = arith.constant 0 : i32
    %dma_start3A_18 = tpu.memref_slice %arg7[%dma_start3A_16, %dma_start3A_17] : memref<40x128xi32, #tpu.memory_space<vmem>> -> memref<1x128xi32, #tpu.memory_space<vmem>>
    %dma_start3A_19 = tpu.memref_squeeze %dma_start3A_18 : memref<1x128xi32, #tpu.memory_space<vmem>> -> memref<128xi32, #tpu.memory_space<vmem>>
    %dma_start3A_20 = arith.constant 0 : i32
    %dma_start3A_21 = arith.constant 0 : i32
    %dma_start3A_22 = tpu.memref_slice %arg4[%dma_start3A_20, %dma_start3A_21] : memref<10000x128xf32, #tpu.memory_space<hbm>> -> memref<10000x128xf32, #tpu.memory_space<hbm>>
    tpu.enqueue_indirect_dma source(%dma_start3A_22 : memref<10000x128xf32, #tpu.memory_space<hbm>>) target(%arg10 : memref<128x128xf32, #tpu.memory_space<vmem>>) offsets(%dma_start3A_19 : memref<128xi32, #tpu.memory_space<vmem>>) semaphore(%arg12 : memref<!tpu.dma_semaphore, #tpu.memory_space<semaphore_mem>>)
    %scan3A_23 = arith.constant 0 : i32
    %scan3A_24 = arith.constant 5 : i32
    %scan3A_25 = arith.addi %scan3A_23, %scan3A_24 : i32
    %scan3A_26 = arith.constant 1 : i32
    scf.for %scan3A_38 = %scan3A_23 to %scan3A_25 step %scan3A_26  : i32 {
      %mul3A_39 = arith.constant 128 : i32
      %mul3A_40 = arith.muli %scan3A_38, %mul3A_39 : i32
      %add3A_41 = arith.constant 0 : i32
      %add3A_42 = arith.addi %add3A_41, %mul3A_40 : i32
      %mul3A_43 = arith.constant 640 : i32
      %mul3A_44 = arith.muli %arg1, %mul3A_43 : i32
      %add3A_45 = arith.addi %mul3A_44, %add3A_42 : i32
      %dma_wait3A = arith.constant 0 : i32
      %dma_wait3A_46 = tpu.memref_slice %arg6[%add3A_45, %dma_wait3A] : memref<10240x128xf32, #tpu.memory_space<vmem_shared>> -> memref<128x128xf32, #tpu.memory_space<vmem_shared>>
      tpu.wait_dma2 semaphore(%arg13 : memref<!tpu.dma_semaphore, #tpu.memory_space<semaphore_mem>>) src(%arg3 : memref<128x128xf32, #tpu.memory_space<hbm>>) dst(%dma_wait3A_46 : memref<128x128xf32, #tpu.memory_space<vmem_shared>>)
    }
    %scan3A_27 = arith.constant 5 : i32
    %barrier3A = arith.constant 0 : index
    tpu.barrier barrier_id(%barrier3A)
    %scan3A_28 = arith.constant 0 : i32
    %scan3A_29 = arith.constant 2 : i32
    %scan3A_30 = arith.addi %scan3A_28, %scan3A_29 : i32
    %scan3A_31 = arith.constant 1 : i32
    scf.for %scan3A_38 = %scan3A_28 to %scan3A_30 step %scan3A_31  : i32 {
      %mul3A_39 = arith.constant 1 : i32
      %mul3A_40 = arith.muli %scan3A_38, %mul3A_39 : i32
      %add3A_41 = arith.constant 0 : i32
      %add3A_42 = arith.addi %add3A_41, %mul3A_40 : i32
      %mul3A_43 = arith.constant 80 : i32
      %mul3A_44 = arith.muli %add3A, %mul3A_43 : i32
      %mul3A_45 = arith.constant 40 : i32
      %mul3A_46 = arith.muli %add3A_42, %mul3A_45 : i32
      %add3A_47 = arith.addi %mul3A_44, %mul3A_46 : i32
      %gt3A = arith.constant 0 : i32
      %gt3A_48 = arith.cmpi sgt, %add3A_42, %gt3A : i32
      %convert_element_type3A = arith.extui %gt3A_48 : i1 to i32
      %cond3A = arith.constant 0 : i32
      %cond3A_49 = arith.cmpi ne, %convert_element_type3A, %cond3A : i32
      scf.if %cond3A_49 {
        %run_scoped3A_70 = arith.constant 0 : i32
        "tpu.region"() ({
          %run_scoped3A_86 = tpu.sem_alloc : memref<!tpu.dma_semaphore, #tpu.memory_space<semaphore_mem>>
          %dma_start3A_87 = arith.constant 0 : i32
          %dma_start3A_88 = tpu.memref_slice %arg2[%run_scoped3A_70, %add3A_47, %dma_start3A_87] : memref<2x2560x128xi32, #tpu.memory_space<hbm>> -> memref<1x40x128xi32, #tpu.memory_space<hbm>>
          %dma_start3A_89 = tpu.memref_squeeze %dma_start3A_88 : memref<1x40x128xi32, #tpu.memory_space<hbm>> -> memref<40x128xi32, #tpu.memory_space<hbm>>
          %dma_start3A_90 = arith.constant 0 : i32
          %dma_start3A_91 = tpu.memref_slice %arg2[%run_scoped3A_70, %add3A_47, %dma_start3A_90] : memref<2x2560x128xi32, #tpu.memory_space<hbm>> -> memref<1x40x128xi32, #tpu.memory_space<hbm>>
          %dma_start3A_92 = tpu.memref_squeeze %dma_start3A_91 : memref<1x40x128xi32, #tpu.memory_space<hbm>> -> memref<40x128xi32, #tpu.memory_space<hbm>>
          tpu.enqueue_dma source(%dma_start3A_92 : memref<40x128xi32, #tpu.memory_space<hbm>>) target(%arg7 : memref<40x128xi32, #tpu.memory_space<vmem>>) target_semaphore(%run_scoped3A_86 : memref<!tpu.dma_semaphore, #tpu.memory_space<semaphore_mem>>)
          %dma_wait3A_93 = arith.constant 0 : i32
          %dma_wait3A_94 = tpu.memref_slice %arg2[%run_scoped3A_70, %add3A_47, %dma_wait3A_93] : memref<2x2560x128xi32, #tpu.memory_space<hbm>> -> memref<1x40x128xi32, #tpu.memory_space<hbm>>
          %dma_wait3A_95 = tpu.memref_squeeze %dma_wait3A_94 : memref<1x40x128xi32, #tpu.memory_space<hbm>> -> memref<40x128xi32, #tpu.memory_space<hbm>>
          %dma_wait3A_96 = arith.constant 0 : i32
          %dma_wait3A_97 = tpu.memref_slice %arg2[%run_scoped3A_70, %add3A_47, %dma_wait3A_96] : memref<2x2560x128xi32, #tpu.memory_space<hbm>> -> memref<1x40x128xi32, #tpu.memory_space<hbm>>
          %dma_wait3A_98 = tpu.memref_squeeze %dma_wait3A_97 : memref<1x40x128xi32, #tpu.memory_space<hbm>> -> memref<40x128xi32, #tpu.memory_space<hbm>>
          tpu.wait_dma2 semaphore(%run_scoped3A_86 : memref<!tpu.dma_semaphore, #tpu.memory_space<semaphore_mem>>) src(%dma_wait3A_98 : memref<40x128xi32, #tpu.memory_space<hbm>>) dst(%arg7 : memref<40x128xi32, #tpu.memory_space<vmem>>)
          tpu.yield
        }) : () -> ()
        %run_scoped3A_71 = arith.constant 1 : i32
        "tpu.region"() ({
          %run_scoped3A_86 = tpu.sem_alloc : memref<!tpu.dma_semaphore, #tpu.memory_space<semaphore_mem>>
          %dma_start3A_87 = arith.constant 0 : i32
          %dma_start3A_88 = tpu.memref_slice %arg2[%run_scoped3A_71, %add3A_47, %dma_start3A_87] : memref<2x2560x128xi32, #tpu.memory_space<hbm>> -> memref<1x40x128xi32, #tpu.memory_space<hbm>>
          %dma_start3A_89 = tpu.memref_squeeze %dma_start3A_88 : memref<1x40x128xi32, #tpu.memory_space<hbm>> -> memref<40x128xi32, #tpu.memory_space<hbm>>
          %dma_start3A_90 = arith.constant 0 : i32
          %dma_start3A_91 = tpu.memref_slice %arg2[%run_scoped3A_71, %add3A_47, %dma_start3A_90] : memref<2x2560x128xi32, #tpu.memory_space<hbm>> -> memref<1x40x128xi32, #tpu.memory_space<hbm>>
          %dma_start3A_92 = tpu.memref_squeeze %dma_start3A_91 : memref<1x40x128xi32, #tpu.memory_space<hbm>> -> memref<40x128xi32, #tpu.memory_space<hbm>>
          tpu.enqueue_dma source(%dma_start3A_92 : memref<40x128xi32, #tpu.memory_space<hbm>>) target(%arg8 : memref<40x128xi32, #tpu.memory_space<vmem>>) target_semaphore(%run_scoped3A_86 : memref<!tpu.dma_semaphore, #tpu.memory_space<semaphore_mem>>)
          %dma_wait3A_93 = arith.constant 0 : i32
          %dma_wait3A_94 = tpu.memref_slice %arg2[%run_scoped3A_71, %add3A_47, %dma_wait3A_93] : memref<2x2560x128xi32, #tpu.memory_space<hbm>> -> memref<1x40x128xi32, #tpu.memory_space<hbm>>
          %dma_wait3A_95 = tpu.memref_squeeze %dma_wait3A_94 : memref<1x40x128xi32, #tpu.memory_space<hbm>> -> memref<40x128xi32, #tpu.memory_space<hbm>>
          %dma_wait3A_96 = arith.constant 0 : i32
          %dma_wait3A_97 = tpu.memref_slice %arg2[%run_scoped3A_71, %add3A_47, %dma_wait3A_96] : memref<2x2560x128xi32, #tpu.memory_space<hbm>> -> memref<1x40x128xi32, #tpu.memory_space<hbm>>
          %dma_wait3A_98 = tpu.memref_squeeze %dma_wait3A_97 : memref<1x40x128xi32, #tpu.memory_space<hbm>> -> memref<40x128xi32, #tpu.memory_space<hbm>>
          tpu.wait_dma2 semaphore(%run_scoped3A_86 : memref<!tpu.dma_semaphore, #tpu.memory_space<semaphore_mem>>) src(%dma_wait3A_98 : memref<40x128xi32, #tpu.memory_space<hbm>>) dst(%arg8 : memref<40x128xi32, #tpu.memory_space<vmem>>)
          tpu.yield
        }) : () -> ()
        %dma_start3A_72 = arith.constant 0 : i32
        %dma_start3A_73 = arith.constant 0 : i32
        %dma_start3A_74 = tpu.memref_slice %arg7[%dma_start3A_72, %dma_start3A_73] : memref<40x128xi32, #tpu.memory_space<vmem>> -> memref<1x128xi32, #tpu.memory_space<vmem>>
        %dma_start3A_75 = tpu.memref_squeeze %dma_start3A_74 : memref<1x128xi32, #tpu.memory_space<vmem>> -> memref<128xi32, #tpu.memory_space<vmem>>
        %dma_start3A_76 = arith.constant 0 : i32
        %dma_start3A_77 = arith.constant 0 : i32
        %dma_start3A_78 = tpu.memref_slice %arg4[%dma_start3A_76, %dma_start3A_77] : memref<10000x128xf32, #tpu.memory_space<hbm>> -> memref<10000x128xf32, #tpu.memory_space<hbm>>
        tpu.enqueue_indirect_dma source(%dma_start3A_78 : memref<10000x128xf32, #tpu.memory_space<hbm>>) target(%arg9 : memref<128x128xf32, #tpu.memory_space<vmem>>) offsets(%dma_start3A_75 : memref<128xi32, #tpu.memory_space<vmem>>) semaphore(%arg11 : memref<!tpu.dma_semaphore, #tpu.memory_space<semaphore_mem>>)
        %dma_start3A_79 = arith.constant 1 : i32
        %dma_start3A_80 = arith.constant 0 : i32
        %dma_start3A_81 = tpu.memref_slice %arg7[%dma_start3A_79, %dma_start3A_80] : memref<40x128xi32, #tpu.memory_space<vmem>> -> memref<1x128xi32, #tpu.memory_space<vmem>>
        %dma_start3A_82 = tpu.memref_squeeze %dma_start3A_81 : memref<1x128xi32, #tpu.memory_space<vmem>> -> memref<128xi32, #tpu.memory_space<vmem>>
        %dma_start3A_83 = arith.constant 0 : i32
        %dma_start3A_84 = arith.constant 0 : i32
        %dma_start3A_85 = tpu.memref_slice %arg4[%dma_start3A_83, %dma_start3A_84] : memref<10000x128xf32, #tpu.memory_space<hbm>> -> memref<10000x128xf32, #tpu.memory_space<hbm>>
        tpu.enqueue_indirect_dma source(%dma_start3A_85 : memref<10000x128xf32, #tpu.memory_space<hbm>>) target(%arg10 : memref<128x128xf32, #tpu.memory_space<vmem>>) offsets(%dma_start3A_82 : memref<128xi32, #tpu.memory_space<vmem>>) semaphore(%arg12 : memref<!tpu.dma_semaphore, #tpu.memory_space<semaphore_mem>>)
      } else {
      }
      %scan3A_50 = arith.constant 0 : i32
      %scan3A_51 = arith.constant 19 : i32
      %scan3A_52 = arith.addi %scan3A_50, %scan3A_51 : i32
      %scan3A_53 = arith.constant 1 : i32
      scf.for %scan3A_70 = %scan3A_50 to %scan3A_52 step %scan3A_53  : i32 {
        %mul3A_71 = arith.constant 2 : i32
        %mul3A_72 = arith.muli %scan3A_70, %mul3A_71 : i32
        %add3A_73 = arith.constant 0 : i32
        %add3A_74 = arith.addi %add3A_73, %mul3A_72 : i32
        %dma_wait3A_75 = arith.constant 0 : i32
        %dma_wait3A_76 = tpu.memref_slice %arg7[%add3A_74, %dma_wait3A_75] : memref<40x128xi32, #tpu.memory_space<vmem>> -> memref<1x128xi32, #tpu.memory_space<vmem>>
        %dma_wait3A_77 = tpu.memref_squeeze %dma_wait3A_76 : memref<1x128xi32, #tpu.memory_space<vmem>> -> memref<128xi32, #tpu.memory_space<vmem>>
        %dma_wait3A_78 = arith.constant 0 : i32
        %dma_wait3A_79 = arith.constant 0 : i32
        %dma_wait3A_80 = tpu.memref_slice %arg4[%dma_wait3A_78, %dma_wait3A_79] : memref<10000x128xf32, #tpu.memory_space<hbm>> -> memref<10000x128xf32, #tpu.memory_space<hbm>>
        tpu.wait_indirect_dma semaphore(%arg11 : memref<!tpu.dma_semaphore, #tpu.memory_space<semaphore_mem>>) src(%dma_wait3A_80 : memref<10000x128xf32, #tpu.memory_space<hbm>>) dst(%arg9 : memref<128x128xf32, #tpu.memory_space<vmem>>)
        "tpu.region"() ({
          %run_scoped3A_107 = tpu.sem_alloc : memref<!tpu.dma_semaphore, #tpu.memory_space<semaphore_mem>>
          %dma_start3A_108 = arith.constant 0 : i32
          %dma_start3A_109 = tpu.memref_slice %arg8[%add3A_74, %dma_start3A_108] : memref<40x128xi32, #tpu.memory_space<vmem>> -> memref<1x128xi32, #tpu.memory_space<vmem>>
          %dma_start3A_110 = tpu.memref_squeeze %dma_start3A_109 : memref<1x128xi32, #tpu.memory_space<vmem>> -> memref<128xi32, #tpu.memory_space<vmem>>
          %dma_start3A_111 = arith.constant 0 : i32
          %dma_start3A_112 = arith.constant 0 : i32
          %dma_start3A_113 = tpu.memref_slice %arg6[%dma_start3A_111, %dma_start3A_112] : memref<10240x128xf32, #tpu.memory_space<vmem_shared>> -> memref<10240x128xf32, #tpu.memory_space<vmem_shared>>
          tpu.enqueue_indirect_dma source(%arg9 : memref<128x128xf32, #tpu.memory_space<vmem>>) target(%dma_start3A_113 : memref<10240x128xf32, #tpu.memory_space<vmem_shared>>) offsets(%dma_start3A_110 : memref<128xi32, #tpu.memory_space<vmem>>) semaphore(%run_scoped3A_107 : memref<!tpu.dma_semaphore, #tpu.memory_space<semaphore_mem>>) {add = true}
          %dma_wait3A_114 = arith.constant 0 : i32
          %dma_wait3A_115 = tpu.memref_slice %arg8[%add3A_74, %dma_wait3A_114] : memref<40x128xi32, #tpu.memory_space<vmem>> -> memref<1x128xi32, #tpu.memory_space<vmem>>
          %dma_wait3A_116 = tpu.memref_squeeze %dma_wait3A_115 : memref<1x128xi32, #tpu.memory_space<vmem>> -> memref<128xi32, #tpu.memory_space<vmem>>
          %dma_wait3A_117 = arith.constant 0 : i32
          %dma_wait3A_118 = arith.constant 0 : i32
          %dma_wait3A_119 = tpu.memref_slice %arg6[%dma_wait3A_117, %dma_wait3A_118] : memref<10240x128xf32, #tpu.memory_space<vmem_shared>> -> memref<10240x128xf32, #tpu.memory_space<vmem_shared>>
          tpu.wait_indirect_dma semaphore(%run_scoped3A_107 : memref<!tpu.dma_semaphore, #tpu.memory_space<semaphore_mem>>) src(%arg9 : memref<128x128xf32, #tpu.memory_space<vmem>>) dst(%dma_wait3A_119 : memref<10240x128xf32, #tpu.memory_space<vmem_shared>>)
          tpu.yield
        }) : () -> ()
        %add3A_81 = arith.constant 2 : i32
        %add3A_82 = arith.addi %add3A_74, %add3A_81 : i32
        %dma_start3A_83 = arith.constant 0 : i32
        %dma_start3A_84 = tpu.memref_slice %arg7[%add3A_82, %dma_start3A_83] : memref<40x128xi32, #tpu.memory_space<vmem>> -> memref<1x128xi32, #tpu.memory_space<vmem>>
        %dma_start3A_85 = tpu.memref_squeeze %dma_start3A_84 : memref<1x128xi32, #tpu.memory_space<vmem>> -> memref<128xi32, #tpu.memory_space<vmem>>
        %dma_start3A_86 = arith.constant 0 : i32
        %dma_start3A_87 = arith.constant 0 : i32
        %dma_start3A_88 = tpu.memref_slice %arg4[%dma_start3A_86, %dma_start3A_87] : memref<10000x128xf32, #tpu.memory_space<hbm>> -> memref<10000x128xf32, #tpu.memory_space<hbm>>
        tpu.enqueue_indirect_dma source(%dma_start3A_88 : memref<10000x128xf32, #tpu.memory_space<hbm>>) target(%arg9 : memref<128x128xf32, #tpu.memory_space<vmem>>) offsets(%dma_start3A_85 : memref<128xi32, #tpu.memory_space<vmem>>) semaphore(%arg11 : memref<!tpu.dma_semaphore, #tpu.memory_space<semaphore_mem>>)
        %add3A_89 = arith.constant 1 : i32
        %add3A_90 = arith.addi %add3A_74, %add3A_89 : i32
        %dma_wait3A_91 = arith.constant 0 : i32
        %dma_wait3A_92 = tpu.memref_slice %arg7[%add3A_90, %dma_wait3A_91] : memref<40x128xi32, #tpu.memory_space<vmem>> -> memref<1x128xi32, #tpu.memory_space<vmem>>
        %dma_wait3A_93 = tpu.memref_squeeze %dma_wait3A_92 : memref<1x128xi32, #tpu.memory_space<vmem>> -> memref<128xi32, #tpu.memory_space<vmem>>
        %dma_wait3A_94 = arith.constant 0 : i32
        %dma_wait3A_95 = arith.constant 0 : i32
        %dma_wait3A_96 = tpu.memref_slice %arg4[%dma_wait3A_94, %dma_wait3A_95] : memref<10000x128xf32, #tpu.memory_space<hbm>> -> memref<10000x128xf32, #tpu.memory_space<hbm>>
        tpu.wait_indirect_dma semaphore(%arg12 : memref<!tpu.dma_semaphore, #tpu.memory_space<semaphore_mem>>) src(%dma_wait3A_96 : memref<10000x128xf32, #tpu.memory_space<hbm>>) dst(%arg10 : memref<128x128xf32, #tpu.memory_space<vmem>>)
        %add3A_97 = arith.constant 1 : i32
        %add3A_98 = arith.addi %add3A_74, %add3A_97 : i32
        "tpu.region"() ({
          %run_scoped3A_107 = tpu.sem_alloc : memref<!tpu.dma_semaphore, #tpu.memory_space<semaphore_mem>>
          %dma_start3A_108 = arith.constant 0 : i32
          %dma_start3A_109 = tpu.memref_slice %arg8[%add3A_98, %dma_start3A_108] : memref<40x128xi32, #tpu.memory_space<vmem>> -> memref<1x128xi32, #tpu.memory_space<vmem>>
          %dma_start3A_110 = tpu.memref_squeeze %dma_start3A_109 : memref<1x128xi32, #tpu.memory_space<vmem>> -> memref<128xi32, #tpu.memory_space<vmem>>
          %dma_start3A_111 = arith.constant 0 : i32
          %dma_start3A_112 = arith.constant 0 : i32
          %dma_start3A_113 = tpu.memref_slice %arg6[%dma_start3A_111, %dma_start3A_112] : memref<10240x128xf32, #tpu.memory_space<vmem_shared>> -> memref<10240x128xf32, #tpu.memory_space<vmem_shared>>
          tpu.enqueue_indirect_dma source(%arg10 : memref<128x128xf32, #tpu.memory_space<vmem>>) target(%dma_start3A_113 : memref<10240x128xf32, #tpu.memory_space<vmem_shared>>) offsets(%dma_start3A_110 : memref<128xi32, #tpu.memory_space<vmem>>) semaphore(%run_scoped3A_107 : memref<!tpu.dma_semaphore, #tpu.memory_space<semaphore_mem>>) {add = true}
          %dma_wait3A_114 = arith.constant 0 : i32
          %dma_wait3A_115 = tpu.memref_slice %arg8[%add3A_98, %dma_wait3A_114] : memref<40x128xi32, #tpu.memory_space<vmem>> -> memref<1x128xi32, #tpu.memory_space<vmem>>
          %dma_wait3A_116 = tpu.memref_squeeze %dma_wait3A_115 : memref<1x128xi32, #tpu.memory_space<vmem>> -> memref<128xi32, #tpu.memory_space<vmem>>
          %dma_wait3A_117 = arith.constant 0 : i32
          %dma_wait3A_118 = arith.constant 0 : i32
          %dma_wait3A_119 = tpu.memref_slice %arg6[%dma_wait3A_117, %dma_wait3A_118] : memref<10240x128xf32, #tpu.memory_space<vmem_shared>> -> memref<10240x128xf32, #tpu.memory_space<vmem_shared>>
          tpu.wait_indirect_dma semaphore(%run_scoped3A_107 : memref<!tpu.dma_semaphore, #tpu.memory_space<semaphore_mem>>) src(%arg10 : memref<128x128xf32, #tpu.memory_space<vmem>>) dst(%dma_wait3A_119 : memref<10240x128xf32, #tpu.memory_space<vmem_shared>>)
          tpu.yield
        }) : () -> ()
        %add3A_99 = arith.constant 3 : i32
        %add3A_100 = arith.addi %add3A_74, %add3A_99 : i32
        %dma_start3A_101 = arith.constant 0 : i32
        %dma_start3A_102 = tpu.memref_slice %arg7[%add3A_100, %dma_start3A_101] : memref<40x128xi32, #tpu.memory_space<vmem>> -> memref<1x128xi32, #tpu.memory_space<vmem>>
        %dma_start3A_103 = tpu.memref_squeeze %dma_start3A_102 : memref<1x128xi32, #tpu.memory_space<vmem>> -> memref<128xi32, #tpu.memory_space<vmem>>
        %dma_start3A_104 = arith.constant 0 : i32
        %dma_start3A_105 = arith.constant 0 : i32
        %dma_start3A_106 = tpu.memref_slice %arg4[%dma_start3A_104, %dma_start3A_105] : memref<10000x128xf32, #tpu.memory_space<hbm>> -> memref<10000x128xf32, #tpu.memory_space<hbm>>
        tpu.enqueue_indirect_dma source(%dma_start3A_106 : memref<10000x128xf32, #tpu.memory_space<hbm>>) target(%arg10 : memref<128x128xf32, #tpu.memory_space<vmem>>) offsets(%dma_start3A_103 : memref<128xi32, #tpu.memory_space<vmem>>) semaphore(%arg12 : memref<!tpu.dma_semaphore, #tpu.memory_space<semaphore_mem>>)
      }
      %scan3A_54 = arith.constant 19 : i32
      %dma_wait3A = arith.constant 38 : i32
      %dma_wait3A_55 = arith.constant 0 : i32
      %dma_wait3A_56 = tpu.memref_slice %arg7[%dma_wait3A, %dma_wait3A_55] : memref<40x128xi32, #tpu.memory_space<vmem>> -> memref<1x128xi32, #tpu.memory_space<vmem>>
      %dma_wait3A_57 = tpu.memref_squeeze %dma_wait3A_56 : memref<1x128xi32, #tpu.memory_space<vmem>> -> memref<128xi32, #tpu.memory_space<vmem>>
      %dma_wait3A_58 = arith.constant 0 : i32
      %dma_wait3A_59 = arith.constant 0 : i32
      %dma_wait3A_60 = tpu.memref_slice %arg4[%dma_wait3A_58, %dma_wait3A_59] : memref<10000x128xf32, #tpu.memory_space<hbm>> -> memref<10000x128xf32, #tpu.memory_space<hbm>>
      tpu.wait_indirect_dma semaphore(%arg11 : memref<!tpu.dma_semaphore, #tpu.memory_space<semaphore_mem>>) src(%dma_wait3A_60 : memref<10000x128xf32, #tpu.memory_space<hbm>>) dst(%arg9 : memref<128x128xf32, #tpu.memory_space<vmem>>)
      %run_scoped3A_61 = arith.constant 38 : i32
      "tpu.region"() ({
        %run_scoped3A_70 = tpu.sem_alloc : memref<!tpu.dma_semaphore, #tpu.memory_space<semaphore_mem>>
        %dma_start3A_71 = arith.constant 0 : i32
        %dma_start3A_72 = tpu.memref_slice %arg8[%run_scoped3A_61, %dma_start3A_71] : memref<40x128xi32, #tpu.memory_space<vmem>> -> memref<1x128xi32, #tpu.memory_space<vmem>>
        %dma_start3A_73 = tpu.memref_squeeze %dma_start3A_72 : memref<1x128xi32, #tpu.memory_space<vmem>> -> memref<128xi32, #tpu.memory_space<vmem>>
        %dma_start3A_74 = arith.constant 0 : i32
        %dma_start3A_75 = arith.constant 0 : i32
        %dma_start3A_76 = tpu.memref_slice %arg6[%dma_start3A_74, %dma_start3A_75] : memref<10240x128xf32, #tpu.memory_space<vmem_shared>> -> memref<10240x128xf32, #tpu.memory_space<vmem_shared>>
        tpu.enqueue_indirect_dma source(%arg9 : memref<128x128xf32, #tpu.memory_space<vmem>>) target(%dma_start3A_76 : memref<10240x128xf32, #tpu.memory_space<vmem_shared>>) offsets(%dma_start3A_73 : memref<128xi32, #tpu.memory_space<vmem>>) semaphore(%run_scoped3A_70 : memref<!tpu.dma_semaphore, #tpu.memory_space<semaphore_mem>>) {add = true}
        %dma_wait3A_77 = arith.constant 0 : i32
        %dma_wait3A_78 = tpu.memref_slice %arg8[%run_scoped3A_61, %dma_wait3A_77] : memref<40x128xi32, #tpu.memory_space<vmem>> -> memref<1x128xi32, #tpu.memory_space<vmem>>
        %dma_wait3A_79 = tpu.memref_squeeze %dma_wait3A_78 : memref<1x128xi32, #tpu.memory_space<vmem>> -> memref<128xi32, #tpu.memory_space<vmem>>
        %dma_wait3A_80 = arith.constant 0 : i32
        %dma_wait3A_81 = arith.constant 0 : i32
        %dma_wait3A_82 = tpu.memref_slice %arg6[%dma_wait3A_80, %dma_wait3A_81] : memref<10240x128xf32, #tpu.memory_space<vmem_shared>> -> memref<10240x128xf32, #tpu.memory_space<vmem_shared>>
        tpu.wait_indirect_dma semaphore(%run_scoped3A_70 : memref<!tpu.dma_semaphore, #tpu.memory_space<semaphore_mem>>) src(%arg9 : memref<128x128xf32, #tpu.memory_space<vmem>>) dst(%dma_wait3A_82 : memref<10240x128xf32, #tpu.memory_space<vmem_shared>>)
        tpu.yield
      }) : () -> ()
      %dma_wait3A_62 = arith.constant 39 : i32
      %dma_wait3A_63 = arith.constant 0 : i32
      %dma_wait3A_64 = tpu.memref_slice %arg7[%dma_wait3A_62, %dma_wait3A_63] : memref<40x128xi32, #tpu.memory_space<vmem>> -> memref<1x128xi32, #tpu.memory_space<vmem>>
      %dma_wait3A_65 = tpu.memref_squeeze %dma_wait3A_64 : memref<1x128xi32, #tpu.memory_space<vmem>> -> memref<128xi32, #tpu.memory_space<vmem>>
      %dma_wait3A_66 = arith.constant 0 : i32
      %dma_wait3A_67 = arith.constant 0 : i32
      %dma_wait3A_68 = tpu.memref_slice %arg4[%dma_wait3A_66, %dma_wait3A_67] : memref<10000x128xf32, #tpu.memory_space<hbm>> -> memref<10000x128xf32, #tpu.memory_space<hbm>>
      tpu.wait_indirect_dma semaphore(%arg12 : memref<!tpu.dma_semaphore, #tpu.memory_space<semaphore_mem>>) src(%dma_wait3A_68 : memref<10000x128xf32, #tpu.memory_space<hbm>>) dst(%arg10 : memref<128x128xf32, #tpu.memory_space<vmem>>)
      %run_scoped3A_69 = arith.constant 39 : i32
      "tpu.region"() ({
        %run_scoped3A_70 = tpu.sem_alloc : memref<!tpu.dma_semaphore, #tpu.memory_space<semaphore_mem>>
        %dma_start3A_71 = arith.constant 0 : i32
        %dma_start3A_72 = tpu.memref_slice %arg8[%run_scoped3A_69, %dma_start3A_71] : memref<40x128xi32, #tpu.memory_space<vmem>> -> memref<1x128xi32, #tpu.memory_space<vmem>>
        %dma_start3A_73 = tpu.memref_squeeze %dma_start3A_72 : memref<1x128xi32, #tpu.memory_space<vmem>> -> memref<128xi32, #tpu.memory_space<vmem>>
        %dma_start3A_74 = arith.constant 0 : i32
        %dma_start3A_75 = arith.constant 0 : i32
        %dma_start3A_76 = tpu.memref_slice %arg6[%dma_start3A_74, %dma_start3A_75] : memref<10240x128xf32, #tpu.memory_space<vmem_shared>> -> memref<10240x128xf32, #tpu.memory_space<vmem_shared>>
        tpu.enqueue_indirect_dma source(%arg10 : memref<128x128xf32, #tpu.memory_space<vmem>>) target(%dma_start3A_76 : memref<10240x128xf32, #tpu.memory_space<vmem_shared>>) offsets(%dma_start3A_73 : memref<128xi32, #tpu.memory_space<vmem>>) semaphore(%run_scoped3A_70 : memref<!tpu.dma_semaphore, #tpu.memory_space<semaphore_mem>>) {add = true}
        %dma_wait3A_77 = arith.constant 0 : i32
        %dma_wait3A_78 = tpu.memref_slice %arg8[%run_scoped3A_69, %dma_wait3A_77] : memref<40x128xi32, #tpu.memory_space<vmem>> -> memref<1x128xi32, #tpu.memory_space<vmem>>
        %dma_wait3A_79 = tpu.memref_squeeze %dma_wait3A_78 : memref<1x128xi32, #tpu.memory_space<vmem>> -> memref<128xi32, #tpu.memory_space<vmem>>
        %dma_wait3A_80 = arith.constant 0 : i32
        %dma_wait3A_81 = arith.constant 0 : i32
        %dma_wait3A_82 = tpu.memref_slice %arg6[%dma_wait3A_80, %dma_wait3A_81] : memref<10240x128xf32, #tpu.memory_space<vmem_shared>> -> memref<10240x128xf32, #tpu.memory_space<vmem_shared>>
        tpu.wait_indirect_dma semaphore(%run_scoped3A_70 : memref<!tpu.dma_semaphore, #tpu.memory_space<semaphore_mem>>) src(%arg10 : memref<128x128xf32, #tpu.memory_space<vmem>>) dst(%dma_wait3A_82 : memref<10240x128xf32, #tpu.memory_space<vmem_shared>>)
        tpu.yield
      }) : () -> ()
    }
    %scan3A_32 = arith.constant 2 : i32
    %barrier3A_33 = arith.constant 0 : index
    tpu.barrier barrier_id(%barrier3A_33)
    %mul3A_34 = arith.constant 640 : i32
    %mul3A_35 = arith.muli %arg1, %mul3A_34 : i32
    %mul3A_36 = arith.constant 640 : i32
    %mul3A_37 = arith.muli %arg1, %mul3A_36 : i32
    "tpu.region"() ({
      %run_scoped3A_38 = tpu.sem_alloc : memref<!tpu.dma_semaphore, #tpu.memory_space<semaphore_mem>>
      %dma_start3A_39 = arith.constant 0 : i32
      %dma_start3A_40 = tpu.memref_slice %arg5[%arg0, %mul3A_37, %dma_start3A_39] : memref<2x10240x128xf32, #tpu.memory_space<hbm>> -> memref<1x640x128xf32, #tpu.memory_space<hbm>>
      %dma_start3A_41 = tpu.memref_squeeze %dma_start3A_40 : memref<1x640x128xf32, #tpu.memory_space<hbm>> -> memref<640x128xf32, #tpu.memory_space<hbm>>
      %dma_start3A_42 = arith.constant 0 : i32
      %dma_start3A_43 = tpu.memref_slice %arg6[%mul3A_35, %dma_start3A_42] : memref<10240x128xf32, #tpu.memory_space<vmem_shared>> -> memref<640x128xf32, #tpu.memory_space<vmem_shared>>
      tpu.enqueue_dma source(%dma_start3A_43 : memref<640x128xf32, #tpu.memory_space<vmem_shared>>) target(%dma_start3A_41 : memref<640x128xf32, #tpu.memory_space<hbm>>) target_semaphore(%run_scoped3A_38 : memref<!tpu.dma_semaphore, #tpu.memory_space<semaphore_mem>>)
      %dma_wait3A = arith.constant 0 : i32
      %dma_wait3A_44 = tpu.memref_slice %arg5[%arg0, %mul3A_37, %dma_wait3A] : memref<2x10240x128xf32, #tpu.memory_space<hbm>> -> memref<1x640x128xf32, #tpu.memory_space<hbm>>
      %dma_wait3A_45 = tpu.memref_squeeze %dma_wait3A_44 : memref<1x640x128xf32, #tpu.memory_space<hbm>> -> memref<640x128xf32, #tpu.memory_space<hbm>>
      %dma_wait3A_46 = arith.constant 0 : i32
      %dma_wait3A_47 = tpu.memref_slice %arg6[%mul3A_35, %dma_wait3A_46] : memref<10240x128xf32, #tpu.memory_space<vmem_shared>> -> memref<640x128xf32, #tpu.memory_space<vmem_shared>>
      tpu.wait_dma2 semaphore(%run_scoped3A_38 : memref<!tpu.dma_semaphore, #tpu.memory_space<semaphore_mem>>) src(%dma_wait3A_47 : memref<640x128xf32, #tpu.memory_space<vmem_shared>>) dst(%dma_wait3A_45 : memref<640x128xf32, #tpu.memory_space<hbm>>)
      tpu.yield
    }) : () -> ()
    return
  }
}

module attributes {stable_mosaic.version = 14 : i64} {
  func.func @_mm_body(%arg0: memref<10000x128xf32, #tpu.memory_space<vmem>>, %arg1: memref<128x128xf32, #tpu.memory_space<vmem>>, %arg2: memref<10000x128xf32, #tpu.memory_space<vmem>>) attributes {dimension_semantics = [], scalar_prefetch = 0 : i64, scratch_operands = 0 : i64, tpu.core_type = #tpu.core_type<tc>} {
    %get3A = arith.constant 0 : index
    %get3A_0 = arith.constant 0 : index
    %get3A_1 = vector.load %arg0[%get3A, %get3A_0] : memref<10000x128xf32, #tpu.memory_space<vmem>>, vector<10000x128xf32>
    %get3A_2 = arith.constant 0 : index
    %get3A_3 = arith.constant 0 : index
    %get3A_4 = vector.load %arg1[%get3A_2, %get3A_3] : memref<128x128xf32, #tpu.memory_space<vmem>>, vector<128x128xf32>
    %dot_general3A = arith.constant dense<0.000000e+00> : vector<10000x128xf32>
    %dot_general3A_5 = tpu.matmul %get3A_1, %get3A_4, %dot_general3A {dimension_numbers = #tpu.dot_dimension_numbers<[1], [0], [0], [1], [0, 0, 1, 1], [], []>, transpose_lhs_hint = false} : vector<10000x128xf32>, vector<128x128xf32>, vector<10000x128xf32> -> vector<10000x128xf32>
    %swap3A = arith.constant 0 : index
    %swap3A_6 = arith.constant 0 : index
    %swap3A_7 = vector.load %arg2[%swap3A, %swap3A_6] : memref<10000x128xf32, #tpu.memory_space<vmem>>, vector<10000x128xf32>
    tpu.vector_store %arg2[%swap3A, %swap3A_6], %dot_general3A_5 {strides = array<i32>} : memref<10000x128xf32, #tpu.memory_space<vmem>>, vector<10000x128xf32>,
    return
  }
}

module attributes {stable_mosaic.version = 14 : i64} {
  func.func @_g1_body(%arg0: memref<10000x128xf32, #tpu.memory_space<vmem>>, %arg1: memref<32x10240xf32, #tpu.memory_space<vmem>>, %arg2: memref<10000x128xf32, #tpu.memory_space<vmem>>) attributes {dimension_semantics = [], scalar_prefetch = 0 : i64, scratch_operands = 0 : i64, tpu.core_type = #tpu.core_type<tc>} {
    %get3A = arith.constant 0 : index
    %get3A_0 = arith.constant 0 : index
    %get3A_1 = vector.load %arg0[%get3A, %get3A_0] : memref<10000x128xf32, #tpu.memory_space<vmem>>, vector<10000x128xf32>
    %get3A_2 = arith.constant 0 : index
    %get3A_3 = arith.constant 0 : index
    %get3A_4 = vector.load %arg1[%get3A_2, %get3A_3] : memref<32x10240xf32, #tpu.memory_space<vmem>>, vector<32x10240xf32>
    %reduce_sum3A = arith.constant dense<0.000000e+00> : vector<10240xf32>
    %reduce_sum3A_5 = vector.multi_reduction <add>, %get3A_4, %reduce_sum3A [0] : vector<32x10240xf32> to vector<10240xf32>
    %slice3A = vector.extract_strided_slice %reduce_sum3A_5 {offsets = [0], sizes = [10000], strides = [1]} : vector<10240xf32> to vector<10000xf32>
    %add3A = arith.constant 1.000000e+00 : f32
    %add3A_6 = vector.broadcast %add3A : f32 to vector<10000xf32>
    %add3A_7 = arith.addf %slice3A, %add3A_6 : vector<10000xf32>
    %rsqrt3A = math.rsqrt %add3A_7 : vector<10000xf32>
    %broadcast_in_dim3A = vector.shape_cast %rsqrt3A : vector<10000xf32> to vector<10000x1xf32>
    %mul3A = vector.broadcast %broadcast_in_dim3A : vector<10000x1xf32> to vector<10000x128xf32>
    %mul3A_8 = arith.mulf %get3A_1, %mul3A : vector<10000x128xf32>
    %swap3A = arith.constant 0 : index
    %swap3A_9 = arith.constant 0 : index
    %swap3A_10 = vector.load %arg2[%swap3A, %swap3A_9] : memref<10000x128xf32, #tpu.memory_space<vmem>>, vector<10000x128xf32>
    tpu.vector_store %arg2[%swap3A, %swap3A_9], %mul3A_8 {strides = array<i32>} : memref<10000x128xf32, #tpu.memory_space<vmem>>, vector<10000x128xf32>,
    return
  }
}

module attributes {stable_mosaic.version = 14 : i64} {
  func.func @_combine_body(%arg0: memref<2x10240x128xf32, #tpu.memory_space<vmem>>, %arg1: memref<10000x128xf32, #tpu.memory_space<vmem>>, %arg2: memref<32x10240xf32, #tpu.memory_space<vmem>>, %arg3: memref<128x128xf32, #tpu.memory_space<vmem>>, %arg4: memref<128xf32, #tpu.memory_space<vmem>>, %arg5: memref<10000x128xf32, #tpu.memory_space<vmem>>, %arg6: memref<10000x128xf32, #tpu.memory_space<vmem>>) attributes {dimension_semantics = [], scalar_prefetch = 0 : i64, scratch_operands = 0 : i64, tpu.core_type = #tpu.core_type<tc>} {
    %get3A = arith.constant 0 : index
    %get3A_0 = arith.constant 0 : index
    %get3A_1 = vector.load %arg2[%get3A, %get3A_0] : memref<32x10240xf32, #tpu.memory_space<vmem>>, vector<32x10240xf32>
    %reduce_sum3A = arith.constant dense<0.000000e+00> : vector<10240xf32>
    %reduce_sum3A_2 = vector.multi_reduction <add>, %get3A_1, %reduce_sum3A [0] : vector<32x10240xf32> to vector<10240xf32>
    %slice3A = vector.extract_strided_slice %reduce_sum3A_2 {offsets = [0], sizes = [10000], strides = [1]} : vector<10240xf32> to vector<10000xf32>
    %add3A = arith.constant 1.000000e+00 : f32
    %add3A_3 = vector.broadcast %add3A : f32 to vector<10000xf32>
    %add3A_4 = arith.addf %slice3A, %add3A_3 : vector<10000xf32>
    %rsqrt3A = math.rsqrt %add3A_4 : vector<10000xf32>
    %broadcast_in_dim3A = vector.shape_cast %rsqrt3A : vector<10000xf32> to vector<10000x1xf32>
    %get3A_5 = arith.constant 0 : index
    %get3A_6 = arith.constant 0 : index
    %get3A_7 = arith.constant 0 : index
    %get3A_8 = vector.load %arg0[%get3A_5, %get3A_6, %get3A_7] : memref<2x10240x128xf32, #tpu.memory_space<vmem>>, vector<1x10000x128xf32>
    %get3A_9 = vector.shape_cast %get3A_8 : vector<1x10000x128xf32> to vector<10000x128xf32>
    %get3A_10 = arith.constant 1 : index
    %get3A_11 = arith.constant 0 : index
    %get3A_12 = arith.constant 0 : index
    %get3A_13 = vector.load %arg0[%get3A_10, %get3A_11, %get3A_12] : memref<2x10240x128xf32, #tpu.memory_space<vmem>>, vector<1x10000x128xf32>
    %get3A_14 = vector.shape_cast %get3A_13 : vector<1x10000x128xf32> to vector<10000x128xf32>
    %add3A_15 = arith.addf %get3A_9, %get3A_14 : vector<10000x128xf32>
    %mul3A = vector.broadcast %broadcast_in_dim3A : vector<10000x1xf32> to vector<10000x128xf32>
    %mul3A_16 = arith.mulf %mul3A, %add3A_15 : vector<10000x128xf32>
    %mul3A_17 = arith.mulf %broadcast_in_dim3A, %broadcast_in_dim3A : vector<10000x1xf32>
    %get3A_18 = arith.constant 0 : index
    %get3A_19 = arith.constant 0 : index
    %get3A_20 = vector.load %arg1[%get3A_18, %get3A_19] : memref<10000x128xf32, #tpu.memory_space<vmem>>, vector<10000x128xf32>
    %mul3A_21 = vector.broadcast %mul3A_17 : vector<10000x1xf32> to vector<10000x128xf32>
    %mul3A_22 = arith.mulf %mul3A_21, %get3A_20 : vector<10000x128xf32>
    %add3A_23 = arith.addf %mul3A_16, %mul3A_22 : vector<10000x128xf32>
    %get3A_24 = arith.constant 0 : index
    %get3A_25 = vector.load %arg4[%get3A_24] : memref<128xf32, #tpu.memory_space<vmem>>, vector<128xf32>
    %broadcast_in_dim3A_26 = vector.shape_cast %get3A_25 : vector<128xf32> to vector<1x128xf32>
    %add3A_27 = vector.broadcast %broadcast_in_dim3A_26 : vector<1x128xf32> to vector<10000x128xf32>
    %add3A_28 = arith.addf %add3A_23, %add3A_27 : vector<10000x128xf32>
    %max3A = arith.constant 0.000000e+00 : f32
    %max3A_29 = vector.broadcast %max3A : f32 to vector<10000x128xf32>
    %max3A_30 = arith.maximumf %add3A_28, %max3A_29 : vector<10000x128xf32>
    %get3A_31 = arith.constant 0 : index
    %get3A_32 = arith.constant 0 : index
    %get3A_33 = vector.load %arg3[%get3A_31, %get3A_32] : memref<128x128xf32, #tpu.memory_space<vmem>>, vector<128x128xf32>
    %dot_general3A = arith.constant dense<0.000000e+00> : vector<10000x128xf32>
    %dot_general3A_34 = tpu.matmul %max3A_30, %get3A_33, %dot_general3A {dimension_numbers = #tpu.dot_dimension_numbers<[1], [0], [0], [1], [0, 0, 1, 1], [], []>, transpose_lhs_hint = false} : vector<10000x128xf32>, vector<128x128xf32>, vector<10000x128xf32> -> vector<10000x128xf32>
    %swap3A = arith.constant 0 : index
    %swap3A_35 = arith.constant 0 : index
    %swap3A_36 = vector.load %arg5[%swap3A, %swap3A_35] : memref<10000x128xf32, #tpu.memory_space<vmem>>, vector<10000x128xf32>
    tpu.vector_store %arg5[%swap3A, %swap3A_35], %dot_general3A_34 {strides = array<i32>} : memref<10000x128xf32, #tpu.memory_space<vmem>>, vector<10000x128xf32>,
    %mul3A_37 = vector.broadcast %broadcast_in_dim3A : vector<10000x1xf32> to vector<10000x128xf32>
    %mul3A_38 = arith.mulf %dot_general3A_34, %mul3A_37 : vector<10000x128xf32>
    %swap3A_39 = arith.constant 0 : index
    %swap3A_40 = arith.constant 0 : index
    %swap3A_41 = vector.load %arg6[%swap3A_39, %swap3A_40] : memref<10000x128xf32, #tpu.memory_space<vmem>>, vector<10000x128xf32>
    tpu.vector_store %arg6[%swap3A_39, %swap3A_40], %mul3A_38 {strides = array<i32>} : memref<10000x128xf32, #tpu.memory_space<vmem>>, vector<10000x128xf32>,
    return
  }
}

module attributes {stable_mosaic.version = 14 : i64} {
  func.func @_combine3_body(%arg0: memref<2x10240x128xf32, #tpu.memory_space<vmem>>, %arg1: memref<10000x128xf32, #tpu.memory_space<vmem>>, %arg2: memref<32x10240xf32, #tpu.memory_space<vmem>>, %arg3: memref<128xf32, #tpu.memory_space<vmem>>, %arg4: memref<10000x128xf32, #tpu.memory_space<vmem>>, %arg5: memref<10000x128xf32, #tpu.memory_space<vmem>>) attributes {dimension_semantics = [], scalar_prefetch = 0 : i64, scratch_operands = 0 : i64, tpu.core_type = #tpu.core_type<tc>} {
    %get3A = arith.constant 0 : index
    %get3A_0 = arith.constant 0 : index
    %get3A_1 = vector.load %arg2[%get3A, %get3A_0] : memref<32x10240xf32, #tpu.memory_space<vmem>>, vector<32x10240xf32>
    %reduce_sum3A = arith.constant dense<0.000000e+00> : vector<10240xf32>
    %reduce_sum3A_2 = vector.multi_reduction <add>, %get3A_1, %reduce_sum3A [0] : vector<32x10240xf32> to vector<10240xf32>
    %slice3A = vector.extract_strided_slice %reduce_sum3A_2 {offsets = [0], sizes = [10000], strides = [1]} : vector<10240xf32> to vector<10000xf32>
    %add3A = arith.constant 1.000000e+00 : f32
    %add3A_3 = vector.broadcast %add3A : f32 to vector<10000xf32>
    %add3A_4 = arith.addf %slice3A, %add3A_3 : vector<10000xf32>
    %rsqrt3A = math.rsqrt %add3A_4 : vector<10000xf32>
    %broadcast_in_dim3A = vector.shape_cast %rsqrt3A : vector<10000xf32> to vector<10000x1xf32>
    %get3A_5 = arith.constant 0 : index
    %get3A_6 = arith.constant 0 : index
    %get3A_7 = arith.constant 0 : index
    %get3A_8 = vector.load %arg0[%get3A_5, %get3A_6, %get3A_7] : memref<2x10240x128xf32, #tpu.memory_space<vmem>>, vector<1x10000x128xf32>
    %get3A_9 = vector.shape_cast %get3A_8 : vector<1x10000x128xf32> to vector<10000x128xf32>
    %get3A_10 = arith.constant 1 : index
    %get3A_11 = arith.constant 0 : index
    %get3A_12 = arith.constant 0 : index
    %get3A_13 = vector.load %arg0[%get3A_10, %get3A_11, %get3A_12] : memref<2x10240x128xf32, #tpu.memory_space<vmem>>, vector<1x10000x128xf32>
    %get3A_14 = vector.shape_cast %get3A_13 : vector<1x10000x128xf32> to vector<10000x128xf32>
    %add3A_15 = arith.addf %get3A_9, %get3A_14 : vector<10000x128xf32>
    %mul3A = vector.broadcast %broadcast_in_dim3A : vector<10000x1xf32> to vector<10000x128xf32>
    %mul3A_16 = arith.mulf %mul3A, %add3A_15 : vector<10000x128xf32>
    %mul3A_17 = arith.mulf %broadcast_in_dim3A, %broadcast_in_dim3A : vector<10000x1xf32>
    %get3A_18 = arith.constant 0 : index
    %get3A_19 = arith.constant 0 : index
    %get3A_20 = vector.load %arg1[%get3A_18, %get3A_19] : memref<10000x128xf32, #tpu.memory_space<vmem>>, vector<10000x128xf32>
    %mul3A_21 = vector.broadcast %mul3A_17 : vector<10000x1xf32> to vector<10000x128xf32>
    %mul3A_22 = arith.mulf %mul3A_21, %get3A_20 : vector<10000x128xf32>
    %add3A_23 = arith.addf %mul3A_16, %mul3A_22 : vector<10000x128xf32>
    %get3A_24 = arith.constant 0 : index
    %get3A_25 = vector.load %arg3[%get3A_24] : memref<128xf32, #tpu.memory_space<vmem>>, vector<128xf32>
    %broadcast_in_dim3A_26 = vector.shape_cast %get3A_25 : vector<128xf32> to vector<1x128xf32>
    %add3A_27 = vector.broadcast %broadcast_in_dim3A_26 : vector<1x128xf32> to vector<10000x128xf32>
    %add3A_28 = arith.addf %add3A_23, %add3A_27 : vector<10000x128xf32>
    %max3A = arith.constant 0.000000e+00 : f32
    %max3A_29 = vector.broadcast %max3A : f32 to vector<10000x128xf32>
    %max3A_30 = arith.maximumf %add3A_28, %max3A_29 : vector<10000x128xf32>
    %swap3A = arith.constant 0 : index
    %swap3A_31 = arith.constant 0 : index
    %swap3A_32 = vector.load %arg4[%swap3A, %swap3A_31] : memref<10000x128xf32, #tpu.memory_space<vmem>>, vector<10000x128xf32>
    tpu.vector_store %arg4[%swap3A, %swap3A_31], %max3A_30 {strides = array<i32>} : memref<10000x128xf32, #tpu.memory_space<vmem>>, vector<10000x128xf32>,
    %mul3A_33 = vector.broadcast %broadcast_in_dim3A : vector<10000x1xf32> to vector<10000x128xf32>
    %mul3A_34 = arith.mulf %max3A_30, %mul3A_33 : vector<10000x128xf32>
    %swap3A_35 = arith.constant 0 : index
    %swap3A_36 = arith.constant 0 : index
    %swap3A_37 = vector.load %arg5[%swap3A_35, %swap3A_36] : memref<10000x128xf32, #tpu.memory_space<vmem>>, vector<10000x128xf32>
    tpu.vector_store %arg5[%swap3A_35, %swap3A_36], %mul3A_34 {strides = array<i32>} : memref<10000x128xf32, #tpu.memory_space<vmem>>, vector<10000x128xf32>,
    return
  }
}

module attributes {stable_mosaic.version = 14 : i64} {
  func.func @_final_body(%arg0: memref<2x10240x128xf32, #tpu.memory_space<vmem>>, %arg1: memref<10000x128xf32, #tpu.memory_space<vmem>>, %arg2: memref<32x10240xf32, #tpu.memory_space<vmem>>, %arg3: memref<128x16xf32, #tpu.memory_space<vmem>>, %arg4: memref<16xf32, #tpu.memory_space<vmem>>, %arg5: memref<10000x16xf32, #tpu.memory_space<vmem>>) attributes {dimension_semantics = [], scalar_prefetch = 0 : i64, scratch_operands = 0 : i64, tpu.core_type = #tpu.core_type<tc>} {
    %get3A = arith.constant 0 : index
    %get3A_0 = arith.constant 0 : index
    %get3A_1 = vector.load %arg2[%get3A, %get3A_0] : memref<32x10240xf32, #tpu.memory_space<vmem>>, vector<32x10240xf32>
    %reduce_sum3A = arith.constant dense<0.000000e+00> : vector<10240xf32>
    %reduce_sum3A_2 = vector.multi_reduction <add>, %get3A_1, %reduce_sum3A [0] : vector<32x10240xf32> to vector<10240xf32>
    %slice3A = vector.extract_strided_slice %reduce_sum3A_2 {offsets = [0], sizes = [10000], strides = [1]} : vector<10240xf32> to vector<10000xf32>
    %add3A = arith.constant 1.000000e+00 : f32
    %add3A_3 = vector.broadcast %add3A : f32 to vector<10000xf32>
    %add3A_4 = arith.addf %slice3A, %add3A_3 : vector<10000xf32>
    %rsqrt3A = math.rsqrt %add3A_4 : vector<10000xf32>
    %broadcast_in_dim3A = vector.shape_cast %rsqrt3A : vector<10000xf32> to vector<10000x1xf32>
    %get3A_5 = arith.constant 0 : index
    %get3A_6 = arith.constant 0 : index
    %get3A_7 = arith.constant 0 : index
    %get3A_8 = vector.load %arg0[%get3A_5, %get3A_6, %get3A_7] : memref<2x10240x128xf32, #tpu.memory_space<vmem>>, vector<1x10000x128xf32>
    %get3A_9 = vector.shape_cast %get3A_8 : vector<1x10000x128xf32> to vector<10000x128xf32>
    %get3A_10 = arith.constant 1 : index
    %get3A_11 = arith.constant 0 : index
    %get3A_12 = arith.constant 0 : index
    %get3A_13 = vector.load %arg0[%get3A_10, %get3A_11, %get3A_12] : memref<2x10240x128xf32, #tpu.memory_space<vmem>>, vector<1x10000x128xf32>
    %get3A_14 = vector.shape_cast %get3A_13 : vector<1x10000x128xf32> to vector<10000x128xf32>
    %add3A_15 = arith.addf %get3A_9, %get3A_14 : vector<10000x128xf32>
    %mul3A = vector.broadcast %broadcast_in_dim3A : vector<10000x1xf32> to vector<10000x128xf32>
    %mul3A_16 = arith.mulf %mul3A, %add3A_15 : vector<10000x128xf32>
    %mul3A_17 = arith.mulf %broadcast_in_dim3A, %broadcast_in_dim3A : vector<10000x1xf32>
    %get3A_18 = arith.constant 0 : index
    %get3A_19 = arith.constant 0 : index
    %get3A_20 = vector.load %arg1[%get3A_18, %get3A_19] : memref<10000x128xf32, #tpu.memory_space<vmem>>, vector<10000x128xf32>
    %mul3A_21 = vector.broadcast %mul3A_17 : vector<10000x1xf32> to vector<10000x128xf32>
    %mul3A_22 = arith.mulf %mul3A_21, %get3A_20 : vector<10000x128xf32>
    %add3A_23 = arith.addf %mul3A_16, %mul3A_22 : vector<10000x128xf32>
    %get3A_24 = arith.constant 0 : index
    %get3A_25 = arith.constant 0 : index
    %get3A_26 = vector.load %arg3[%get3A_24, %get3A_25] : memref<128x16xf32, #tpu.memory_space<vmem>>, vector<128x16xf32>
    %dot_general3A = arith.constant dense<0.000000e+00> : vector<10000x16xf32>
    %dot_general3A_27 = tpu.matmul %add3A_23, %get3A_26, %dot_general3A {dimension_numbers = #tpu.dot_dimension_numbers<[1], [0], [0], [1], [0, 0, 1, 1], [], []>, transpose_lhs_hint = false} : vector<10000x128xf32>, vector<128x16xf32>, vector<10000x16xf32> -> vector<10000x16xf32>
    %get3A_28 = arith.constant 0 : index
    %get3A_29 = vector.load %arg4[%get3A_28] : memref<16xf32, #tpu.memory_space<vmem>>, vector<16xf32>
    %broadcast_in_dim3A_30 = vector.shape_cast %get3A_29 : vector<16xf32> to vector<1x16xf32>
    %add3A_31 = vector.broadcast %broadcast_in_dim3A_30 : vector<1x16xf32> to vector<10000x16xf32>
    %add3A_32 = arith.addf %dot_general3A_27, %add3A_31 : vector<10000x16xf32>
    %swap3A = arith.constant 0 : index
    %swap3A_33 = arith.constant 0 : index
    %swap3A_34 = vector.load %arg5[%swap3A, %swap3A_33] : memref<10000x16xf32, #tpu.memory_space<vmem>>, vector<10000x16xf32>
    tpu.vector_store %arg5[%swap3A, %swap3A_33], %add3A_32 {strides = array<i32>} : memref<10000x16xf32, #tpu.memory_space<vmem>>, vector<10000x16xf32>,
    return
  }
}

</mosaic_0001>

<sc_bundles>
// kernel: kernel.11.cloned.1.call-start
scs
__scs_entry_jumppad:
0x0: {  	(pc) =	sbr.rel $0x88, $3  }
0x1: {  	(tag) =	ssettag $0x0;
	lr =	simm.s32 $0x1  }
0x2: {  	[smem:$0x3F99] =	sst lr;
	_ =	strace $0xD0000000  }
0x3: {  	_ = 	snop  }
0x4: {  	_ = 	snop  }
0x5: {  	_ = 	snop  }
0x6: {  	_ = 	snop  }
0x7: {  	_ = 	snop  }
__scs_overlays_trampoline_lowered:
0x8: {  	[smem:$0x3FA8] =	sst s0  }
0x9: {  	[smem:$0x3FA9] =	sst s1  }
0xa: {  	[smem:$0x3FAA] =	sst s2  }
0xb: {  	[smem:$0x3FAB] =	sst s3  }
0xc: {  	[smem:$0x3FAC] =	sst s4  }
0xd: {  	[smem:$0x3FAD] =	sst s5  }
0xe: {  	[smem:$0x3FAE] =	sst s6  }
0xf: {  	[smem:$0x3FAF] =	sst s7  }
0x10: {  	[smem:$0x3FB0] =	sst s8  }
0x11: {  	[smem:$0x3FB1] =	sst s9;
	s0 =	simm.s32 @!p0 $0x0  }
0x12: {  	s1 =	sld [smem:$0x3F97];
	s0 =	simm.s32 @p0 $0x1  }
0x13: {  	[smem:$0x3FB2] =	sst s0;
	s0 =	simm.s32 @!p1 $0x0  }
0x14: {  	s2 =	sld [smem:$0x3F96];
	s0 =	simm.s32 @p1 $0x1  }
0x15: {  	[smem:$0x3FB3] =	sst s0;
	s0 =	simm.s32 @!p2 $0x0  }
0x16: {  	s3 =	sld [smem:$0x3FDB];
	s0 =	simm.s32 @p2 $0x1  }
0x17: {  	s4 =	simm.s32 $0x1BF5;
	[smem:$0x3FB5] =	sst s0  }
0x18: {  	s0 =	sld [smem:$0x3F98];
	_ =	swait.ge [sflag:s4], $0x0  }
0x19: {  	s7 =	sld [smem:$0x3F99]  }
0x1a: {  	s8 =	sadd.s32 $0xFFFFE003, lr  }
0x1b: {  	s9 =	sadd.s32 $0xFFFFFEF7, lr;
	s5 =	simm.s32 $0xFFFFFFFF;
	p2 =	slt.u32 s8, $0xFFFFF086  }
0x1c: {  	p1 =	slt.u32 s9, $0xF7A;
	s5 =	simm.s32 @!p2 $0x0  }
0x1d: {  	s5 =	simm.s32 @p1 $0x1;
	p0 =	seq.s32 s7, s2  }
0x1e: {  	s7 =	smul.u32 @!p0 $0xF7A, s2;
	p2 =	seq.s32 @!p0 s5, $0x0  }
0x1f: {  	s9 =	smul.u32 $0xF7A, s1;
	s8 =	simm.s32 @!p0 $0x1BF5;
	p2 =	por !p2, p0  }
0x20: {  	[sflag:s8] =	ssyncset.s32 @!p0 $0xFFFFF086;
	s6 =	sadd.s32 @!p0 s3, s7;
	s7 =	simm.s32 @!p0 $0x108  }
0x21: {  	s3 =	sadd.s32 s3, s9;
	s6 =	sadd.s32 @!p0 $0x88, s6;
	s7 =	simm.s32 @p2 $0x1082  }
0x22: {  	[simem:s7], [sflag:s8] =	dma.local @!p0 [hbm:s6], $0xF7A  }
0x23: {  	s9 =	sor.u32 $0xD0000000, s2;
	s6 =	simm.s32 $0x108;
	_ =	swait.ge @!p0 [sflag:s8], $0x0  }
0x24: {  	s3 =	sadd.s32 $0x88, s3;
	s6 =	simm.s32 @!p1 $0x1082;
	[sflag:s4] =	ssyncset.s32 $0xFFFFF086  }
0x25: {  	[simem:s6], [sflag:s4] =	dma.local [hbm:s3], $0xF7A  }
0x26: {  	[smem:$0x3F99] =	sst s1;
	(tag) =	ssettag s2;
	_ =	strace s9  }
0x27: {  	s1 =	sld [smem:$0x3FA9]  }
0x28: {  	s2 =	sld [smem:$0x3FAA]  }
0x29: {  	s4 =	sld [smem:$0x3FAC]  }
0x2a: {  	p0 =	seq.s32 s5, $0x0;
	s5 =	sld [smem:$0x3FAD]  }
0x2b: {  	s6 =	sld [smem:$0x3FAE]  }
0x2c: {  	s7 =	sld [smem:$0x3FAF]  }
0x2d: {  	s3 =	simm.s32 $0x108;
	s8 =	sld [smem:$0x3FB0]  }
0x2e: {  	s3 =	simm.s32 @!p0 $0x1082;
	s9 =	sld [smem:$0x3FB1]  }
0x2f: {  	lr =	sadd.s32 s0, s3;
	s0 =	sld [smem:$0x3FA8]  }
0x30: {  	s3 =	sld [smem:$0x3FAB]  }
0x31: {  	[smem:$0x3FB4] =	sst s10  }
0x32: {  	s10 =	sld [smem:$0x3FB2];
	_ =	sdelay $0x3  }
0x33: {  	p0 =	seq.s32 s10, $0x1;
	s10 =	sld [smem:$0x3FB4];
	_ =	sdelay $0x3  }
0x34: {  	[smem:$0x3FB4] =	sst s10  }
0x35: {  	s10 =	sld [smem:$0x3FB3];
	_ =	sdelay $0x3  }
0x36: {  	p1 =	seq.s32 s10, $0x1;
	s10 =	sld [smem:$0x3FB4];
	_ =	sdelay $0x3  }
0x37: {  	[smem:$0x3FB4] =	sst s10  }
0x38: {  	s10 =	sld [smem:$0x3FB5]  }
0x39: {  	_ = 	snop;
	(pc) =	sbr.ind lr, $3  }
0x3a: {  	_ = 	snop  }
0x3b: {  	_ = 	snop  }
0x3c: {  	p2 =	seq.s32 s10, $0x1;
	s10 =	sld [smem:$0x3FB4]  }
0x3d: {  	_ =	shalt  }
0x3e: {  	_ =	shalt  }
0x3f: {  	_ =	shalt  }
0x40: {  	_ =	shalt  }
0x41: {  	_ =	shalt  }
0x42: {  	_ =	shalt  }
0x43: {  	_ =	shalt  }
0x44: {  	_ =	shalt  }
0x45: {  	_ =	shalt  }
0x46: {  	_ =	shalt  }
0x47: {  	_ =	shalt  }
0x48: {  	_ =	shalt  }
0x49: {  	_ =	shalt  }
0x4a: {  	_ =	shalt  }
0x4b: {  	_ =	shalt  }
0x4c: {  	_ =	shalt  }
0x4d: {  	_ =	shalt  }
0x4e: {  	_ =	shalt  }
0x4f: {  	_ =	shalt  }
0x50: {  	_ =	shalt  }
0x51: {  	_ =	shalt  }
0x52: {  	_ =	shalt  }
0x53: {  	_ =	shalt  }
0x54: {  	_ =	shalt  }
0x55: {  	_ =	shalt  }
0x56: {  	_ =	shalt  }
0x57: {  	_ =	shalt  }
0x58: {  	_ =	shalt  }
0x59: {  	_ =	shalt  }
0x5a: {  	_ =	shalt  }
0x5b: {  	_ =	shalt  }
0x5c: {  	_ =	shalt  }
0x5d: {  	_ =	shalt  }
0x5e: {  	_ =	shalt  }
0x5f: {  	_ =	shalt  }
0x60: {  	_ =	shalt  }
0x61: {  	_ =	shalt  }
0x62: {  	_ =	shalt  }
0x63: {  	_ =	shalt  }
0x64: {  	_ =	shalt  }
0x65: {  	_ =	shalt  }
0x66: {  	_ =	shalt  }
0x67: {  	_ =	shalt  }
0x68: {  	_ =	shalt  }
0x69: {  	_ =	shalt  }
0x6a: {  	_ =	shalt  }
0x6b: {  	_ =	shalt  }
0x6c: {  	_ =	shalt  }
0x6d: {  	_ =	shalt  }
0x6e: {  	_ =	shalt  }
0x6f: {  	_ =	shalt  }
0x70: {  	_ =	shalt  }
0x71: {  	_ =	shalt  }
0x72: {  	_ =	shalt  }
0x73: {  	_ =	shalt  }
0x74: {  	_ =	shalt  }
0x75: {  	_ =	shalt  }
0x76: {  	_ =	shalt  }
0x77: {  	_ =	shalt  }
0x78: {  	_ =	shalt  }
0x79: {  	_ =	shalt  }
0x7a: {  	_ =	shalt  }
0x7b: {  	_ =	shalt  }
0x7c: {  	_ =	shalt  }
0x7d: {  	_ =	shalt  }
0x7e: {  	_ =	shalt  }
0x7f: {  	_ =	shalt  }
0x80: {  	_ =	shalt  }
0x81: {  	_ =	shalt  }
0x82: {  	_ =	shalt  }
0x83: {  	_ =	shalt  }
0x84: {  	_ =	shalt  }
0x85: {  	_ =	shalt  }
0x86: {  	_ =	shalt  }
0x87: {  	_ =	shalt  }
.Lfunc_end0:
.L_simem_size_0:
called_computation_lowered:
.L_overlay_start_0:
0x88: {  	s2 =	sld [smem:$0x3FD9]  }
0x89: {  	s3 =	sld [smem:$0x3FFE];
	_ =	sdelay $0x1  }
0x8a: {  	s1 =	srdreg.scid  }
0x8b: {  	s0 =	sand.u32 $0x1, s1  }
0x8c: {  	s16 =	sshll.u32 s0, $0xA;
	s2 =	sadd.s32 s3, s2  }
0x8d: {  	s2 =	sadd.s32 s2, s16  }
0x8e: {  	[smem:$0x3FC0] =	sst s2  }
0x8f: {  	_ = 	snop  }
0x90: {  	(tm) =	ssettm $0x1  }
0x91: {  	s17 =	sld [smem:$0x3FFB];
	_ =	sdelay $0x3  }
0x92: {  	_ =	strace s17  }
0x93: {  	s2 =	sld [smem:$0x3FFC];
	_ =	sdelay $0x3  }
0x94: {  	_ =	strace s2  }
0x95: {  	s2 =	sld [smem:$0x3FFD];
	_ =	sdelay $0x3  }
0x96: {  	_ =	strace s2  }
0x97: {  	_ =	strace $0x8FFFFFFF  }
0x98: {  	s18 =	sld [smem:$0x3FDB];
	_ =	sdelay $0x1  }
0x99: {  	s19 =	simm.s32 $_scs_section_size  }
0x9a: {  	s4 =	simm.s32 $_size__tile_overlayer_lowered;
	s5 =	simm.s32 $_tile_overlayer_lowered  }
0x9b: {  	s22 =	simm.s32 $0x1BFF;
	s21 =	sshll.u32 s5, $0x1;
	s2 =	sadd.s32 s19, s18  }
0x9c: {  	s6 =	simm.s32 $0x0;
	s20 =	sshll.u32 s4, $0x1;
	s4 =	sadd.s32 s21, s2  }
0x9d: {  	[timem:s6], [sflag:s22] =	dma.local [hbm:s4], s20  }
0x9e: {  	_ =	swait.ge [sflag:s22], s20  }
0x9f: {  	s3 =	ssub.s32 $0x0, s20;
	[sflag:s22] =	ssyncset.done $0x0  }
0xa0: {  	[sflag:s22] =	ssyncadd.s32 s3;
	_ =	sdelay $0x1  }
0xa1: {  	s23 =	simm.s32 $0x1B8B  }
0xa2: {  	_ =	swait.ge [sflag:s23], $0x1  }
0xa3: {  	[sflag:s23] =	ssyncset.done $0x0  }
0xa4: {  	s25 =	simm.s32 $0x1B8E;
	s24 =	sld [smem:$0x3FFE];
	[sflag:s23] =	ssyncadd.s32 $0xFFFFFFFF  }
0xa5: {  	s26 =	simm.s32 $execute0_lowered;
	[smem:$0x3FD2] =	sst s25  }
0xa6: {  	s4 =	sshll.u32 s26, $0x1;
	_ =	strace $0x80000046;
	[dreg:$0x1] =	wrdreg $0xFFFFFFFF  }
0xa7: {  	s28 =	simm.s32 $_size_execute0_lowered;
	s2 =	sadd.s32 s2, s4;
	[dreg:$0x0] =	wrdreg $0x0  }
0xa8: {  	s4 =	sshll.u32 s28, $0x1;
	[dreg:$0x2] =	wrdreg s2  }
0xa9: {  	[dreg:$0x3] =	wrdreg s4  }
0xaa: {  	[dreg:$0x4] =	wrdreg $0xC0  }
0xab: {  	_ =	task [dreg:s6], $0x5FFFF  }
0xac: {  	[dreg:$0x1] =	wrdreg $0xFFFFFFFF  }
0xad: {  	[dreg:$0x0] =	wrdreg $0x60  }
0xae: {  	[dreg:$0x2] =	wrdreg s24  }
0xaf: {  	[dreg:$0x3] =	wrdreg $0x9  }
0xb0: {  	_ =	task.clear_ibuf [dreg:s6], $0x4FFFF;
	_ =	strace $0x90000046  }
0xb1: {  	s29 =	simm.s32 $0x9;
	_ =	strace $0x80000048  }
0xb2: {  	_ =	swait.ge [sflag:s29], $0x1  }
0xb3: {  	[sflag:s29] =	ssyncadd.s32 $0xFFFFFFFF  }
0xb4: {  	_ =	strace $0x90000048  }
0xb5: {  	_ =	sfence  }
0xb6: {  	s30 =	sld [smem:$0x0];
	_ =	sdelay $0x2  }
0xb7: {  	s31 =	sshll.u32 s1, $0xD;
	s1 =	sshrl.u32 s1, $0x2  }
0xb8: {  	s3 =	sand.u32 $0x4000, s31;
	s1 =	sadd.s32 s1, s30  }
0xb9: {  	s0 =	sor.u32 s3, s0;
	s1 =	sshll.u32 s1, $0x11  }
0xba: {  	s0 =	sor.u32 s1, s0  }
0xbb: {  	s0 =	sadd.s32 $0x8F2B, s0  }
0xbc: {  	[sflag:s0] =	ssyncadd.remote.s32 $0x1  }
0xbd: {  	_ =	sfence.sel $0xFFFF  }
0xbe: {  	[dreg:$0x0] =	wrdreg $0xFFFFFFFF;
	(pc) =	sbr.abs _section_cstart, $3  }
0xbf: {  	[dreg:$0x1] =	wrdreg $0xFFFFFFFF  }
0xc0: {  	_ =	task.clear_ibuf [dreg:s6], $0x2FFFF;
	_ =	strace $0x9FFFFFFF  }
0xc1: {  	(tm) =	ssettm $0x7FFFFFFF  }
tec
execute0_lowered:
.L_overlay_start_1:
0x0: {  	(tag) =	ssettag $0x1  }
0x1: {  	s0 =	srdreg.scid  }
0x2: {  	s4 =	rddreg [dreg:$0x0];
	s2 =	simm.s32 $0x0;
	s3 =	sand.u32 $0x1, s0  }
0x3: {  	s8 =	simm.s32 $0x80;
	s0 =	stileid.u32;
	s1 =	sshll.u32 s3, $0x4  }
0x4: {  	s9 =	simm.s32 $0x400;
	s10 =	simm.s32 $0x0;
	s5 =	sor.u32 s0, s1  }
0x5: {  	[smem:$0x7FF] =	sst s2;
	s7 =	sshll.u32 s0, $0x7;
	s6 =	sshrl.u32 s5, $0x3  }
0x6: {  	s3 =	ssub.s32 $0x2, s3;
	s1 =	rddreg [dreg:$0x1];
	s6 =	smul.u32 $0x14000, s6  }
0x7: {  	s7 =	sand.u32 $0x380, s7;
	s30 =	sshrl.u32 s3, $0x1;
	s5 =	smul.u32 $0x2800, s5  }
0x8: {  	_ =	strace $0x80000047;
	s31 =	ssub.s32 s3, s30;
	s6 =	sor.u32 s7, s6  }
0x9: {  	s5 =	sshrl.u32 s5, $0x3;
	s7 =	simm.s32 $0x1;
	s6 =	sshrl.u32 s6, $0x3  }
0xa: {  	s6 =	sadd.s32 s6, s4;
	s4 =	sadd.s32 s4, s5;
	s5 =	smax.u32 s31, $0x1  }
0xb: {  	v0 =	vimm.f32 $0.0e+00;
	v1 =	vimm.f32 $1.000000000e+00;
	s3 =	sadd.s32 $0xD400, s4;
	s4 =	sadd.s32 $0x17400, s6;
	s6 =	simm.s32 $0x2800  }
.LBB2_1:
0xc: {  	s11 =	simm.s32 $0x40;
	s12 =	simm.s32 $0x0  }
.LBB2_2:
0xd: {  	p0 =	sne.s32 s11, $0x9FC0;
	[tilespmem:s12+$0x0] =	vst v0;
	s12 =	smov.u32 s11;
	s11 =	sadd.s32 $0x40, s11  }
.Ltmp0:
0xe: {  	(pc) =	sbr.rel @p0 .LBB2_2-.Ltmp0, $2  }
0xf: {  	_ =	sdelay $0x2  }
0x10: {  	s12 =	sshra.s32 s12, $0x2  }
0x11: {  	[tilespmem:s12+$0x0] =	vst v0  }
0x12: {  	[tilespmem:s6], [sflag:$0x1] =	stream.linear.gather [hbm4b:s3+s2], $0x2800, $0x38;
	[tilespmem:$0x5000] =	vst v63  }
0x13: {  	_ =	swait.ge [sflag:s7], $0x2800  }
0x14: {  	[sflag:s7] =	ssyncset.done $0x0  }
0x15: {  	s11 =	simm.s32 $0x1C0;
	[sflag:s7] =	ssyncadd.s32 $0xFFFFD800  }
.LBB2_4:
0x16: {  	s12 =	sshra.s32 s11, $0x2  }
0x17: {  	v2 =	vld [tilespmem:s12+$0x2790];
	_ =	sdelay $0x7  }
0x18: {  	[tilespmem:v2+s2+$0x0] =	vst.idx.add.f32.msk $0xffff, v1  }
0x19: {  	v2 =	vld [tilespmem:s12+$0x27A0];
	_ =	sdelay $0x7  }
0x1a: {  	[tilespmem:v2+s2+$0x0] =	vst.idx.add.f32.msk $0xffff, v1  }
0x1b: {  	v2 =	vld [tilespmem:s12+$0x27B0];
	_ =	sdelay $0x7  }
0x1c: {  	[tilespmem:v2+s2+$0x0] =	vst.idx.add.f32.msk $0xffff, v1  }
0x1d: {  	v2 =	vld [tilespmem:s12+$0x27C0];
	_ =	sdelay $0x7  }
0x1e: {  	[tilespmem:v2+s2+$0x0] =	vst.idx.add.f32.msk $0xffff, v1  }
0x1f: {  	v2 =	vld [tilespmem:s12+$0x27D0];
	_ =	sdelay $0x7  }
0x20: {  	[tilespmem:v2+s2+$0x0] =	vst.idx.add.f32.msk $0xffff, v1  }
0x21: {  	v2 =	vld [tilespmem:s12+$0x27E0];
	_ =	sdelay $0x7  }
0x22: {  	[tilespmem:v2+s2+$0x0] =	vst.idx.add.f32.msk $0xffff, v1  }
0x23: {  	v2 =	vld [tilespmem:s12+$0x27F0];
	_ =	sdelay $0x7  }
0x24: {  	[tilespmem:v2+s2+$0x0] =	vst.idx.add.f32.msk $0xffff, v1  }
0x25: {  	v2 =	vld [tilespmem:s12+$0x2800];
	_ =	sdelay $0x2  }
0x26: {  	p0 =	sne.s32 s11, $0x9FC0  }
.Ltmp1:
0x27: {  	_ = 	snop;
	(pc) =	sbr.rel @p0 .LBB2_4-.Ltmp1, $2  }
0x28: {  	_ =	sdelay $0x2  }
0x29: {  	s11 =	sadd.s32 $0x200, s11;
	[tilespmem:v2+s2+$0x0] =	vst.idx.add.f32.msk $0xffff, v1  }
0x2a: {  	s10 =	sadd.s32 $0x1, s10  }
0x2b: {  	p0 =	sne.s32 s10, s5  }
.Ltmp2:
0x2c: {  	_ = 	snop;
	(pc) =	sbr.rel @p0 .LBB2_1-.Ltmp2, $4  }
0x2d: {  	[hbm4b:s4+s8] =	stream.strided.scatter [tilespmem:s2], [sflag:$0x1], $0x2800, s9, s8, $0x38;
	[tilespmem:$0x5000] =	vst v63  }
0x2e: {  	_ =	swait.ge [sflag:s7], $0x2800  }
0x2f: {  	[sflag:s7] =	ssyncset.done $0x0  }
0x30: {  	[sflag:s7] =	ssyncadd.s32 $0xFFFFD800  }
0x31: {  	_ =	sfence.sel $0x180000  }
0x32: {  	[bflag:$0x0] =	sbarrier.arrive $0xFFFF  }
0x33: {  	p0 =	sne.s32 s0, $0x0;
	_ =	strace $0x90000047  }
0x34: {  	s0 =	sadd.s32 @!p0 $0x100000, s1;
	[bflag:$0x2] =	sbarrier.arrive $0xFFFF  }
0x35: {  	[sflag:s0] =	ssyncadd.tile.s32 @!p0 $0x1;
	_ =	shalt  }
.Lfunc_end2:
_tile_overlayer_lowered:
.L_overlay_start_2:
0x36: {  	(tag) =	ssettag $0x2  }
0x37: {  	s0 =	rddreg [dreg:$0x0];
	s2 =	stileid.u32  }
0x38: {  	s1 =	rddreg [dreg:$0x1];
	p0 =	sne.s32 s2, $0x0  }
0x39: {  	s3 =	rddreg [dreg:$0x2];
	[bflag:$0x3] =	sbarrier.arrive $0xFFFF;
	s2 =	simm.s32 @!p0 $0x1C01  }
0x3a: {  	[timem:s3], [sflag:s2] =	dma.local @!p0 [hbm:s0], s1  }
0x3b: {  	s0 =	simm.s32 @!p0 $0x1  }
0x3c: {  	_ =	swait.ge @!p0 [sflag:s0], s1  }
0x3d: {  	s1 =	ssub.s32 @!p0 $0x0, s1;
	[sflag:s0] =	ssyncset.done @!p0 $0x0  }
0x3e: {  	[sflag:s0] =	ssyncadd.s32 @!p0 s1  }
0x3f: {  	[bflag:$0x3] =	sbarrier.arrive $0xFFFF  }
0x40: {  	_ =	shalt  }

// kernel: kernel.14.cloned.1.call-start
scs
__scs_entry_jumppad:
0x0: {  	(pc) =	sbr.rel $0x88, $3  }
0x1: {  	(tag) =	ssettag $0x0;
	lr =	simm.s32 $0x1  }
0x2: {  	[smem:$0x3F99] =	sst lr;
	_ =	strace $0xD0000000  }
0x3: {  	_ = 	snop  }
0x4: {  	_ = 	snop  }
0x5: {  	_ = 	snop  }
0x6: {  	_ = 	snop  }
0x7: {  	_ = 	snop  }
__scs_overlays_trampoline_lowered:
0x8: {  	[smem:$0x3FA8] =	sst s0  }
0x9: {  	[smem:$0x3FA9] =	sst s1  }
0xa: {  	[smem:$0x3FAA] =	sst s2  }
0xb: {  	[smem:$0x3FAB] =	sst s3  }
0xc: {  	[smem:$0x3FAC] =	sst s4  }
0xd: {  	[smem:$0x3FAD] =	sst s5  }
0xe: {  	[smem:$0x3FAE] =	sst s6  }
0xf: {  	[smem:$0x3FAF] =	sst s7  }
0x10: {  	[smem:$0x3FB0] =	sst s8  }
0x11: {  	[smem:$0x3FB1] =	sst s9;
	s0 =	simm.s32 @!p0 $0x0  }
0x12: {  	s1 =	sld [smem:$0x3F97];
	s0 =	simm.s32 @p0 $0x1  }
0x13: {  	[smem:$0x3FB2] =	sst s0;
	s0 =	simm.s32 @!p1 $0x0  }
0x14: {  	s2 =	sld [smem:$0x3F96];
	s0 =	simm.s32 @p1 $0x1  }
0x15: {  	[smem:$0x3FB3] =	sst s0;
	s0 =	simm.s32 @!p2 $0x0  }
0x16: {  	s3 =	sld [smem:$0x3FDB];
	s0 =	simm.s32 @p2 $0x1  }
0x17: {  	s4 =	simm.s32 $0x1BF5;
	[smem:$0x3FB5] =	sst s0  }
0x18: {  	s0 =	sld [smem:$0x3F98];
	_ =	swait.ge [sflag:s4], $0x0  }
0x19: {  	s7 =	sld [smem:$0x3F99]  }
0x1a: {  	s8 =	sadd.s32 $0xFFFFE003, lr  }
0x1b: {  	s9 =	sadd.s32 $0xFFFFFEF7, lr;
	s5 =	simm.s32 $0xFFFFFFFF;
	p2 =	slt.u32 s8, $0xFFFFF086  }
0x1c: {  	p1 =	slt.u32 s9, $0xF7A;
	s5 =	simm.s32 @!p2 $0x0  }
0x1d: {  	s5 =	simm.s32 @p1 $0x1;
	p0 =	seq.s32 s7, s2  }
0x1e: {  	s7 =	smul.u32 @!p0 $0xF7A, s2;
	p2 =	seq.s32 @!p0 s5, $0x0  }
0x1f: {  	s9 =	smul.u32 $0xF7A, s1;
	s8 =	simm.s32 @!p0 $0x1BF5;
	p2 =	por !p2, p0  }
0x20: {  	[sflag:s8] =	ssyncset.s32 @!p0 $0xFFFFF086;
	s6 =	sadd.s32 @!p0 s3, s7;
	s7 =	simm.s32 @!p0 $0x108  }
0x21: {  	s3 =	sadd.s32 s3, s9;
	s6 =	sadd.s32 @!p0 $0x88, s6;
	s7 =	simm.s32 @p2 $0x1082  }
0x22: {  	[simem:s7], [sflag:s8] =	dma.local @!p0 [hbm:s6], $0xF7A  }
0x23: {  	s9 =	sor.u32 $0xD0000000, s2;
	s6 =	simm.s32 $0x108;
	_ =	swait.ge @!p0 [sflag:s8], $0x0  }
0x24: {  	s3 =	sadd.s32 $0x88, s3;
	s6 =	simm.s32 @!p1 $0x1082;
	[sflag:s4] =	ssyncset.s32 $0xFFFFF086  }
0x25: {  	[simem:s6], [sflag:s4] =	dma.local [hbm:s3], $0xF7A  }
0x26: {  	[smem:$0x3F99] =	sst s1;
	(tag) =	ssettag s2;
	_ =	strace s9  }
0x27: {  	s1 =	sld [smem:$0x3FA9]  }
0x28: {  	s2 =	sld [smem:$0x3FAA]  }
0x29: {  	s4 =	sld [smem:$0x3FAC]  }
0x2a: {  	p0 =	seq.s32 s5, $0x0;
	s5 =	sld [smem:$0x3FAD]  }
0x2b: {  	s6 =	sld [smem:$0x3FAE]  }
0x2c: {  	s7 =	sld [smem:$0x3FAF]  }
0x2d: {  	s3 =	simm.s32 $0x108;
	s8 =	sld [smem:$0x3FB0]  }
0x2e: {  	s3 =	simm.s32 @!p0 $0x1082;
	s9 =	sld [smem:$0x3FB1]  }
0x2f: {  	lr =	sadd.s32 s0, s3;
	s0 =	sld [smem:$0x3FA8]  }
0x30: {  	s3 =	sld [smem:$0x3FAB]  }
0x31: {  	[smem:$0x3FB4] =	sst s10  }
0x32: {  	s10 =	sld [smem:$0x3FB2];
	_ =	sdelay $0x3  }
0x33: {  	p0 =	seq.s32 s10, $0x1;
	s10 =	sld [smem:$0x3FB4];
	_ =	sdelay $0x3  }
0x34: {  	[smem:$0x3FB4] =	sst s10  }
0x35: {  	s10 =	sld [smem:$0x3FB3];
	_ =	sdelay $0x3  }
0x36: {  	p1 =	seq.s32 s10, $0x1;
	s10 =	sld [smem:$0x3FB4];
	_ =	sdelay $0x3  }
0x37: {  	[smem:$0x3FB4] =	sst s10  }
0x38: {  	s10 =	sld [smem:$0x3FB5]  }
0x39: {  	_ = 	snop;
	(pc) =	sbr.ind lr, $3  }
0x3a: {  	_ = 	snop  }
0x3b: {  	_ = 	snop  }
0x3c: {  	p2 =	seq.s32 s10, $0x1;
	s10 =	sld [smem:$0x3FB4]  }
0x3d: {  	_ =	shalt  }
0x3e: {  	_ =	shalt  }
0x3f: {  	_ =	shalt  }
0x40: {  	_ =	shalt  }
0x41: {  	_ =	shalt  }
0x42: {  	_ =	shalt  }
0x43: {  	_ =	shalt  }
0x44: {  	_ =	shalt  }
0x45: {  	_ =	shalt  }
0x46: {  	_ =	shalt  }
0x47: {  	_ =	shalt  }
0x48: {  	_ =	shalt  }
0x49: {  	_ =	shalt  }
0x4a: {  	_ =	shalt  }
0x4b: {  	_ =	shalt  }
0x4c: {  	_ =	shalt  }
0x4d: {  	_ =	shalt  }
0x4e: {  	_ =	shalt  }
0x4f: {  	_ =	shalt  }
0x50: {  	_ =	shalt  }
0x51: {  	_ =	shalt  }
0x52: {  	_ =	shalt  }
0x53: {  	_ =	shalt  }
0x54: {  	_ =	shalt  }
0x55: {  	_ =	shalt  }
0x56: {  	_ =	shalt  }
0x57: {  	_ =	shalt  }
0x58: {  	_ =	shalt  }
0x59: {  	_ =	shalt  }
0x5a: {  	_ =	shalt  }
0x5b: {  	_ =	shalt  }
0x5c: {  	_ =	shalt  }
0x5d: {  	_ =	shalt  }
0x5e: {  	_ =	shalt  }
0x5f: {  	_ =	shalt  }
0x60: {  	_ =	shalt  }
0x61: {  	_ =	shalt  }
0x62: {  	_ =	shalt  }
0x63: {  	_ =	shalt  }
0x64: {  	_ =	shalt  }
0x65: {  	_ =	shalt  }
0x66: {  	_ =	shalt  }
0x67: {  	_ =	shalt  }
0x68: {  	_ =	shalt  }
0x69: {  	_ =	shalt  }
0x6a: {  	_ =	shalt  }
0x6b: {  	_ =	shalt  }
0x6c: {  	_ =	shalt  }
0x6d: {  	_ =	shalt  }
0x6e: {  	_ =	shalt  }
0x6f: {  	_ =	shalt  }
0x70: {  	_ =	shalt  }
0x71: {  	_ =	shalt  }
0x72: {  	_ =	shalt  }
0x73: {  	_ =	shalt  }
0x74: {  	_ =	shalt  }
0x75: {  	_ =	shalt  }
0x76: {  	_ =	shalt  }
0x77: {  	_ =	shalt  }
0x78: {  	_ =	shalt  }
0x79: {  	_ =	shalt  }
0x7a: {  	_ =	shalt  }
0x7b: {  	_ =	shalt  }
0x7c: {  	_ =	shalt  }
0x7d: {  	_ =	shalt  }
0x7e: {  	_ =	shalt  }
0x7f: {  	_ =	shalt  }
0x80: {  	_ =	shalt  }
0x81: {  	_ =	shalt  }
0x82: {  	_ =	shalt  }
0x83: {  	_ =	shalt  }
0x84: {  	_ =	shalt  }
0x85: {  	_ =	shalt  }
0x86: {  	_ =	shalt  }
0x87: {  	_ =	shalt  }
.Lfunc_end0:
.L_simem_size_0:
called_computation.1_lowered:
.L_overlay_start_0:
0x88: {  	s2 =	sld [smem:$0x3FD9]  }
0x89: {  	s3 =	sld [smem:$0x3FFE];
	_ =	sdelay $0x1  }
0x8a: {  	s1 =	srdreg.scid  }
0x8b: {  	s0 =	sand.u32 $0x1, s1  }
0x8c: {  	s17 =	sshll.u32 s0, $0xA;
	s2 =	sadd.s32 s3, s2  }
0x8d: {  	s2 =	sadd.s32 s2, s17  }
0x8e: {  	[smem:$0x3FC0] =	sst s2  }
0x8f: {  	_ = 	snop  }
0x90: {  	s2 =	sld [smem:$0x3FD0];
	(tm) =	ssettm $0x1  }
0x91: {  	s18 =	sld [smem:$0x3FFB];
	_ =	sdelay $0x3  }
0x92: {  	_ =	strace s18  }
0x93: {  	s3 =	sld [smem:$0x3FFC];
	_ =	sdelay $0x3  }
0x94: {  	_ =	strace s3  }
0x95: {  	s3 =	sld [smem:$0x3FFD];
	_ =	sdelay $0x3  }
0x96: {  	_ =	strace s3  }
0x97: {  	_ =	strace $0x8FFFFFFF  }
0x98: {  	s19 =	sld [smem:$0x3FDB];
	_ =	sdelay $0x1  }
0x99: {  	s4 =	simm.s32 $_scs_section_size  }
0x9a: {  	s5 =	simm.s32 $_size__tile_overlayer_lowered;
	s6 =	simm.s32 $_tile_overlayer_lowered  }
0x9b: {  	s22 =	simm.s32 $0x1BFF;
	s21 =	sshll.u32 s6, $0x1;
	s3 =	sadd.s32 s4, s19  }
0x9c: {  	s7 =	simm.s32 $0x0;
	s20 =	sshll.u32 s5, $0x1;
	s5 =	sadd.s32 s21, s3  }
0x9d: {  	[timem:s7], [sflag:s22] =	dma.local [hbm:s5], s20  }
0x9e: {  	_ =	swait.ge [sflag:s22], s20  }
0x9f: {  	s4 =	ssub.s32 $0x0, s20;
	[sflag:s22] =	ssyncset.done $0x0  }
0xa0: {  	[sflag:s22] =	ssyncadd.s32 s4;
	_ =	sdelay $0x1  }
0xa1: {  	s23 =	simm.s32 $0x1B8B  }
0xa2: {  	_ =	swait.ge [sflag:s23], $0x1  }
0xa3: {  	[sflag:s23] =	ssyncset.done $0x0  }
0xa4: {  	s25 =	simm.s32 $0x1B8E;
	s24 =	sld [smem:$0x3FFE];
	[sflag:s23] =	ssyncadd.s32 $0xFFFFFFFF  }
0xa5: {  	s26 =	simm.s32 $execute0_lowered;
	[smem:$0x3FD2] =	sst s25  }
0xa6: {  	s5 =	sshll.u32 s26, $0x1;
	_ =	strace $0x80000049;
	[dreg:$0x1] =	wrdreg $0xFFFFFFFF  }
0xa7: {  	s28 =	simm.s32 $_size_execute0_lowered;
	s3 =	sadd.s32 s3, s5;
	[dreg:$0x0] =	wrdreg $0x0  }
0xa8: {  	s5 =	sshll.u32 s28, $0x1;
	[dreg:$0x2] =	wrdreg s3  }
0xa9: {  	[dreg:$0x3] =	wrdreg s5  }
0xaa: {  	[dreg:$0x4] =	wrdreg $0xC0  }
0xab: {  	_ =	task [dreg:s7], $0x5FFFF  }
0xac: {  	[dreg:$0x1] =	wrdreg $0xFFFFFFFF  }
0xad: {  	[dreg:$0x0] =	wrdreg $0x60  }
0xae: {  	[dreg:$0x2] =	wrdreg s24  }
0xaf: {  	[dreg:$0x3] =	wrdreg s2  }
0xb0: {  	[dreg:$0x4] =	wrdreg $0x0  }
0xb1: {  	[dreg:$0x5] =	wrdreg $0x9  }
0xb2: {  	_ =	task.clear_ibuf [dreg:s7], $0x6FFFF;
	_ =	strace $0x90000049  }
0xb3: {  	s29 =	simm.s32 $0x9;
	_ =	strace $0x8000004B  }
0xb4: {  	_ =	swait.ge [sflag:s29], $0x1  }
0xb5: {  	[sflag:s29] =	ssyncadd.s32 $0xFFFFFFFF  }
0xb6: {  	_ =	strace $0x9000004B  }
0xb7: {  	_ =	sfence  }
0xb8: {  	s30 =	sld [smem:$0x0];
	_ =	sdelay $0x2  }
0xb9: {  	s31 =	sshll.u32 s1, $0xD;
	s1 =	sshrl.u32 s1, $0x2  }
0xba: {  	s3 =	sand.u32 $0x4000, s31;
	s1 =	sadd.s32 s1, s30  }
0xbb: {  	s0 =	sor.u32 s3, s0;
	s1 =	sshll.u32 s1, $0x11  }
0xbc: {  	s0 =	sor.u32 s1, s0  }
0xbd: {  	s0 =	sadd.s32 $0x8F2B, s0  }
0xbe: {  	[sflag:s0] =	ssyncadd.remote.s32 $0x1  }
0xbf: {  	_ =	sfence.sel $0xFFFF  }
0xc0: {  	[dreg:$0x0] =	wrdreg $0xFFFFFFFF;
	(pc) =	sbr.abs _section_cstart, $3  }
0xc1: {  	[dreg:$0x1] =	wrdreg $0xFFFFFFFF  }
0xc2: {  	_ =	task.clear_ibuf [dreg:s7], $0x2FFFF;
	_ =	strace $0x9FFFFFFF  }
0xc3: {  	(tm) =	ssettm $0x7FFFFFFF  }
tec
execute0_lowered:
.L_overlay_start_1:
0x0: {  	(tag) =	ssettag $0x1  }
0x1: {  	s4 =	rddreg [dreg:$0x0]  }
0x2: {  	s0 =	srdreg.scid;
	s2 =	rddreg [dreg:$0x1]  }
0x3: {  	s8 =	stileid.u32;
	s3 =	rddreg [dreg:$0x2];
	s7 =	simm.s32 $0x0  }
0x4: {  	s19 =	simm.s32 $0x14000;
	s20 =	simm.s32 $0x4;
	s28 =	simm.s32 $0x1  }
0x5: {  	s29 =	simm.s32 $0x2;
	s30 =	simm.s32 $0x16700;
	s6 =	smul.u32 $0x14000, s8  }
0x6: {  	s31 =	simm.s32 $0x16780;
	s0 =	sand.u32 $0x1, s0;
	s21 =	smul.u32 $0x50000, s8  }
0x7: {  	[smem:$0x7FF] =	sst s7;
	s1 =	sshll.u32 s0, $0x4;
	s5 =	smul.u32 $0x140000, s0  }
0x8: {  	_ =	strace $0x8000004A;
	s0 =	ssub.s32 $0x2, s0;
	s1 =	sor.u32 s8, s1  }
0x9: {  	s22 =	sshrl.u32 s0, $0x1;
	s7 =	sshrl.u32 s21, $0x2;
	s21 =	simm.s32 $0x15400  }
0xa: {  	s1 =	smul.u32 $0x2800, s1;
	s5 =	sadd.s32 s6, s5;
	s0 =	ssub.s32 s0, s22  }
0xb: {  	s14 =	sadd.s32 s7, s3;
	s22 =	simm.s32 $0x80;
	s6 =	sshrl.u32 s5, $0x3  }
0xc: {  	s5 =	sadd.s32 $0x17400, s4;
	s13 =	smax.u32 s0, $0x1;
	s24 =	sadd.s32 $0x4000, s14  }
0xd: {  	s25 =	sadd.s32 $0x8000, s14;
	s26 =	sadd.s32 $0xC000, s14;
	s18 =	sadd.s32 $0x10000, s14  }
0xe: {  	s14 =	sshrl.u32 s14, $0x3;
	s1 =	sshrl.u32 s1, $0x3;
	s15 =	sshrl.u32 s24, $0x3  }
0xf: {  	s16 =	sshrl.u32 s25, $0x3;
	s17 =	sshrl.u32 s26, $0x3;
	s18 =	sshrl.u32 s18, $0x3  }
0x10: {  	s24 =	simm.s32 $0x14080;
	s25 =	simm.s32 $0x1A800;
	s26 =	simm.s32 $0x3  }
0x11: {  	s1 =	sadd.s32 s1, s4;
	s4 =	sadd.s32 s6, s4;
	s6 =	sshll.u32 s8, $0x6  }
0x12: {  	s7 =	sor.u32 $0x1C03, s6;
	s23 =	sadd.s32 $0x3400, s1;
	s9 =	sadd.s32 $0xD400, s1  }
0x13: {  	s10 =	sadd.s32 $0x3680, s1;
	s11 =	sadd.s32 $0xD680, s1;
	s12 =	sadd.s32 $0x3E600, s4  }
0x14: {  	s1 =	simm.s32 $0x0;
	[dreg:$0x4] =	wrdreg s23;
	s23 =	simm.s32 $0x16800  }
.LBB2_1:
0x15: {  	[spmem:s14], [sflag:s7] =	dma.local [hbm:s2], $0x800  }
0x16: {  	[spmem:s15], [sflag:s7] =	dma.local [hbm:s2], $0x800  }
0x17: {  	[spmem:s16], [sflag:s7] =	dma.local [hbm:s2], $0x800  }
0x18: {  	[spmem:s17], [sflag:s7] =	dma.local [hbm:s2], $0x800  }
0x19: {  	[spmem:s18], [sflag:s7] =	dma.local [hbm:s2], $0x800  }
0x1a: {  	s0 =	simm.s32 $0x0;
	s4 =	rddreg [dreg:$0x4]  }
0x1b: {  	[tilespmem:s19], [sflag:$0x4] =	stream.linear.gather [hbm4b:s4+s0], $0x1400, $0x38;
	[tilespmem:$0x1E800] =	vst v63  }
0x1c: {  	_ =	swait.ge [sflag:s20], $0x1400  }
0x1d: {  	[sflag:s20] =	ssyncset.done $0x0  }
0x1e: {  	[sflag:s20] =	ssyncadd.s32 $0xFFFFEC00  }
0x1f: {  	[tilespmem:s21], [sflag:$0x4] =	stream.linear.gather [hbm4b:s9+s0], $0x1400, $0x38;
	[tilespmem:$0x1E800] =	vst v63  }
0x20: {  	_ =	swait.ge [sflag:s20], $0x1400  }
0x21: {  	[sflag:s20] =	ssyncset.done $0x0  }
0x22: {  	[sflag:s20] =	ssyncadd.s32 $0xFFFFEC00  }
0x23: {  	[tilespmem:s23], [sflag:$0x1] =	stream.indirect.gather [hbm4b:s5+s22], $0x80, s19, s22, $0xb8;
	[tilespmem:$0x1E800] =	vst v63  }
0x24: {  	_ = 	snop  }
0x25: {  	[tilespmem:s25], [sflag:$0x2] =	stream.indirect.gather [hbm4b:s5+s22], $0x80, s24, s22, $0xb8;
	[tilespmem:$0x1E800] =	vst v63  }
0x26: {  	_ =	swait.ge [sflag:s26], $0x800  }
0x27: {  	[sflag:s26] =	ssyncset.done $0x0  }
0x28: {  	[sflag:s26] =	ssyncadd.s32 $0xFFFFF800  }
0x29: {  	_ =	swait.ge [sflag:s26], $0x800  }
0x2a: {  	[sflag:s26] =	ssyncset.done $0x0  }
0x2b: {  	[sflag:s26] =	ssyncadd.s32 $0xFFFFF800  }
0x2c: {  	_ =	swait.ge [sflag:s26], $0x800  }
0x2d: {  	[sflag:s26] =	ssyncset.done $0x0  }
0x2e: {  	[sflag:s26] =	ssyncadd.s32 $0xFFFFF800  }
0x2f: {  	_ =	swait.ge [sflag:s26], $0x800  }
0x30: {  	[sflag:s26] =	ssyncset.done $0x0  }
0x31: {  	[sflag:s26] =	ssyncadd.s32 $0xFFFFF800  }
0x32: {  	_ =	swait.ge [sflag:s26], $0x800  }
0x33: {  	[sflag:s26] =	ssyncset.done $0x0  }
0x34: {  	[sflag:s26] =	ssyncadd.s32 $0xFFFFF800  }
0x35: {  	[bflag:$0x0] =	sbarrier.arrive $0xFFFF  }
0x36: {  	_ =	swait.ge [sflag:s28], $0x4000  }
0x37: {  	[sflag:s28] =	ssyncset.done $0x0  }
0x38: {  	s8 =	simm.s32 $0x15400;
	[sflag:s28] =	ssyncadd.s32 $0xFFFFC000  }
0x39: {  	[spmem:s3] =	stream.indirect.scatter.add.f32 [tilespmem:s23], [sflag:$0x4], $0x80, s8, s22, $0xb8;
	[tilespmem:$0x1E800] =	vst v63  }
0x3a: {  	_ =	swait.ge [sflag:s20], $0x4000  }
0x3b: {  	[sflag:s20] =	ssyncset.done $0x0  }
0x3c: {  	s4 =	simm.s32 $0x14100;
	[sflag:s20] =	ssyncadd.s32 $0xFFFFC000  }
0x3d: {  	[tilespmem:s23], [sflag:$0x1] =	stream.indirect.gather [hbm4b:s5+s22], $0x80, s4, s22, $0xb8;
	[tilespmem:$0x1E800] =	vst v63  }
0x3e: {  	_ =	swait.ge [sflag:s29], $0x4000  }
0x3f: {  	[sflag:s29] =	ssyncset.done $0x0  }
0x40: {  	s8 =	simm.s32 $0x15480;
	[sflag:s29] =	ssyncadd.s32 $0xFFFFC000  }
0x41: {  	[spmem:s3] =	stream.indirect.scatter.add.f32 [tilespmem:s25], [sflag:$0x4], $0x80, s8, s22, $0xb8;
	[tilespmem:$0x1E800] =	vst v63  }
0x42: {  	_ =	swait.ge [sflag:s20], $0x4000  }
0x43: {  	[sflag:s20] =	ssyncset.done $0x0  }
0x44: {  	s0 =	simm.s32 $0x400;
	s4 =	simm.s32 $0x14180;
	[sflag:s20] =	ssyncadd.s32 $0xFFFFC000  }
.LBB2_2:
0x45: {  	[tilespmem:s25], [sflag:$0x2] =	stream.indirect.gather [hbm4b:s5+s22], $0x80, s4, s22, $0xb8;
	[tilespmem:$0x1E800] =	vst v63  }
0x46: {  	s4 =	smov.u32 s0  }
0x47: {  	p0 =	sne.s32 s0, $0x4800;
	s0 =	sadd.s32 $0x400, s0;
	_ =	swait.ge [sflag:s28], $0x4000  }
0x48: {  	s4 =	sshra.s32 s4, $0x2;
	[sflag:s28] =	ssyncset.done $0x0  }
0x49: {  	s8 =	sadd.s32 $0x15400, s4;
	[sflag:s28] =	ssyncadd.s32 $0xFFFFC000  }
0x4a: {  	[spmem:s3] =	stream.indirect.scatter.add.f32 [tilespmem:s23], [sflag:$0x4], $0x80, s8, s22, $0xb8;
	[tilespmem:$0x1E800] =	vst v63  }
0x4b: {  	_ =	swait.ge [sflag:s20], $0x4000  }
0x4c: {  	[sflag:s20] =	ssyncset.done $0x0  }
0x4d: {  	s8 =	sadd.s32 $0x14100, s4;
	[sflag:s20] =	ssyncadd.s32 $0xFFFFC000  }
0x4e: {  	[tilespmem:s23], [sflag:$0x1] =	stream.indirect.gather [hbm4b:s5+s22], $0x80, s8, s22, $0xb8;
	[tilespmem:$0x1E800] =	vst v63  }
0x4f: {  	_ =	swait.ge [sflag:s29], $0x4000  }
0x50: {  	[sflag:s29] =	ssyncset.done $0x0  }
.Ltmp0:
0x51: {  	s8 =	sadd.s32 $0x15480, s4;
	[sflag:s29] =	ssyncadd.s32 $0xFFFFC000;
	(pc) =	sbr.rel @p0 .LBB2_2-.Ltmp0, $4  }
0x52: {  	[spmem:s3] =	stream.indirect.scatter.add.f32 [tilespmem:s25], [sflag:$0x4], $0x80, s8, s22, $0xb8;
	[tilespmem:$0x1E800] =	vst v63  }
0x53: {  	_ =	swait.ge [sflag:s20], $0x4000  }
0x54: {  	[sflag:s20] =	ssyncset.done $0x0  }
0x55: {  	s4 =	sadd.s32 $0x14180, s4;
	[sflag:s20] =	ssyncadd.s32 $0xFFFFC000  }
0x56: {  	[tilespmem:s25], [sflag:$0x2] =	stream.indirect.gather [hbm4b:s5+s22], $0x80, s4, s22, $0xb8;
	[tilespmem:$0x1E800] =	vst v63  }
0x57: {  	_ =	swait.ge [sflag:s28], $0x4000  }
0x58: {  	[sflag:s28] =	ssyncset.done $0x0  }
0x59: {  	[sflag:s28] =	ssyncadd.s32 $0xFFFFC000  }
0x5a: {  	[spmem:s3] =	stream.indirect.scatter.add.f32 [tilespmem:s23], [sflag:$0x4], $0x80, s30, s22, $0xb8;
	[tilespmem:$0x1E800] =	vst v63  }
0x5b: {  	_ =	swait.ge [sflag:s20], $0x4000  }
0x5c: {  	[sflag:s20] =	ssyncset.done $0x0  }
0x5d: {  	[sflag:s20] =	ssyncadd.s32 $0xFFFFC000  }
0x5e: {  	_ =	swait.ge [sflag:s29], $0x4000  }
0x5f: {  	[sflag:s29] =	ssyncset.done $0x0  }
0x60: {  	[sflag:s29] =	ssyncadd.s32 $0xFFFFC000  }
0x61: {  	[spmem:s3] =	stream.indirect.scatter.add.f32 [tilespmem:s25], [sflag:$0x4], $0x80, s31, s22, $0xb8;
	[tilespmem:$0x1E800] =	vst v63  }
0x62: {  	_ =	swait.ge [sflag:s20], $0x4000  }
0x63: {  	[sflag:s20] =	ssyncset.done $0x0  }
0x64: {  	s0 =	simm.s32 $0x0;
	[sflag:s20] =	ssyncadd.s32 $0xFFFFC000  }
0x65: {  	[tilespmem:s19], [sflag:$0x4] =	stream.linear.gather [hbm4b:s10+s0], $0x1400, $0x38;
	[tilespmem:$0x1E800] =	vst v63  }
0x66: {  	_ =	swait.ge [sflag:s20], $0x1400  }
0x67: {  	[sflag:s20] =	ssyncset.done $0x0  }
0x68: {  	[sflag:s20] =	ssyncadd.s32 $0xFFFFEC00  }
0x69: {  	[tilespmem:s21], [sflag:$0x4] =	stream.linear.gather [hbm4b:s11+s0], $0x1400, $0x38;
	[tilespmem:$0x1E800] =	vst v63  }
0x6a: {  	_ =	swait.ge [sflag:s20], $0x1400  }
0x6b: {  	[sflag:s20] =	ssyncset.done $0x0  }
0x6c: {  	[sflag:s20] =	ssyncadd.s32 $0xFFFFEC00  }
0x6d: {  	[tilespmem:s23], [sflag:$0x1] =	stream.indirect.gather [hbm4b:s5+s22], $0x80, s19, s22, $0xb8;
	[tilespmem:$0x1E800] =	vst v63  }
0x6e: {  	_ = 	snop  }
0x6f: {  	[tilespmem:s25], [sflag:$0x2] =	stream.indirect.gather [hbm4b:s5+s22], $0x80, s24, s22, $0xb8;
	[tilespmem:$0x1E800] =	vst v63  }
0x70: {  	_ =	swait.ge [sflag:s28], $0x4000  }
0x71: {  	[sflag:s28] =	ssyncset.done $0x0  }
0x72: {  	s8 =	simm.s32 $0x15400;
	[sflag:s28] =	ssyncadd.s32 $0xFFFFC000  }
0x73: {  	[spmem:s3] =	stream.indirect.scatter.add.f32 [tilespmem:s23], [sflag:$0x4], $0x80, s8, s22, $0xb8;
	[tilespmem:$0x1E800] =	vst v63  }
0x74: {  	_ =	swait.ge [sflag:s20], $0x4000  }
0x75: {  	[sflag:s20] =	ssyncset.done $0x0  }
0x76: {  	s4 =	simm.s32 $0x14100;
	[sflag:s20] =	ssyncadd.s32 $0xFFFFC000  }
0x77: {  	[tilespmem:s23], [sflag:$0x1] =	stream.indirect.gather [hbm4b:s5+s22], $0x80, s4, s22, $0xb8;
	[tilespmem:$0x1E800] =	vst v63  }
0x78: {  	_ =	swait.ge [sflag:s29], $0x4000  }
0x79: {  	[sflag:s29] =	ssyncset.done $0x0  }
0x7a: {  	s8 =	simm.s32 $0x15480;
	[sflag:s29] =	ssyncadd.s32 $0xFFFFC000  }
0x7b: {  	[spmem:s3] =	stream.indirect.scatter.add.f32 [tilespmem:s25], [sflag:$0x4], $0x80, s8, s22, $0xb8;
	[tilespmem:$0x1E800] =	vst v63  }
0x7c: {  	_ =	swait.ge [sflag:s20], $0x4000  }
0x7d: {  	[sflag:s20] =	ssyncset.done $0x0  }
0x7e: {  	s0 =	simm.s32 $0x400;
	s4 =	simm.s32 $0x14180;
	[sflag:s20] =	ssyncadd.s32 $0xFFFFC000  }
.LBB2_4:
0x7f: {  	[tilespmem:s25], [sflag:$0x2] =	stream.indirect.gather [hbm4b:s5+s22], $0x80, s4, s22, $0xb8;
	[tilespmem:$0x1E800] =	vst v63  }
0x80: {  	s4 =	smov.u32 s0  }
0x81: {  	p0 =	sne.s32 s0, $0x4800;
	s0 =	sadd.s32 $0x400, s0;
	_ =	swait.ge [sflag:s28], $0x4000  }
0x82: {  	s4 =	sshra.s32 s4, $0x2;
	[sflag:s28] =	ssyncset.done $0x0  }
0x83: {  	s8 =	sadd.s32 $0x15400, s4;
	[sflag:s28] =	ssyncadd.s32 $0xFFFFC000  }
0x84: {  	[spmem:s3] =	stream.indirect.scatter.add.f32 [tilespmem:s23], [sflag:$0x4], $0x80, s8, s22, $0xb8;
	[tilespmem:$0x1E800] =	vst v63  }
0x85: {  	_ =	swait.ge [sflag:s20], $0x4000  }
0x86: {  	[sflag:s20] =	ssyncset.done $0x0  }
0x87: {  	s8 =	sadd.s32 $0x14100, s4;
	[sflag:s20] =	ssyncadd.s32 $0xFFFFC000  }
0x88: {  	[tilespmem:s23], [sflag:$0x1] =	stream.indirect.gather [hbm4b:s5+s22], $0x80, s8, s22, $0xb8;
	[tilespmem:$0x1E800] =	vst v63  }
0x89: {  	_ =	swait.ge [sflag:s29], $0x4000  }
0x8a: {  	[sflag:s29] =	ssyncset.done $0x0  }
.Ltmp1:
0x8b: {  	s8 =	sadd.s32 $0x15480, s4;
	[sflag:s29] =	ssyncadd.s32 $0xFFFFC000;
	(pc) =	sbr.rel @p0 .LBB2_4-.Ltmp1, $4  }
0x8c: {  	[spmem:s3] =	stream.indirect.scatter.add.f32 [tilespmem:s25], [sflag:$0x4], $0x80, s8, s22, $0xb8;
	[tilespmem:$0x1E800] =	vst v63  }
0x8d: {  	_ =	swait.ge [sflag:s20], $0x4000  }
0x8e: {  	[sflag:s20] =	ssyncset.done $0x0  }
0x8f: {  	s4 =	sadd.s32 $0x14180, s4;
	[sflag:s20] =	ssyncadd.s32 $0xFFFFC000  }
0x90: {  	[tilespmem:s25], [sflag:$0x2] =	stream.indirect.gather [hbm4b:s5+s22], $0x80, s4, s22, $0xb8;
	[tilespmem:$0x1E800] =	vst v63  }
0x91: {  	_ =	swait.ge [sflag:s28], $0x4000  }
0x92: {  	[sflag:s28] =	ssyncset.done $0x0  }
0x93: {  	[sflag:s28] =	ssyncadd.s32 $0xFFFFC000  }
0x94: {  	[spmem:s3] =	stream.indirect.scatter.add.f32 [tilespmem:s23], [sflag:$0x4], $0x80, s30, s22, $0xb8;
	[tilespmem:$0x1E800] =	vst v63  }
0x95: {  	_ =	swait.ge [sflag:s20], $0x4000  }
0x96: {  	[sflag:s20] =	ssyncset.done $0x0  }
0x97: {  	[sflag:s20] =	ssyncadd.s32 $0xFFFFC000  }
0x98: {  	_ =	swait.ge [sflag:s29], $0x4000  }
0x99: {  	[sflag:s29] =	ssyncset.done $0x0  }
0x9a: {  	[sflag:s29] =	ssyncadd.s32 $0xFFFFC000  }
0x9b: {  	[spmem:s3] =	stream.indirect.scatter.add.f32 [tilespmem:s25], [sflag:$0x4], $0x80, s31, s22, $0xb8;
	[tilespmem:$0x1E800] =	vst v63  }
0x9c: {  	_ =	swait.ge [sflag:s20], $0x4000  }
0x9d: {  	s1 =	sadd.s32 $0x1, s1;
	[sflag:s20] =	ssyncset.done $0x0  }
0x9e: {  	p0 =	sne.s32 s1, s13;
	[sflag:s20] =	ssyncadd.s32 $0xFFFFC000  }
.Ltmp2:
0x9f: {  	s0 =	sor.u32 $0x1C04, s6;
	[bflag:$0x0] =	sbarrier.arrive $0xFFFF;
	(pc) =	sbr.rel @p0 .LBB2_1-.Ltmp2, $4  }
0xa0: {  	[hbm:s12], [sflag:s0] =	dma.local [spmem:s14], $0x2800  }
0xa1: {  	_ =	swait.ge [sflag:s20], $0x2800  }
0xa2: {  	[sflag:s20] =	ssyncset.done $0x0  }
0xa3: {  	[sflag:s20] =	ssyncadd.s32 $0xFFFFD800  }
0xa4: {  	_ =	sfence.sel $0x180000  }
0xa5: {  	[bflag:$0x0] =	sbarrier.arrive $0xFFFF  }
0xa6: {  	_ =	strace $0x9000004A  }
0xa7: {  	s0 =	stileid.u32;
	[bflag:$0x2] =	sbarrier.arrive $0xFFFF  }
0xa8: {  	p0 =	sne.s32 s0, $0x0;
	s0 =	rddreg [dreg:$0x3]  }
0xa9: {  	s0 =	sadd.s32 @!p0 $0x100000, s0  }
0xaa: {  	[sflag:s0] =	ssyncadd.tile.s32 @!p0 $0x1;
	_ =	shalt  }
.Lfunc_end2:
_tile_overlayer_lowered:
.L_overlay_start_2:
0xab: {  	(tag) =	ssettag $0x2  }
0xac: {  	s0 =	rddreg [dreg:$0x0];
	s2 =	stileid.u32  }
0xad: {  	s1 =	rddreg [dreg:$0x1];
	p0 =	sne.s32 s2, $0x0  }
0xae: {  	s3 =	rddreg [dreg:$0x2];
	[bflag:$0x3] =	sbarrier.arrive $0xFFFF;
	s2 =	simm.s32 @!p0 $0x1C04  }
0xaf: {  	[timem:s3], [sflag:s2] =	dma.local @!p0 [hbm:s0], s1  }
0xb0: {  	s0 =	simm.s32 @!p0 $0x4  }
0xb1: {  	_ =	swait.ge @!p0 [sflag:s0], s1  }
0xb2: {  	s1 =	ssub.s32 @!p0 $0x0, s1;
	[sflag:s0] =	ssyncset.done @!p0 $0x0  }
0xb3: {  	[sflag:s0] =	ssyncadd.s32 @!p0 s1  }
0xb4: {  	[bflag:$0x3] =	sbarrier.arrive $0xFFFF  }
0xb5: {  	_ =	shalt  }

// kernel: kernel.17.cloned.1.call-start
scs
__scs_entry_jumppad:
0x0: {  	(pc) =	sbr.rel $0x88, $3  }
0x1: {  	(tag) =	ssettag $0x0;
	lr =	simm.s32 $0x1  }
0x2: {  	[smem:$0x3F99] =	sst lr;
	_ =	strace $0xD0000000  }
0x3: {  	_ = 	snop  }
0x4: {  	_ = 	snop  }
0x5: {  	_ = 	snop  }
0x6: {  	_ = 	snop  }
0x7: {  	_ = 	snop  }
__scs_overlays_trampoline_lowered:
0x8: {  	[smem:$0x3FA8] =	sst s0  }
0x9: {  	[smem:$0x3FA9] =	sst s1  }
0xa: {  	[smem:$0x3FAA] =	sst s2  }
0xb: {  	[smem:$0x3FAB] =	sst s3  }
0xc: {  	[smem:$0x3FAC] =	sst s4  }
0xd: {  	[smem:$0x3FAD] =	sst s5  }
0xe: {  	[smem:$0x3FAE] =	sst s6  }
0xf: {  	[smem:$0x3FAF] =	sst s7  }
0x10: {  	[smem:$0x3FB0] =	sst s8  }
0x11: {  	[smem:$0x3FB1] =	sst s9;
	s0 =	simm.s32 @!p0 $0x0  }
0x12: {  	s1 =	sld [smem:$0x3F97];
	s0 =	simm.s32 @p0 $0x1  }
0x13: {  	[smem:$0x3FB2] =	sst s0;
	s0 =	simm.s32 @!p1 $0x0  }
0x14: {  	s2 =	sld [smem:$0x3F96];
	s0 =	simm.s32 @p1 $0x1  }
0x15: {  	[smem:$0x3FB3] =	sst s0;
	s0 =	simm.s32 @!p2 $0x0  }
0x16: {  	s3 =	sld [smem:$0x3FDB];
	s0 =	simm.s32 @p2 $0x1  }
0x17: {  	s4 =	simm.s32 $0x1BF5;
	[smem:$0x3FB5] =	sst s0  }
0x18: {  	s0 =	sld [smem:$0x3F98];
	_ =	swait.ge [sflag:s4], $0x0  }
0x19: {  	s7 =	sld [smem:$0x3F99]  }
0x1a: {  	s8 =	sadd.s32 $0xFFFFE003, lr  }
0x1b: {  	s9 =	sadd.s32 $0xFFFFFEF7, lr;
	s5 =	simm.s32 $0xFFFFFFFF;
	p2 =	slt.u32 s8, $0xFFFFF086  }
0x1c: {  	p1 =	slt.u32 s9, $0xF7A;
	s5 =	simm.s32 @!p2 $0x0  }
0x1d: {  	s5 =	simm.s32 @p1 $0x1;
	p0 =	seq.s32 s7, s2  }
0x1e: {  	s7 =	smul.u32 @!p0 $0xF7A, s2;
	p2 =	seq.s32 @!p0 s5, $0x0  }
0x1f: {  	s9 =	smul.u32 $0xF7A, s1;
	s8 =	simm.s32 @!p0 $0x1BF5;
	p2 =	por !p2, p0  }
0x20: {  	[sflag:s8] =	ssyncset.s32 @!p0 $0xFFFFF086;
	s6 =	sadd.s32 @!p0 s3, s7;
	s7 =	simm.s32 @!p0 $0x108  }
0x21: {  	s3 =	sadd.s32 s3, s9;
	s6 =	sadd.s32 @!p0 $0x88, s6;
	s7 =	simm.s32 @p2 $0x1082  }
0x22: {  	[simem:s7], [sflag:s8] =	dma.local @!p0 [hbm:s6], $0xF7A  }
0x23: {  	s9 =	sor.u32 $0xD0000000, s2;
	s6 =	simm.s32 $0x108;
	_ =	swait.ge @!p0 [sflag:s8], $0x0  }
0x24: {  	s3 =	sadd.s32 $0x88, s3;
	s6 =	simm.s32 @!p1 $0x1082;
	[sflag:s4] =	ssyncset.s32 $0xFFFFF086  }
0x25: {  	[simem:s6], [sflag:s4] =	dma.local [hbm:s3], $0xF7A  }
0x26: {  	[smem:$0x3F99] =	sst s1;
	(tag) =	ssettag s2;
	_ =	strace s9  }
0x27: {  	s1 =	sld [smem:$0x3FA9]  }
0x28: {  	s2 =	sld [smem:$0x3FAA]  }
0x29: {  	s4 =	sld [smem:$0x3FAC]  }
0x2a: {  	p0 =	seq.s32 s5, $0x0;
	s5 =	sld [smem:$0x3FAD]  }
0x2b: {  	s6 =	sld [smem:$0x3FAE]  }
0x2c: {  	s7 =	sld [smem:$0x3FAF]  }
0x2d: {  	s3 =	simm.s32 $0x108;
	s8 =	sld [smem:$0x3FB0]  }
0x2e: {  	s3 =	simm.s32 @!p0 $0x1082;
	s9 =	sld [smem:$0x3FB1]  }
0x2f: {  	lr =	sadd.s32 s0, s3;
	s0 =	sld [smem:$0x3FA8]  }
0x30: {  	s3 =	sld [smem:$0x3FAB]  }
0x31: {  	[smem:$0x3FB4] =	sst s10  }
0x32: {  	s10 =	sld [smem:$0x3FB2];
	_ =	sdelay $0x3  }
0x33: {  	p0 =	seq.s32 s10, $0x1;
	s10 =	sld [smem:$0x3FB4];
	_ =	sdelay $0x3  }
0x34: {  	[smem:$0x3FB4] =	sst s10  }
0x35: {  	s10 =	sld [smem:$0x3FB3];
	_ =	sdelay $0x3  }
0x36: {  	p1 =	seq.s32 s10, $0x1;
	s10 =	sld [smem:$0x3FB4];
	_ =	sdelay $0x3  }
0x37: {  	[smem:$0x3FB4] =	sst s10  }
0x38: {  	s10 =	sld [smem:$0x3FB5]  }
0x39: {  	_ = 	snop;
	(pc) =	sbr.ind lr, $3  }
0x3a: {  	_ = 	snop  }
0x3b: {  	_ = 	snop  }
0x3c: {  	p2 =	seq.s32 s10, $0x1;
	s10 =	sld [smem:$0x3FB4]  }
0x3d: {  	_ =	shalt  }
0x3e: {  	_ =	shalt  }
0x3f: {  	_ =	shalt  }
0x40: {  	_ =	shalt  }
0x41: {  	_ =	shalt  }
0x42: {  	_ =	shalt  }
0x43: {  	_ =	shalt  }
0x44: {  	_ =	shalt  }
0x45: {  	_ =	shalt  }
0x46: {  	_ =	shalt  }
0x47: {  	_ =	shalt  }
0x48: {  	_ =	shalt  }
0x49: {  	_ =	shalt  }
0x4a: {  	_ =	shalt  }
0x4b: {  	_ =	shalt  }
0x4c: {  	_ =	shalt  }
0x4d: {  	_ =	shalt  }
0x4e: {  	_ =	shalt  }
0x4f: {  	_ =	shalt  }
0x50: {  	_ =	shalt  }
0x51: {  	_ =	shalt  }
0x52: {  	_ =	shalt  }
0x53: {  	_ =	shalt  }
0x54: {  	_ =	shalt  }
0x55: {  	_ =	shalt  }
0x56: {  	_ =	shalt  }
0x57: {  	_ =	shalt  }
0x58: {  	_ =	shalt  }
0x59: {  	_ =	shalt  }
0x5a: {  	_ =	shalt  }
0x5b: {  	_ =	shalt  }
0x5c: {  	_ =	shalt  }
0x5d: {  	_ =	shalt  }
0x5e: {  	_ =	shalt  }
0x5f: {  	_ =	shalt  }
0x60: {  	_ =	shalt  }
0x61: {  	_ =	shalt  }
0x62: {  	_ =	shalt  }
0x63: {  	_ =	shalt  }
0x64: {  	_ =	shalt  }
0x65: {  	_ =	shalt  }
0x66: {  	_ =	shalt  }
0x67: {  	_ =	shalt  }
0x68: {  	_ =	shalt  }
0x69: {  	_ =	shalt  }
0x6a: {  	_ =	shalt  }
0x6b: {  	_ =	shalt  }
0x6c: {  	_ =	shalt  }
0x6d: {  	_ =	shalt  }
0x6e: {  	_ =	shalt  }
0x6f: {  	_ =	shalt  }
0x70: {  	_ =	shalt  }
0x71: {  	_ =	shalt  }
0x72: {  	_ =	shalt  }
0x73: {  	_ =	shalt  }
0x74: {  	_ =	shalt  }
0x75: {  	_ =	shalt  }
0x76: {  	_ =	shalt  }
0x77: {  	_ =	shalt  }
0x78: {  	_ =	shalt  }
0x79: {  	_ =	shalt  }
0x7a: {  	_ =	shalt  }
0x7b: {  	_ =	shalt  }
0x7c: {  	_ =	shalt  }
0x7d: {  	_ =	shalt  }
0x7e: {  	_ =	shalt  }
0x7f: {  	_ =	shalt  }
0x80: {  	_ =	shalt  }
0x81: {  	_ =	shalt  }
0x82: {  	_ =	shalt  }
0x83: {  	_ =	shalt  }
0x84: {  	_ =	shalt  }
0x85: {  	_ =	shalt  }
0x86: {  	_ =	shalt  }
0x87: {  	_ =	shalt  }
.Lfunc_end0:
.L_simem_size_0:
called_computation.2_lowered:
.L_overlay_start_0:
0x88: {  	s2 =	sld [smem:$0x3FD9]  }
0x89: {  	s3 =	sld [smem:$0x3FFE];
	_ =	sdelay $0x1  }
0x8a: {  	s1 =	srdreg.scid  }
0x8b: {  	s0 =	sand.u32 $0x1, s1  }
0x8c: {  	s17 =	sshll.u32 s0, $0xA;
	s2 =	sadd.s32 s3, s2  }
0x8d: {  	s2 =	sadd.s32 s2, s17  }
0x8e: {  	[smem:$0x3FC0] =	sst s2  }
0x8f: {  	_ = 	snop  }
0x90: {  	s2 =	sld [smem:$0x3FD0];
	(tm) =	ssettm $0x1  }
0x91: {  	s18 =	sld [smem:$0x3FFB];
	_ =	sdelay $0x3  }
0x92: {  	_ =	strace s18  }
0x93: {  	s3 =	sld [smem:$0x3FFC];
	_ =	sdelay $0x3  }
0x94: {  	_ =	strace s3  }
0x95: {  	s3 =	sld [smem:$0x3FFD];
	_ =	sdelay $0x3  }
0x96: {  	_ =	strace s3  }
0x97: {  	_ =	strace $0x8FFFFFFF  }
0x98: {  	s19 =	sld [smem:$0x3FDB];
	_ =	sdelay $0x1  }
0x99: {  	s4 =	simm.s32 $_scs_section_size  }
0x9a: {  	s5 =	simm.s32 $_size__tile_overlayer_lowered;
	s6 =	simm.s32 $_tile_overlayer_lowered  }
0x9b: {  	s22 =	simm.s32 $0x1BFF;
	s21 =	sshll.u32 s6, $0x1;
	s3 =	sadd.s32 s4, s19  }
0x9c: {  	s7 =	simm.s32 $0x0;
	s20 =	sshll.u32 s5, $0x1;
	s5 =	sadd.s32 s21, s3  }
0x9d: {  	[timem:s7], [sflag:s22] =	dma.local [hbm:s5], s20  }
0x9e: {  	_ =	swait.ge [sflag:s22], s20  }
0x9f: {  	s4 =	ssub.s32 $0x0, s20;
	[sflag:s22] =	ssyncset.done $0x0  }
0xa0: {  	[sflag:s22] =	ssyncadd.s32 s4;
	_ =	sdelay $0x1  }
0xa1: {  	s23 =	simm.s32 $0x1B8B  }
0xa2: {  	_ =	swait.ge [sflag:s23], $0x1  }
0xa3: {  	[sflag:s23] =	ssyncset.done $0x0  }
0xa4: {  	s25 =	simm.s32 $0x1B8E;
	s24 =	sld [smem:$0x3FFE];
	[sflag:s23] =	ssyncadd.s32 $0xFFFFFFFF  }
0xa5: {  	s26 =	simm.s32 $execute0_lowered;
	[smem:$0x3FD2] =	sst s25  }
0xa6: {  	s5 =	sshll.u32 s26, $0x1;
	_ =	strace $0x8000004C;
	[dreg:$0x1] =	wrdreg $0xFFFFFFFF  }
0xa7: {  	s28 =	simm.s32 $_size_execute0_lowered;
	s3 =	sadd.s32 s3, s5;
	[dreg:$0x0] =	wrdreg $0x0  }
0xa8: {  	s5 =	sshll.u32 s28, $0x1;
	[dreg:$0x2] =	wrdreg s3  }
0xa9: {  	[dreg:$0x3] =	wrdreg s5  }
0xaa: {  	[dreg:$0x4] =	wrdreg $0xC0  }
0xab: {  	_ =	task [dreg:s7], $0x5FFFF  }
0xac: {  	[dreg:$0x1] =	wrdreg $0xFFFFFFFF  }
0xad: {  	[dreg:$0x0] =	wrdreg $0x60  }
0xae: {  	[dreg:$0x2] =	wrdreg s24  }
0xaf: {  	[dreg:$0x3] =	wrdreg s2  }
0xb0: {  	[dreg:$0x4] =	wrdreg $0x0  }
0xb1: {  	[dreg:$0x5] =	wrdreg $0x9  }
0xb2: {  	_ =	task.clear_ibuf [dreg:s7], $0x6FFFF;
	_ =	strace $0x9000004C  }
0xb3: {  	s29 =	simm.s32 $0x9;
	_ =	strace $0x8000004E  }
0xb4: {  	_ =	swait.ge [sflag:s29], $0x1  }
0xb5: {  	[sflag:s29] =	ssyncadd.s32 $0xFFFFFFFF  }
0xb6: {  	_ =	strace $0x9000004E  }
0xb7: {  	_ =	sfence  }
0xb8: {  	s30 =	sld [smem:$0x0];
	_ =	sdelay $0x2  }
0xb9: {  	s31 =	sshll.u32 s1, $0xD;
	s1 =	sshrl.u32 s1, $0x2  }
0xba: {  	s3 =	sand.u32 $0x4000, s31;
	s1 =	sadd.s32 s1, s30  }
0xbb: {  	s0 =	sor.u32 s3, s0;
	s1 =	sshll.u32 s1, $0x11  }
0xbc: {  	s0 =	sor.u32 s1, s0  }
0xbd: {  	s0 =	sadd.s32 $0x8F2B, s0  }
0xbe: {  	[sflag:s0] =	ssyncadd.remote.s32 $0x1  }
0xbf: {  	_ =	sfence.sel $0xFFFF  }
0xc0: {  	[dreg:$0x0] =	wrdreg $0xFFFFFFFF;
	(pc) =	sbr.abs _section_cstart, $3  }
0xc1: {  	[dreg:$0x1] =	wrdreg $0xFFFFFFFF  }
0xc2: {  	_ =	task.clear_ibuf [dreg:s7], $0x2FFFF;
	_ =	strace $0x9FFFFFFF  }
0xc3: {  	(tm) =	ssettm $0x7FFFFFFF  }
tec
execute0_lowered:
.L_overlay_start_1:
0x0: {  	(tag) =	ssettag $0x1  }
0x1: {  	s4 =	rddreg [dreg:$0x0]  }
0x2: {  	s0 =	srdreg.scid;
	s2 =	rddreg [dreg:$0x1]  }
0x3: {  	s8 =	stileid.u32;
	s3 =	rddreg [dreg:$0x2];
	s7 =	simm.s32 $0x0  }
0x4: {  	s19 =	simm.s32 $0x14000;
	s20 =	simm.s32 $0x4;
	s28 =	simm.s32 $0x1  }
0x5: {  	s29 =	simm.s32 $0x2;
	s30 =	simm.s32 $0x16700;
	s6 =	smul.u32 $0x14000, s8  }
0x6: {  	s31 =	simm.s32 $0x16780;
	s0 =	sand.u32 $0x1, s0;
	s21 =	smul.u32 $0x50000, s8  }
0x7: {  	[smem:$0x7FF] =	sst s7;
	s1 =	sshll.u32 s0, $0x4;
	s5 =	smul.u32 $0x140000, s0  }
0x8: {  	_ =	strace $0x8000004D;
	s0 =	ssub.s32 $0x2, s0;
	s1 =	sor.u32 s8, s1  }
0x9: {  	s22 =	sshrl.u32 s0, $0x1;
	s7 =	sshrl.u32 s21, $0x2;
	s21 =	simm.s32 $0x15400  }
0xa: {  	s1 =	smul.u32 $0x2800, s1;
	s5 =	sadd.s32 s6, s5;
	s0 =	ssub.s32 s0, s22  }
0xb: {  	s14 =	sadd.s32 s7, s3;
	s22 =	simm.s32 $0x80;
	s6 =	sshrl.u32 s5, $0x3  }
0xc: {  	s5 =	sadd.s32 $0x17400, s4;
	s13 =	smax.u32 s0, $0x1;
	s24 =	sadd.s32 $0x4000, s14  }
0xd: {  	s25 =	sadd.s32 $0x8000, s14;
	s26 =	sadd.s32 $0xC000, s14;
	s18 =	sadd.s32 $0x10000, s14  }
0xe: {  	s14 =	sshrl.u32 s14, $0x3;
	s1 =	sshrl.u32 s1, $0x3;
	s15 =	sshrl.u32 s24, $0x3  }
0xf: {  	s16 =	sshrl.u32 s25, $0x3;
	s17 =	sshrl.u32 s26, $0x3;
	s18 =	sshrl.u32 s18, $0x3  }
0x10: {  	s24 =	simm.s32 $0x14080;
	s25 =	simm.s32 $0x1A800;
	s26 =	simm.s32 $0x3  }
0x11: {  	s1 =	sadd.s32 s1, s4;
	s4 =	sadd.s32 s6, s4;
	s6 =	sshll.u32 s8, $0x6  }
0x12: {  	s7 =	sor.u32 $0x1C03, s6;
	s23 =	sadd.s32 $0x3400, s1;
	s9 =	sadd.s32 $0xD400, s1  }
0x13: {  	s10 =	sadd.s32 $0x3680, s1;
	s11 =	sadd.s32 $0xD680, s1;
	s12 =	sadd.s32 $0x3E600, s4  }
0x14: {  	s1 =	simm.s32 $0x0;
	[dreg:$0x4] =	wrdreg s23;
	s23 =	simm.s32 $0x16800  }
.LBB2_1:
0x15: {  	[spmem:s14], [sflag:s7] =	dma.local [hbm:s2], $0x800  }
0x16: {  	[spmem:s15], [sflag:s7] =	dma.local [hbm:s2], $0x800  }
0x17: {  	[spmem:s16], [sflag:s7] =	dma.local [hbm:s2], $0x800  }
0x18: {  	[spmem:s17], [sflag:s7] =	dma.local [hbm:s2], $0x800  }
0x19: {  	[spmem:s18], [sflag:s7] =	dma.local [hbm:s2], $0x800  }
0x1a: {  	s0 =	simm.s32 $0x0;
	s4 =	rddreg [dreg:$0x4]  }
0x1b: {  	[tilespmem:s19], [sflag:$0x4] =	stream.linear.gather [hbm4b:s4+s0], $0x1400, $0x38;
	[tilespmem:$0x1E800] =	vst v63  }
0x1c: {  	_ =	swait.ge [sflag:s20], $0x1400  }
0x1d: {  	[sflag:s20] =	ssyncset.done $0x0  }
0x1e: {  	[sflag:s20] =	ssyncadd.s32 $0xFFFFEC00  }
0x1f: {  	[tilespmem:s21], [sflag:$0x4] =	stream.linear.gather [hbm4b:s9+s0], $0x1400, $0x38;
	[tilespmem:$0x1E800] =	vst v63  }
0x20: {  	_ =	swait.ge [sflag:s20], $0x1400  }
0x21: {  	[sflag:s20] =	ssyncset.done $0x0  }
0x22: {  	[sflag:s20] =	ssyncadd.s32 $0xFFFFEC00  }
0x23: {  	[tilespmem:s23], [sflag:$0x1] =	stream.indirect.gather [hbm4b:s5+s22], $0x80, s19, s22, $0xb8;
	[tilespmem:$0x1E800] =	vst v63  }
0x24: {  	_ = 	snop  }
0x25: {  	[tilespmem:s25], [sflag:$0x2] =	stream.indirect.gather [hbm4b:s5+s22], $0x80, s24, s22, $0xb8;
	[tilespmem:$0x1E800] =	vst v63  }
0x26: {  	_ =	swait.ge [sflag:s26], $0x800  }
0x27: {  	[sflag:s26] =	ssyncset.done $0x0  }
0x28: {  	[sflag:s26] =	ssyncadd.s32 $0xFFFFF800  }
0x29: {  	_ =	swait.ge [sflag:s26], $0x800  }
0x2a: {  	[sflag:s26] =	ssyncset.done $0x0  }
0x2b: {  	[sflag:s26] =	ssyncadd.s32 $0xFFFFF800  }
0x2c: {  	_ =	swait.ge [sflag:s26], $0x800  }
0x2d: {  	[sflag:s26] =	ssyncset.done $0x0  }
0x2e: {  	[sflag:s26] =	ssyncadd.s32 $0xFFFFF800  }
0x2f: {  	_ =	swait.ge [sflag:s26], $0x800  }
0x30: {  	[sflag:s26] =	ssyncset.done $0x0  }
0x31: {  	[sflag:s26] =	ssyncadd.s32 $0xFFFFF800  }
0x32: {  	_ =	swait.ge [sflag:s26], $0x800  }
0x33: {  	[sflag:s26] =	ssyncset.done $0x0  }
0x34: {  	[sflag:s26] =	ssyncadd.s32 $0xFFFFF800  }
0x35: {  	[bflag:$0x0] =	sbarrier.arrive $0xFFFF  }
0x36: {  	_ =	swait.ge [sflag:s28], $0x4000  }
0x37: {  	[sflag:s28] =	ssyncset.done $0x0  }
0x38: {  	s8 =	simm.s32 $0x15400;
	[sflag:s28] =	ssyncadd.s32 $0xFFFFC000  }
0x39: {  	[spmem:s3] =	stream.indirect.scatter.add.f32 [tilespmem:s23], [sflag:$0x4], $0x80, s8, s22, $0xb8;
	[tilespmem:$0x1E800] =	vst v63  }
0x3a: {  	_ =	swait.ge [sflag:s20], $0x4000  }
0x3b: {  	[sflag:s20] =	ssyncset.done $0x0  }
0x3c: {  	s4 =	simm.s32 $0x14100;
	[sflag:s20] =	ssyncadd.s32 $0xFFFFC000  }
0x3d: {  	[tilespmem:s23], [sflag:$0x1] =	stream.indirect.gather [hbm4b:s5+s22], $0x80, s4, s22, $0xb8;
	[tilespmem:$0x1E800] =	vst v63  }
0x3e: {  	_ =	swait.ge [sflag:s29], $0x4000  }
0x3f: {  	[sflag:s29] =	ssyncset.done $0x0  }
0x40: {  	s8 =	simm.s32 $0x15480;
	[sflag:s29] =	ssyncadd.s32 $0xFFFFC000  }
0x41: {  	[spmem:s3] =	stream.indirect.scatter.add.f32 [tilespmem:s25], [sflag:$0x4], $0x80, s8, s22, $0xb8;
	[tilespmem:$0x1E800] =	vst v63  }
0x42: {  	_ =	swait.ge [sflag:s20], $0x4000  }
0x43: {  	[sflag:s20] =	ssyncset.done $0x0  }
0x44: {  	s0 =	simm.s32 $0x400;
	s4 =	simm.s32 $0x14180;
	[sflag:s20] =	ssyncadd.s32 $0xFFFFC000  }
.LBB2_2:
0x45: {  	[tilespmem:s25], [sflag:$0x2] =	stream.indirect.gather [hbm4b:s5+s22], $0x80, s4, s22, $0xb8;
	[tilespmem:$0x1E800] =	vst v63  }
0x46: {  	s4 =	smov.u32 s0  }
0x47: {  	p0 =	sne.s32 s0, $0x4800;
	s0 =	sadd.s32 $0x400, s0;
	_ =	swait.ge [sflag:s28], $0x4000  }
0x48: {  	s4 =	sshra.s32 s4, $0x2;
	[sflag:s28] =	ssyncset.done $0x0  }
0x49: {  	s8 =	sadd.s32 $0x15400, s4;
	[sflag:s28] =	ssyncadd.s32 $0xFFFFC000  }
0x4a: {  	[spmem:s3] =	stream.indirect.scatter.add.f32 [tilespmem:s23], [sflag:$0x4], $0x80, s8, s22, $0xb8;
	[tilespmem:$0x1E800] =	vst v63  }
0x4b: {  	_ =	swait.ge [sflag:s20], $0x4000  }
0x4c: {  	[sflag:s20] =	ssyncset.done $0x0  }
0x4d: {  	s8 =	sadd.s32 $0x14100, s4;
	[sflag:s20] =	ssyncadd.s32 $0xFFFFC000  }
0x4e: {  	[tilespmem:s23], [sflag:$0x1] =	stream.indirect.gather [hbm4b:s5+s22], $0x80, s8, s22, $0xb8;
	[tilespmem:$0x1E800] =	vst v63  }
0x4f: {  	_ =	swait.ge [sflag:s29], $0x4000  }
0x50: {  	[sflag:s29] =	ssyncset.done $0x0  }
.Ltmp0:
0x51: {  	s8 =	sadd.s32 $0x15480, s4;
	[sflag:s29] =	ssyncadd.s32 $0xFFFFC000;
	(pc) =	sbr.rel @p0 .LBB2_2-.Ltmp0, $4  }
0x52: {  	[spmem:s3] =	stream.indirect.scatter.add.f32 [tilespmem:s25], [sflag:$0x4], $0x80, s8, s22, $0xb8;
	[tilespmem:$0x1E800] =	vst v63  }
0x53: {  	_ =	swait.ge [sflag:s20], $0x4000  }
0x54: {  	[sflag:s20] =	ssyncset.done $0x0  }
0x55: {  	s4 =	sadd.s32 $0x14180, s4;
	[sflag:s20] =	ssyncadd.s32 $0xFFFFC000  }
0x56: {  	[tilespmem:s25], [sflag:$0x2] =	stream.indirect.gather [hbm4b:s5+s22], $0x80, s4, s22, $0xb8;
	[tilespmem:$0x1E800] =	vst v63  }
0x57: {  	_ =	swait.ge [sflag:s28], $0x4000  }
0x58: {  	[sflag:s28] =	ssyncset.done $0x0  }
0x59: {  	[sflag:s28] =	ssyncadd.s32 $0xFFFFC000  }
0x5a: {  	[spmem:s3] =	stream.indirect.scatter.add.f32 [tilespmem:s23], [sflag:$0x4], $0x80, s30, s22, $0xb8;
	[tilespmem:$0x1E800] =	vst v63  }
0x5b: {  	_ =	swait.ge [sflag:s20], $0x4000  }
0x5c: {  	[sflag:s20] =	ssyncset.done $0x0  }
0x5d: {  	[sflag:s20] =	ssyncadd.s32 $0xFFFFC000  }
0x5e: {  	_ =	swait.ge [sflag:s29], $0x4000  }
0x5f: {  	[sflag:s29] =	ssyncset.done $0x0  }
0x60: {  	[sflag:s29] =	ssyncadd.s32 $0xFFFFC000  }
0x61: {  	[spmem:s3] =	stream.indirect.scatter.add.f32 [tilespmem:s25], [sflag:$0x4], $0x80, s31, s22, $0xb8;
	[tilespmem:$0x1E800] =	vst v63  }
0x62: {  	_ =	swait.ge [sflag:s20], $0x4000  }
0x63: {  	[sflag:s20] =	ssyncset.done $0x0  }
0x64: {  	s0 =	simm.s32 $0x0;
	[sflag:s20] =	ssyncadd.s32 $0xFFFFC000  }
0x65: {  	[tilespmem:s19], [sflag:$0x4] =	stream.linear.gather [hbm4b:s10+s0], $0x1400, $0x38;
	[tilespmem:$0x1E800] =	vst v63  }
0x66: {  	_ =	swait.ge [sflag:s20], $0x1400  }
0x67: {  	[sflag:s20] =	ssyncset.done $0x0  }
0x68: {  	[sflag:s20] =	ssyncadd.s32 $0xFFFFEC00  }
0x69: {  	[tilespmem:s21], [sflag:$0x4] =	stream.linear.gather [hbm4b:s11+s0], $0x1400, $0x38;
	[tilespmem:$0x1E800] =	vst v63  }
0x6a: {  	_ =	swait.ge [sflag:s20], $0x1400  }
0x6b: {  	[sflag:s20] =	ssyncset.done $0x0  }
0x6c: {  	[sflag:s20] =	ssyncadd.s32 $0xFFFFEC00  }
0x6d: {  	[tilespmem:s23], [sflag:$0x1] =	stream.indirect.gather [hbm4b:s5+s22], $0x80, s19, s22, $0xb8;
	[tilespmem:$0x1E800] =	vst v63  }
0x6e: {  	_ = 	snop  }
0x6f: {  	[tilespmem:s25], [sflag:$0x2] =	stream.indirect.gather [hbm4b:s5+s22], $0x80, s24, s22, $0xb8;
	[tilespmem:$0x1E800] =	vst v63  }
0x70: {  	_ =	swait.ge [sflag:s28], $0x4000  }
0x71: {  	[sflag:s28] =	ssyncset.done $0x0  }
0x72: {  	s8 =	simm.s32 $0x15400;
	[sflag:s28] =	ssyncadd.s32 $0xFFFFC000  }
0x73: {  	[spmem:s3] =	stream.indirect.scatter.add.f32 [tilespmem:s23], [sflag:$0x4], $0x80, s8, s22, $0xb8;
	[tilespmem:$0x1E800] =	vst v63  }
0x74: {  	_ =	swait.ge [sflag:s20], $0x4000  }
0x75: {  	[sflag:s20] =	ssyncset.done $0x0  }
0x76: {  	s4 =	simm.s32 $0x14100;
	[sflag:s20] =	ssyncadd.s32 $0xFFFFC000  }
0x77: {  	[tilespmem:s23], [sflag:$0x1] =	stream.indirect.gather [hbm4b:s5+s22], $0x80, s4, s22, $0xb8;
	[tilespmem:$0x1E800] =	vst v63  }
0x78: {  	_ =	swait.ge [sflag:s29], $0x4000  }
0x79: {  	[sflag:s29] =	ssyncset.done $0x0  }
0x7a: {  	s8 =	simm.s32 $0x15480;
	[sflag:s29] =	ssyncadd.s32 $0xFFFFC000  }
0x7b: {  	[spmem:s3] =	stream.indirect.scatter.add.f32 [tilespmem:s25], [sflag:$0x4], $0x80, s8, s22, $0xb8;
	[tilespmem:$0x1E800] =	vst v63  }
0x7c: {  	_ =	swait.ge [sflag:s20], $0x4000  }
0x7d: {  	[sflag:s20] =	ssyncset.done $0x0  }
0x7e: {  	s0 =	simm.s32 $0x400;
	s4 =	simm.s32 $0x14180;
	[sflag:s20] =	ssyncadd.s32 $0xFFFFC000  }
.LBB2_4:
0x7f: {  	[tilespmem:s25], [sflag:$0x2] =	stream.indirect.gather [hbm4b:s5+s22], $0x80, s4, s22, $0xb8;
	[tilespmem:$0x1E800] =	vst v63  }
0x80: {  	s4 =	smov.u32 s0  }
0x81: {  	p0 =	sne.s32 s0, $0x4800;
	s0 =	sadd.s32 $0x400, s0;
	_ =	swait.ge [sflag:s28], $0x4000  }
0x82: {  	s4 =	sshra.s32 s4, $0x2;
	[sflag:s28] =	ssyncset.done $0x0  }
0x83: {  	s8 =	sadd.s32 $0x15400, s4;
	[sflag:s28] =	ssyncadd.s32 $0xFFFFC000  }
0x84: {  	[spmem:s3] =	stream.indirect.scatter.add.f32 [tilespmem:s23], [sflag:$0x4], $0x80, s8, s22, $0xb8;
	[tilespmem:$0x1E800] =	vst v63  }
0x85: {  	_ =	swait.ge [sflag:s20], $0x4000  }
0x86: {  	[sflag:s20] =	ssyncset.done $0x0  }
0x87: {  	s8 =	sadd.s32 $0x14100, s4;
	[sflag:s20] =	ssyncadd.s32 $0xFFFFC000  }
0x88: {  	[tilespmem:s23], [sflag:$0x1] =	stream.indirect.gather [hbm4b:s5+s22], $0x80, s8, s22, $0xb8;
	[tilespmem:$0x1E800] =	vst v63  }
0x89: {  	_ =	swait.ge [sflag:s29], $0x4000  }
0x8a: {  	[sflag:s29] =	ssyncset.done $0x0  }
.Ltmp1:
0x8b: {  	s8 =	sadd.s32 $0x15480, s4;
	[sflag:s29] =	ssyncadd.s32 $0xFFFFC000;
	(pc) =	sbr.rel @p0 .LBB2_4-.Ltmp1, $4  }
0x8c: {  	[spmem:s3] =	stream.indirect.scatter.add.f32 [tilespmem:s25], [sflag:$0x4], $0x80, s8, s22, $0xb8;
	[tilespmem:$0x1E800] =	vst v63  }
0x8d: {  	_ =	swait.ge [sflag:s20], $0x4000  }
0x8e: {  	[sflag:s20] =	ssyncset.done $0x0  }
0x8f: {  	s4 =	sadd.s32 $0x14180, s4;
	[sflag:s20] =	ssyncadd.s32 $0xFFFFC000  }
0x90: {  	[tilespmem:s25], [sflag:$0x2] =	stream.indirect.gather [hbm4b:s5+s22], $0x80, s4, s22, $0xb8;
	[tilespmem:$0x1E800] =	vst v63  }
0x91: {  	_ =	swait.ge [sflag:s28], $0x4000  }
0x92: {  	[sflag:s28] =	ssyncset.done $0x0  }
0x93: {  	[sflag:s28] =	ssyncadd.s32 $0xFFFFC000  }
0x94: {  	[spmem:s3] =	stream.indirect.scatter.add.f32 [tilespmem:s23], [sflag:$0x4], $0x80, s30, s22, $0xb8;
	[tilespmem:$0x1E800] =	vst v63  }
0x95: {  	_ =	swait.ge [sflag:s20], $0x4000  }
0x96: {  	[sflag:s20] =	ssyncset.done $0x0  }
0x97: {  	[sflag:s20] =	ssyncadd.s32 $0xFFFFC000  }
0x98: {  	_ =	swait.ge [sflag:s29], $0x4000  }
0x99: {  	[sflag:s29] =	ssyncset.done $0x0  }
0x9a: {  	[sflag:s29] =	ssyncadd.s32 $0xFFFFC000  }
0x9b: {  	[spmem:s3] =	stream.indirect.scatter.add.f32 [tilespmem:s25], [sflag:$0x4], $0x80, s31, s22, $0xb8;
	[tilespmem:$0x1E800] =	vst v63  }
0x9c: {  	_ =	swait.ge [sflag:s20], $0x4000  }
0x9d: {  	s1 =	sadd.s32 $0x1, s1;
	[sflag:s20] =	ssyncset.done $0x0  }
0x9e: {  	p0 =	sne.s32 s1, s13;
	[sflag:s20] =	ssyncadd.s32 $0xFFFFC000  }
.Ltmp2:
0x9f: {  	s0 =	sor.u32 $0x1C04, s6;
	[bflag:$0x0] =	sbarrier.arrive $0xFFFF;
	(pc) =	sbr.rel @p0 .LBB2_1-.Ltmp2, $4  }
0xa0: {  	[hbm:s12], [sflag:s0] =	dma.local [spmem:s14], $0x2800  }
0xa1: {  	_ =	swait.ge [sflag:s20], $0x2800  }
0xa2: {  	[sflag:s20] =	ssyncset.done $0x0  }
0xa3: {  	[sflag:s20] =	ssyncadd.s32 $0xFFFFD800  }
0xa4: {  	_ =	sfence.sel $0x180000  }
0xa5: {  	[bflag:$0x0] =	sbarrier.arrive $0xFFFF  }
0xa6: {  	_ =	strace $0x9000004D  }
0xa7: {  	s0 =	stileid.u32;
	[bflag:$0x2] =	sbarrier.arrive $0xFFFF  }
0xa8: {  	p0 =	sne.s32 s0, $0x0;
	s0 =	rddreg [dreg:$0x3]  }
0xa9: {  	s0 =	sadd.s32 @!p0 $0x100000, s0  }
0xaa: {  	[sflag:s0] =	ssyncadd.tile.s32 @!p0 $0x1;
	_ =	shalt  }
.Lfunc_end2:
_tile_overlayer_lowered:
.L_overlay_start_2:
0xab: {  	(tag) =	ssettag $0x2  }
0xac: {  	s0 =	rddreg [dreg:$0x0];
	s2 =	stileid.u32  }
0xad: {  	s1 =	rddreg [dreg:$0x1];
	p0 =	sne.s32 s2, $0x0  }
0xae: {  	s3 =	rddreg [dreg:$0x2];
	[bflag:$0x3] =	sbarrier.arrive $0xFFFF;
	s2 =	simm.s32 @!p0 $0x1C04  }
0xaf: {  	[timem:s3], [sflag:s2] =	dma.local @!p0 [hbm:s0], s1  }
0xb0: {  	s0 =	simm.s32 @!p0 $0x4  }
0xb1: {  	_ =	swait.ge @!p0 [sflag:s0], s1  }
0xb2: {  	s1 =	ssub.s32 @!p0 $0x0, s1;
	[sflag:s0] =	ssyncset.done @!p0 $0x0  }
0xb3: {  	[sflag:s0] =	ssyncadd.s32 @!p0 s1  }
0xb4: {  	[bflag:$0x3] =	sbarrier.arrive $0xFFFF  }
0xb5: {  	_ =	shalt  }

// kernel: kernel.20.cloned.1.call-start
scs
__scs_entry_jumppad:
0x0: {  	(pc) =	sbr.rel $0x88, $3  }
0x1: {  	(tag) =	ssettag $0x0;
	lr =	simm.s32 $0x1  }
0x2: {  	[smem:$0x3F99] =	sst lr;
	_ =	strace $0xD0000000  }
0x3: {  	_ = 	snop  }
0x4: {  	_ = 	snop  }
0x5: {  	_ = 	snop  }
0x6: {  	_ = 	snop  }
0x7: {  	_ = 	snop  }
__scs_overlays_trampoline_lowered:
0x8: {  	[smem:$0x3FA8] =	sst s0  }
0x9: {  	[smem:$0x3FA9] =	sst s1  }
0xa: {  	[smem:$0x3FAA] =	sst s2  }
0xb: {  	[smem:$0x3FAB] =	sst s3  }
0xc: {  	[smem:$0x3FAC] =	sst s4  }
0xd: {  	[smem:$0x3FAD] =	sst s5  }
0xe: {  	[smem:$0x3FAE] =	sst s6  }
0xf: {  	[smem:$0x3FAF] =	sst s7  }
0x10: {  	[smem:$0x3FB0] =	sst s8  }
0x11: {  	[smem:$0x3FB1] =	sst s9;
	s0 =	simm.s32 @!p0 $0x0  }
0x12: {  	s1 =	sld [smem:$0x3F97];
	s0 =	simm.s32 @p0 $0x1  }
0x13: {  	[smem:$0x3FB2] =	sst s0;
	s0 =	simm.s32 @!p1 $0x0  }
0x14: {  	s2 =	sld [smem:$0x3F96];
	s0 =	simm.s32 @p1 $0x1  }
0x15: {  	[smem:$0x3FB3] =	sst s0;
	s0 =	simm.s32 @!p2 $0x0  }
0x16: {  	s3 =	sld [smem:$0x3FDB];
	s0 =	simm.s32 @p2 $0x1  }
0x17: {  	s4 =	simm.s32 $0x1BF5;
	[smem:$0x3FB5] =	sst s0  }
0x18: {  	s0 =	sld [smem:$0x3F98];
	_ =	swait.ge [sflag:s4], $0x0  }
0x19: {  	s7 =	sld [smem:$0x3F99]  }
0x1a: {  	s8 =	sadd.s32 $0xFFFFE003, lr  }
0x1b: {  	s9 =	sadd.s32 $0xFFFFFEF7, lr;
	s5 =	simm.s32 $0xFFFFFFFF;
	p2 =	slt.u32 s8, $0xFFFFF086  }
0x1c: {  	p1 =	slt.u32 s9, $0xF7A;
	s5 =	simm.s32 @!p2 $0x0  }
0x1d: {  	s5 =	simm.s32 @p1 $0x1;
	p0 =	seq.s32 s7, s2  }
0x1e: {  	s7 =	smul.u32 @!p0 $0xF7A, s2;
	p2 =	seq.s32 @!p0 s5, $0x0  }
0x1f: {  	s9 =	smul.u32 $0xF7A, s1;
	s8 =	simm.s32 @!p0 $0x1BF5;
	p2 =	por !p2, p0  }
0x20: {  	[sflag:s8] =	ssyncset.s32 @!p0 $0xFFFFF086;
	s6 =	sadd.s32 @!p0 s3, s7;
	s7 =	simm.s32 @!p0 $0x108  }
0x21: {  	s3 =	sadd.s32 s3, s9;
	s6 =	sadd.s32 @!p0 $0x88, s6;
	s7 =	simm.s32 @p2 $0x1082  }
0x22: {  	[simem:s7], [sflag:s8] =	dma.local @!p0 [hbm:s6], $0xF7A  }
0x23: {  	s9 =	sor.u32 $0xD0000000, s2;
	s6 =	simm.s32 $0x108;
	_ =	swait.ge @!p0 [sflag:s8], $0x0  }
0x24: {  	s3 =	sadd.s32 $0x88, s3;
	s6 =	simm.s32 @!p1 $0x1082;
	[sflag:s4] =	ssyncset.s32 $0xFFFFF086  }
0x25: {  	[simem:s6], [sflag:s4] =	dma.local [hbm:s3], $0xF7A  }
0x26: {  	[smem:$0x3F99] =	sst s1;
	(tag) =	ssettag s2;
	_ =	strace s9  }
0x27: {  	s1 =	sld [smem:$0x3FA9]  }
0x28: {  	s2 =	sld [smem:$0x3FAA]  }
0x29: {  	s4 =	sld [smem:$0x3FAC]  }
0x2a: {  	p0 =	seq.s32 s5, $0x0;
	s5 =	sld [smem:$0x3FAD]  }
0x2b: {  	s6 =	sld [smem:$0x3FAE]  }
0x2c: {  	s7 =	sld [smem:$0x3FAF]  }
0x2d: {  	s3 =	simm.s32 $0x108;
	s8 =	sld [smem:$0x3FB0]  }
0x2e: {  	s3 =	simm.s32 @!p0 $0x1082;
	s9 =	sld [smem:$0x3FB1]  }
0x2f: {  	lr =	sadd.s32 s0, s3;
	s0 =	sld [smem:$0x3FA8]  }
0x30: {  	s3 =	sld [smem:$0x3FAB]  }
0x31: {  	[smem:$0x3FB4] =	sst s10  }
0x32: {  	s10 =	sld [smem:$0x3FB2];
	_ =	sdelay $0x3  }
0x33: {  	p0 =	seq.s32 s10, $0x1;
	s10 =	sld [smem:$0x3FB4];
	_ =	sdelay $0x3  }
0x34: {  	[smem:$0x3FB4] =	sst s10  }
0x35: {  	s10 =	sld [smem:$0x3FB3];
	_ =	sdelay $0x3  }
0x36: {  	p1 =	seq.s32 s10, $0x1;
	s10 =	sld [smem:$0x3FB4];
	_ =	sdelay $0x3  }
0x37: {  	[smem:$0x3FB4] =	sst s10  }
0x38: {  	s10 =	sld [smem:$0x3FB5]  }
0x39: {  	_ = 	snop;
	(pc) =	sbr.ind lr, $3  }
0x3a: {  	_ = 	snop  }
0x3b: {  	_ = 	snop  }
0x3c: {  	p2 =	seq.s32 s10, $0x1;
	s10 =	sld [smem:$0x3FB4]  }
0x3d: {  	_ =	shalt  }
0x3e: {  	_ =	shalt  }
0x3f: {  	_ =	shalt  }
0x40: {  	_ =	shalt  }
0x41: {  	_ =	shalt  }
0x42: {  	_ =	shalt  }
0x43: {  	_ =	shalt  }
0x44: {  	_ =	shalt  }
0x45: {  	_ =	shalt  }
0x46: {  	_ =	shalt  }
0x47: {  	_ =	shalt  }
0x48: {  	_ =	shalt  }
0x49: {  	_ =	shalt  }
0x4a: {  	_ =	shalt  }
0x4b: {  	_ =	shalt  }
0x4c: {  	_ =	shalt  }
0x4d: {  	_ =	shalt  }
0x4e: {  	_ =	shalt  }
0x4f: {  	_ =	shalt  }
0x50: {  	_ =	shalt  }
0x51: {  	_ =	shalt  }
0x52: {  	_ =	shalt  }
0x53: {  	_ =	shalt  }
0x54: {  	_ =	shalt  }
0x55: {  	_ =	shalt  }
0x56: {  	_ =	shalt  }
0x57: {  	_ =	shalt  }
0x58: {  	_ =	shalt  }
0x59: {  	_ =	shalt  }
0x5a: {  	_ =	shalt  }
0x5b: {  	_ =	shalt  }
0x5c: {  	_ =	shalt  }
0x5d: {  	_ =	shalt  }
0x5e: {  	_ =	shalt  }
0x5f: {  	_ =	shalt  }
0x60: {  	_ =	shalt  }
0x61: {  	_ =	shalt  }
0x62: {  	_ =	shalt  }
0x63: {  	_ =	shalt  }
0x64: {  	_ =	shalt  }
0x65: {  	_ =	shalt  }
0x66: {  	_ =	shalt  }
0x67: {  	_ =	shalt  }
0x68: {  	_ =	shalt  }
0x69: {  	_ =	shalt  }
0x6a: {  	_ =	shalt  }
0x6b: {  	_ =	shalt  }
0x6c: {  	_ =	shalt  }
0x6d: {  	_ =	shalt  }
0x6e: {  	_ =	shalt  }
0x6f: {  	_ =	shalt  }
0x70: {  	_ =	shalt  }
0x71: {  	_ =	shalt  }
0x72: {  	_ =	shalt  }
0x73: {  	_ =	shalt  }
0x74: {  	_ =	shalt  }
0x75: {  	_ =	shalt  }
0x76: {  	_ =	shalt  }
0x77: {  	_ =	shalt  }
0x78: {  	_ =	shalt  }
0x79: {  	_ =	shalt  }
0x7a: {  	_ =	shalt  }
0x7b: {  	_ =	shalt  }
0x7c: {  	_ =	shalt  }
0x7d: {  	_ =	shalt  }
0x7e: {  	_ =	shalt  }
0x7f: {  	_ =	shalt  }
0x80: {  	_ =	shalt  }
0x81: {  	_ =	shalt  }
0x82: {  	_ =	shalt  }
0x83: {  	_ =	shalt  }
0x84: {  	_ =	shalt  }
0x85: {  	_ =	shalt  }
0x86: {  	_ =	shalt  }
0x87: {  	_ =	shalt  }
.Lfunc_end0:
.L_simem_size_0:
called_computation.3_lowered:
.L_overlay_start_0:
0x88: {  	s2 =	sld [smem:$0x3FD9]  }
0x89: {  	s3 =	sld [smem:$0x3FFE];
	_ =	sdelay $0x1  }
0x8a: {  	s1 =	srdreg.scid  }
0x8b: {  	s0 =	sand.u32 $0x1, s1  }
0x8c: {  	s17 =	sshll.u32 s0, $0xA;
	s2 =	sadd.s32 s3, s2  }
0x8d: {  	s2 =	sadd.s32 s2, s17  }
0x8e: {  	[smem:$0x3FC0] =	sst s2  }
0x8f: {  	_ = 	snop  }
0x90: {  	s2 =	sld [smem:$0x3FD0];
	(tm) =	ssettm $0x1  }
0x91: {  	s18 =	sld [smem:$0x3FFB];
	_ =	sdelay $0x3  }
0x92: {  	_ =	strace s18  }
0x93: {  	s3 =	sld [smem:$0x3FFC];
	_ =	sdelay $0x3  }
0x94: {  	_ =	strace s3  }
0x95: {  	s3 =	sld [smem:$0x3FFD];
	_ =	sdelay $0x3  }
0x96: {  	_ =	strace s3  }
0x97: {  	_ =	strace $0x8FFFFFFF  }
0x98: {  	s19 =	sld [smem:$0x3FDB];
	_ =	sdelay $0x1  }
0x99: {  	s4 =	simm.s32 $_scs_section_size  }
0x9a: {  	s5 =	simm.s32 $_size__tile_overlayer_lowered;
	s6 =	simm.s32 $_tile_overlayer_lowered  }
0x9b: {  	s22 =	simm.s32 $0x1BFF;
	s21 =	sshll.u32 s6, $0x1;
	s3 =	sadd.s32 s4, s19  }
0x9c: {  	s7 =	simm.s32 $0x0;
	s20 =	sshll.u32 s5, $0x1;
	s5 =	sadd.s32 s21, s3  }
0x9d: {  	[timem:s7], [sflag:s22] =	dma.local [hbm:s5], s20  }
0x9e: {  	_ =	swait.ge [sflag:s22], s20  }
0x9f: {  	s4 =	ssub.s32 $0x0, s20;
	[sflag:s22] =	ssyncset.done $0x0  }
0xa0: {  	[sflag:s22] =	ssyncadd.s32 s4;
	_ =	sdelay $0x1  }
0xa1: {  	s23 =	simm.s32 $0x1B8B  }
0xa2: {  	_ =	swait.ge [sflag:s23], $0x1  }
0xa3: {  	[sflag:s23] =	ssyncset.done $0x0  }
0xa4: {  	s25 =	simm.s32 $0x1B8E;
	s24 =	sld [smem:$0x3FFE];
	[sflag:s23] =	ssyncadd.s32 $0xFFFFFFFF  }
0xa5: {  	s26 =	simm.s32 $execute0_lowered;
	[smem:$0x3FD2] =	sst s25  }
0xa6: {  	s5 =	sshll.u32 s26, $0x1;
	_ =	strace $0x8000004F;
	[dreg:$0x1] =	wrdreg $0xFFFFFFFF  }
0xa7: {  	s28 =	simm.s32 $_size_execute0_lowered;
	s3 =	sadd.s32 s3, s5;
	[dreg:$0x0] =	wrdreg $0x0  }
0xa8: {  	s5 =	sshll.u32 s28, $0x1;
	[dreg:$0x2] =	wrdreg s3  }
0xa9: {  	[dreg:$0x3] =	wrdreg s5  }
0xaa: {  	[dreg:$0x4] =	wrdreg $0xC0  }
0xab: {  	_ =	task [dreg:s7], $0x5FFFF  }
0xac: {  	[dreg:$0x1] =	wrdreg $0xFFFFFFFF  }
0xad: {  	[dreg:$0x0] =	wrdreg $0x60  }
0xae: {  	[dreg:$0x2] =	wrdreg s24  }
0xaf: {  	[dreg:$0x3] =	wrdreg s2  }
0xb0: {  	[dreg:$0x4] =	wrdreg $0x0  }
0xb1: {  	[dreg:$0x5] =	wrdreg $0x9  }
0xb2: {  	_ =	task.clear_ibuf [dreg:s7], $0x6FFFF;
	_ =	strace $0x9000004F  }
0xb3: {  	s29 =	simm.s32 $0x9;
	_ =	strace $0x80000051  }
0xb4: {  	_ =	swait.ge [sflag:s29], $0x1  }
0xb5: {  	[sflag:s29] =	ssyncadd.s32 $0xFFFFFFFF  }
0xb6: {  	_ =	strace $0x90000051  }
0xb7: {  	_ =	sfence  }
0xb8: {  	s30 =	sld [smem:$0x0];
	_ =	sdelay $0x2  }
0xb9: {  	s31 =	sshll.u32 s1, $0xD;
	s1 =	sshrl.u32 s1, $0x2  }
0xba: {  	s3 =	sand.u32 $0x4000, s31;
	s1 =	sadd.s32 s1, s30  }
0xbb: {  	s0 =	sor.u32 s3, s0;
	s1 =	sshll.u32 s1, $0x11  }
0xbc: {  	s0 =	sor.u32 s1, s0  }
0xbd: {  	s0 =	sadd.s32 $0x8F2B, s0  }
0xbe: {  	[sflag:s0] =	ssyncadd.remote.s32 $0x1  }
0xbf: {  	_ =	sfence.sel $0xFFFF  }
0xc0: {  	[dreg:$0x0] =	wrdreg $0xFFFFFFFF;
	(pc) =	sbr.abs _section_cstart, $3  }
0xc1: {  	[dreg:$0x1] =	wrdreg $0xFFFFFFFF  }
0xc2: {  	_ =	task.clear_ibuf [dreg:s7], $0x2FFFF;
	_ =	strace $0x9FFFFFFF  }
0xc3: {  	(tm) =	ssettm $0x7FFFFFFF  }
tec
execute0_lowered:
.L_overlay_start_1:
0x0: {  	(tag) =	ssettag $0x1  }
0x1: {  	s4 =	rddreg [dreg:$0x0]  }
0x2: {  	s0 =	srdreg.scid;
	s2 =	rddreg [dreg:$0x1]  }
0x3: {  	s8 =	stileid.u32;
	s3 =	rddreg [dreg:$0x2];
	s7 =	simm.s32 $0x0  }
0x4: {  	s19 =	simm.s32 $0x14000;
	s20 =	simm.s32 $0x4;
	s28 =	simm.s32 $0x1  }
0x5: {  	s29 =	simm.s32 $0x2;
	s30 =	simm.s32 $0x16700;
	s6 =	smul.u32 $0x14000, s8  }
0x6: {  	s31 =	simm.s32 $0x16780;
	s0 =	sand.u32 $0x1, s0;
	s21 =	smul.u32 $0x50000, s8  }
0x7: {  	[smem:$0x7FF] =	sst s7;
	s1 =	sshll.u32 s0, $0x4;
	s5 =	smul.u32 $0x140000, s0  }
0x8: {  	_ =	strace $0x80000050;
	s0 =	ssub.s32 $0x2, s0;
	s1 =	sor.u32 s8, s1  }
0x9: {  	s22 =	sshrl.u32 s0, $0x1;
	s7 =	sshrl.u32 s21, $0x2;
	s21 =	simm.s32 $0x15400  }
0xa: {  	s1 =	smul.u32 $0x2800, s1;
	s5 =	sadd.s32 s6, s5;
	s0 =	ssub.s32 s0, s22  }
0xb: {  	s14 =	sadd.s32 s7, s3;
	s22 =	simm.s32 $0x80;
	s6 =	sshrl.u32 s5, $0x3  }
0xc: {  	s5 =	sadd.s32 $0x17400, s4;
	s13 =	smax.u32 s0, $0x1;
	s24 =	sadd.s32 $0x4000, s14  }
0xd: {  	s25 =	sadd.s32 $0x8000, s14;
	s26 =	sadd.s32 $0xC000, s14;
	s18 =	sadd.s32 $0x10000, s14  }
0xe: {  	s14 =	sshrl.u32 s14, $0x3;
	s1 =	sshrl.u32 s1, $0x3;
	s15 =	sshrl.u32 s24, $0x3  }
0xf: {  	s16 =	sshrl.u32 s25, $0x3;
	s17 =	sshrl.u32 s26, $0x3;
	s18 =	sshrl.u32 s18, $0x3  }
0x10: {  	s24 =	simm.s32 $0x14080;
	s25 =	simm.s32 $0x1A800;
	s26 =	simm.s32 $0x3  }
0x11: {  	s1 =	sadd.s32 s1, s4;
	s4 =	sadd.s32 s6, s4;
	s6 =	sshll.u32 s8, $0x6  }
0x12: {  	s7 =	sor.u32 $0x1C03, s6;
	s23 =	sadd.s32 $0x3400, s1;
	s9 =	sadd.s32 $0xD400, s1  }
0x13: {  	s10 =	sadd.s32 $0x3680, s1;
	s11 =	sadd.s32 $0xD680, s1;
	s12 =	sadd.s32 $0x3E600, s4  }
0x14: {  	s1 =	simm.s32 $0x0;
	[dreg:$0x4] =	wrdreg s23;
	s23 =	simm.s32 $0x16800  }
.LBB2_1:
0x15: {  	[spmem:s14], [sflag:s7] =	dma.local [hbm:s2], $0x800  }
0x16: {  	[spmem:s15], [sflag:s7] =	dma.local [hbm:s2], $0x800  }
0x17: {  	[spmem:s16], [sflag:s7] =	dma.local [hbm:s2], $0x800  }
0x18: {  	[spmem:s17], [sflag:s7] =	dma.local [hbm:s2], $0x800  }
0x19: {  	[spmem:s18], [sflag:s7] =	dma.local [hbm:s2], $0x800  }
0x1a: {  	s0 =	simm.s32 $0x0;
	s4 =	rddreg [dreg:$0x4]  }
0x1b: {  	[tilespmem:s19], [sflag:$0x4] =	stream.linear.gather [hbm4b:s4+s0], $0x1400, $0x38;
	[tilespmem:$0x1E800] =	vst v63  }
0x1c: {  	_ =	swait.ge [sflag:s20], $0x1400  }
0x1d: {  	[sflag:s20] =	ssyncset.done $0x0  }
0x1e: {  	[sflag:s20] =	ssyncadd.s32 $0xFFFFEC00  }
0x1f: {  	[tilespmem:s21], [sflag:$0x4] =	stream.linear.gather [hbm4b:s9+s0], $0x1400, $0x38;
	[tilespmem:$0x1E800] =	vst v63  }
0x20: {  	_ =	swait.ge [sflag:s20], $0x1400  }
0x21: {  	[sflag:s20] =	ssyncset.done $0x0  }
0x22: {  	[sflag:s20] =	ssyncadd.s32 $0xFFFFEC00  }
0x23: {  	[tilespmem:s23], [sflag:$0x1] =	stream.indirect.gather [hbm4b:s5+s22], $0x80, s19, s22, $0xb8;
	[tilespmem:$0x1E800] =	vst v63  }
0x24: {  	_ = 	snop  }
0x25: {  	[tilespmem:s25], [sflag:$0x2] =	stream.indirect.gather [hbm4b:s5+s22], $0x80, s24, s22, $0xb8;
	[tilespmem:$0x1E800] =	vst v63  }
0x26: {  	_ =	swait.ge [sflag:s26], $0x800  }
0x27: {  	[sflag:s26] =	ssyncset.done $0x0  }
0x28: {  	[sflag:s26] =	ssyncadd.s32 $0xFFFFF800  }
0x29: {  	_ =	swait.ge [sflag:s26], $0x800  }
0x2a: {  	[sflag:s26] =	ssyncset.done $0x0  }
0x2b: {  	[sflag:s26] =	ssyncadd.s32 $0xFFFFF800  }
0x2c: {  	_ =	swait.ge [sflag:s26], $0x800  }
0x2d: {  	[sflag:s26] =	ssyncset.done $0x0  }
0x2e: {  	[sflag:s26] =	ssyncadd.s32 $0xFFFFF800  }
0x2f: {  	_ =	swait.ge [sflag:s26], $0x800  }
0x30: {  	[sflag:s26] =	ssyncset.done $0x0  }
0x31: {  	[sflag:s26] =	ssyncadd.s32 $0xFFFFF800  }
0x32: {  	_ =	swait.ge [sflag:s26], $0x800  }
0x33: {  	[sflag:s26] =	ssyncset.done $0x0  }
0x34: {  	[sflag:s26] =	ssyncadd.s32 $0xFFFFF800  }
0x35: {  	[bflag:$0x0] =	sbarrier.arrive $0xFFFF  }
0x36: {  	_ =	swait.ge [sflag:s28], $0x4000  }
0x37: {  	[sflag:s28] =	ssyncset.done $0x0  }
0x38: {  	s8 =	simm.s32 $0x15400;
	[sflag:s28] =	ssyncadd.s32 $0xFFFFC000  }
0x39: {  	[spmem:s3] =	stream.indirect.scatter.add.f32 [tilespmem:s23], [sflag:$0x4], $0x80, s8, s22, $0xb8;
	[tilespmem:$0x1E800] =	vst v63  }
0x3a: {  	_ =	swait.ge [sflag:s20], $0x4000  }
0x3b: {  	[sflag:s20] =	ssyncset.done $0x0  }
0x3c: {  	s4 =	simm.s32 $0x14100;
	[sflag:s20] =	ssyncadd.s32 $0xFFFFC000  }
0x3d: {  	[tilespmem:s23], [sflag:$0x1] =	stream.indirect.gather [hbm4b:s5+s22], $0x80, s4, s22, $0xb8;
	[tilespmem:$0x1E800] =	vst v63  }
0x3e: {  	_ =	swait.ge [sflag:s29], $0x4000  }
0x3f: {  	[sflag:s29] =	ssyncset.done $0x0  }
0x40: {  	s8 =	simm.s32 $0x15480;
	[sflag:s29] =	ssyncadd.s32 $0xFFFFC000  }
0x41: {  	[spmem:s3] =	stream.indirect.scatter.add.f32 [tilespmem:s25], [sflag:$0x4], $0x80, s8, s22, $0xb8;
	[tilespmem:$0x1E800] =	vst v63  }
0x42: {  	_ =	swait.ge [sflag:s20], $0x4000  }
0x43: {  	[sflag:s20] =	ssyncset.done $0x0  }
0x44: {  	s0 =	simm.s32 $0x400;
	s4 =	simm.s32 $0x14180;
	[sflag:s20] =	ssyncadd.s32 $0xFFFFC000  }
.LBB2_2:
0x45: {  	[tilespmem:s25], [sflag:$0x2] =	stream.indirect.gather [hbm4b:s5+s22], $0x80, s4, s22, $0xb8;
	[tilespmem:$0x1E800] =	vst v63  }
0x46: {  	s4 =	smov.u32 s0  }
0x47: {  	p0 =	sne.s32 s0, $0x4800;
	s0 =	sadd.s32 $0x400, s0;
	_ =	swait.ge [sflag:s28], $0x4000  }
0x48: {  	s4 =	sshra.s32 s4, $0x2;
	[sflag:s28] =	ssyncset.done $0x0  }
0x49: {  	s8 =	sadd.s32 $0x15400, s4;
	[sflag:s28] =	ssyncadd.s32 $0xFFFFC000  }
0x4a: {  	[spmem:s3] =	stream.indirect.scatter.add.f32 [tilespmem:s23], [sflag:$0x4], $0x80, s8, s22, $0xb8;
	[tilespmem:$0x1E800] =	vst v63  }
0x4b: {  	_ =	swait.ge [sflag:s20], $0x4000  }
0x4c: {  	[sflag:s20] =	ssyncset.done $0x0  }
0x4d: {  	s8 =	sadd.s32 $0x14100, s4;
	[sflag:s20] =	ssyncadd.s32 $0xFFFFC000  }
0x4e: {  	[tilespmem:s23], [sflag:$0x1] =	stream.indirect.gather [hbm4b:s5+s22], $0x80, s8, s22, $0xb8;
	[tilespmem:$0x1E800] =	vst v63  }
0x4f: {  	_ =	swait.ge [sflag:s29], $0x4000  }
0x50: {  	[sflag:s29] =	ssyncset.done $0x0  }
.Ltmp0:
0x51: {  	s8 =	sadd.s32 $0x15480, s4;
	[sflag:s29] =	ssyncadd.s32 $0xFFFFC000;
	(pc) =	sbr.rel @p0 .LBB2_2-.Ltmp0, $4  }
0x52: {  	[spmem:s3] =	stream.indirect.scatter.add.f32 [tilespmem:s25], [sflag:$0x4], $0x80, s8, s22, $0xb8;
	[tilespmem:$0x1E800] =	vst v63  }
0x53: {  	_ =	swait.ge [sflag:s20], $0x4000  }
0x54: {  	[sflag:s20] =	ssyncset.done $0x0  }
0x55: {  	s4 =	sadd.s32 $0x14180, s4;
	[sflag:s20] =	ssyncadd.s32 $0xFFFFC000  }
0x56: {  	[tilespmem:s25], [sflag:$0x2] =	stream.indirect.gather [hbm4b:s5+s22], $0x80, s4, s22, $0xb8;
	[tilespmem:$0x1E800] =	vst v63  }
0x57: {  	_ =	swait.ge [sflag:s28], $0x4000  }
0x58: {  	[sflag:s28] =	ssyncset.done $0x0  }
0x59: {  	[sflag:s28] =	ssyncadd.s32 $0xFFFFC000  }
0x5a: {  	[spmem:s3] =	stream.indirect.scatter.add.f32 [tilespmem:s23], [sflag:$0x4], $0x80, s30, s22, $0xb8;
	[tilespmem:$0x1E800] =	vst v63  }
0x5b: {  	_ =	swait.ge [sflag:s20], $0x4000  }
0x5c: {  	[sflag:s20] =	ssyncset.done $0x0  }
0x5d: {  	[sflag:s20] =	ssyncadd.s32 $0xFFFFC000  }
0x5e: {  	_ =	swait.ge [sflag:s29], $0x4000  }
0x5f: {  	[sflag:s29] =	ssyncset.done $0x0  }
0x60: {  	[sflag:s29] =	ssyncadd.s32 $0xFFFFC000  }
0x61: {  	[spmem:s3] =	stream.indirect.scatter.add.f32 [tilespmem:s25], [sflag:$0x4], $0x80, s31, s22, $0xb8;
	[tilespmem:$0x1E800] =	vst v63  }
0x62: {  	_ =	swait.ge [sflag:s20], $0x4000  }
0x63: {  	[sflag:s20] =	ssyncset.done $0x0  }
0x64: {  	s0 =	simm.s32 $0x0;
	[sflag:s20] =	ssyncadd.s32 $0xFFFFC000  }
0x65: {  	[tilespmem:s19], [sflag:$0x4] =	stream.linear.gather [hbm4b:s10+s0], $0x1400, $0x38;
	[tilespmem:$0x1E800] =	vst v63  }
0x66: {  	_ =	swait.ge [sflag:s20], $0x1400  }
0x67: {  	[sflag:s20] =	ssyncset.done $0x0  }
0x68: {  	[sflag:s20] =	ssyncadd.s32 $0xFFFFEC00  }
0x69: {  	[tilespmem:s21], [sflag:$0x4] =	stream.linear.gather [hbm4b:s11+s0], $0x1400, $0x38;
	[tilespmem:$0x1E800] =	vst v63  }
0x6a: {  	_ =	swait.ge [sflag:s20], $0x1400  }
0x6b: {  	[sflag:s20] =	ssyncset.done $0x0  }
0x6c: {  	[sflag:s20] =	ssyncadd.s32 $0xFFFFEC00  }
0x6d: {  	[tilespmem:s23], [sflag:$0x1] =	stream.indirect.gather [hbm4b:s5+s22], $0x80, s19, s22, $0xb8;
	[tilespmem:$0x1E800] =	vst v63  }
0x6e: {  	_ = 	snop  }
0x6f: {  	[tilespmem:s25], [sflag:$0x2] =	stream.indirect.gather [hbm4b:s5+s22], $0x80, s24, s22, $0xb8;
	[tilespmem:$0x1E800] =	vst v63  }
0x70: {  	_ =	swait.ge [sflag:s28], $0x4000  }
0x71: {  	[sflag:s28] =	ssyncset.done $0x0  }
0x72: {  	s8 =	simm.s32 $0x15400;
	[sflag:s28] =	ssyncadd.s32 $0xFFFFC000  }
0x73: {  	[spmem:s3] =	stream.indirect.scatter.add.f32 [tilespmem:s23], [sflag:$0x4], $0x80, s8, s22, $0xb8;
	[tilespmem:$0x1E800] =	vst v63  }
0x74: {  	_ =	swait.ge [sflag:s20], $0x4000  }
0x75: {  	[sflag:s20] =	ssyncset.done $0x0  }
0x76: {  	s4 =	simm.s32 $0x14100;
	[sflag:s20] =	ssyncadd.s32 $0xFFFFC000  }
0x77: {  	[tilespmem:s23], [sflag:$0x1] =	stream.indirect.gather [hbm4b:s5+s22], $0x80, s4, s22, $0xb8;
	[tilespmem:$0x1E800] =	vst v63  }
0x78: {  	_ =	swait.ge [sflag:s29], $0x4000  }
0x79: {  	[sflag:s29] =	ssyncset.done $0x0  }
0x7a: {  	s8 =	simm.s32 $0x15480;
	[sflag:s29] =	ssyncadd.s32 $0xFFFFC000  }
0x7b: {  	[spmem:s3] =	stream.indirect.scatter.add.f32 [tilespmem:s25], [sflag:$0x4], $0x80, s8, s22, $0xb8;
	[tilespmem:$0x1E800] =	vst v63  }
0x7c: {  	_ =	swait.ge [sflag:s20], $0x4000  }
0x7d: {  	[sflag:s20] =	ssyncset.done $0x0  }
0x7e: {  	s0 =	simm.s32 $0x400;
	s4 =	simm.s32 $0x14180;
	[sflag:s20] =	ssyncadd.s32 $0xFFFFC000  }
.LBB2_4:
0x7f: {  	[tilespmem:s25], [sflag:$0x2] =	stream.indirect.gather [hbm4b:s5+s22], $0x80, s4, s22, $0xb8;
	[tilespmem:$0x1E800] =	vst v63  }
0x80: {  	s4 =	smov.u32 s0  }
0x81: {  	p0 =	sne.s32 s0, $0x4800;
	s0 =	sadd.s32 $0x400, s0;
	_ =	swait.ge [sflag:s28], $0x4000  }
0x82: {  	s4 =	sshra.s32 s4, $0x2;
	[sflag:s28] =	ssyncset.done $0x0  }
0x83: {  	s8 =	sadd.s32 $0x15400, s4;
	[sflag:s28] =	ssyncadd.s32 $0xFFFFC000  }
0x84: {  	[spmem:s3] =	stream.indirect.scatter.add.f32 [tilespmem:s23], [sflag:$0x4], $0x80, s8, s22, $0xb8;
	[tilespmem:$0x1E800] =	vst v63  }
0x85: {  	_ =	swait.ge [sflag:s20], $0x4000  }
0x86: {  	[sflag:s20] =	ssyncset.done $0x0  }
0x87: {  	s8 =	sadd.s32 $0x14100, s4;
	[sflag:s20] =	ssyncadd.s32 $0xFFFFC000  }
0x88: {  	[tilespmem:s23], [sflag:$0x1] =	stream.indirect.gather [hbm4b:s5+s22], $0x80, s8, s22, $0xb8;
	[tilespmem:$0x1E800] =	vst v63  }
0x89: {  	_ =	swait.ge [sflag:s29], $0x4000  }
0x8a: {  	[sflag:s29] =	ssyncset.done $0x0  }
.Ltmp1:
0x8b: {  	s8 =	sadd.s32 $0x15480, s4;
	[sflag:s29] =	ssyncadd.s32 $0xFFFFC000;
	(pc) =	sbr.rel @p0 .LBB2_4-.Ltmp1, $4  }
0x8c: {  	[spmem:s3] =	stream.indirect.scatter.add.f32 [tilespmem:s25], [sflag:$0x4], $0x80, s8, s22, $0xb8;
	[tilespmem:$0x1E800] =	vst v63  }
0x8d: {  	_ =	swait.ge [sflag:s20], $0x4000  }
0x8e: {  	[sflag:s20] =	ssyncset.done $0x0  }
0x8f: {  	s4 =	sadd.s32 $0x14180, s4;
	[sflag:s20] =	ssyncadd.s32 $0xFFFFC000  }
0x90: {  	[tilespmem:s25], [sflag:$0x2] =	stream.indirect.gather [hbm4b:s5+s22], $0x80, s4, s22, $0xb8;
	[tilespmem:$0x1E800] =	vst v63  }
0x91: {  	_ =	swait.ge [sflag:s28], $0x4000  }
0x92: {  	[sflag:s28] =	ssyncset.done $0x0  }
0x93: {  	[sflag:s28] =	ssyncadd.s32 $0xFFFFC000  }
0x94: {  	[spmem:s3] =	stream.indirect.scatter.add.f32 [tilespmem:s23], [sflag:$0x4], $0x80, s30, s22, $0xb8;
	[tilespmem:$0x1E800] =	vst v63  }
0x95: {  	_ =	swait.ge [sflag:s20], $0x4000  }
0x96: {  	[sflag:s20] =	ssyncset.done $0x0  }
0x97: {  	[sflag:s20] =	ssyncadd.s32 $0xFFFFC000  }
0x98: {  	_ =	swait.ge [sflag:s29], $0x4000  }
0x99: {  	[sflag:s29] =	ssyncset.done $0x0  }
0x9a: {  	[sflag:s29] =	ssyncadd.s32 $0xFFFFC000  }
0x9b: {  	[spmem:s3] =	stream.indirect.scatter.add.f32 [tilespmem:s25], [sflag:$0x4], $0x80, s31, s22, $0xb8;
	[tilespmem:$0x1E800] =	vst v63  }
0x9c: {  	_ =	swait.ge [sflag:s20], $0x4000  }
0x9d: {  	s1 =	sadd.s32 $0x1, s1;
	[sflag:s20] =	ssyncset.done $0x0  }
0x9e: {  	p0 =	sne.s32 s1, s13;
	[sflag:s20] =	ssyncadd.s32 $0xFFFFC000  }
.Ltmp2:
0x9f: {  	s0 =	sor.u32 $0x1C04, s6;
	[bflag:$0x0] =	sbarrier.arrive $0xFFFF;
	(pc) =	sbr.rel @p0 .LBB2_1-.Ltmp2, $4  }
0xa0: {  	[hbm:s12], [sflag:s0] =	dma.local [spmem:s14], $0x2800  }
0xa1: {  	_ =	swait.ge [sflag:s20], $0x2800  }
0xa2: {  	[sflag:s20] =	ssyncset.done $0x0  }
0xa3: {  	[sflag:s20] =	ssyncadd.s32 $0xFFFFD800  }
0xa4: {  	_ =	sfence.sel $0x180000  }
0xa5: {  	[bflag:$0x0] =	sbarrier.arrive $0xFFFF  }
0xa6: {  	_ =	strace $0x90000050  }
0xa7: {  	s0 =	stileid.u32;
	[bflag:$0x2] =	sbarrier.arrive $0xFFFF  }
0xa8: {  	p0 =	sne.s32 s0, $0x0;
	s0 =	rddreg [dreg:$0x3]  }
0xa9: {  	s0 =	sadd.s32 @!p0 $0x100000, s0  }
0xaa: {  	[sflag:s0] =	ssyncadd.tile.s32 @!p0 $0x1;
	_ =	shalt  }
.Lfunc_end2:
_tile_overlayer_lowered:
.L_overlay_start_2:
0xab: {  	(tag) =	ssettag $0x2  }
0xac: {  	s0 =	rddreg [dreg:$0x0];
	s2 =	stileid.u32  }
0xad: {  	s1 =	rddreg [dreg:$0x1];
	p0 =	sne.s32 s2, $0x0  }
0xae: {  	s3 =	rddreg [dreg:$0x2];
	[bflag:$0x3] =	sbarrier.arrive $0xFFFF;
	s2 =	simm.s32 @!p0 $0x1C04  }
0xaf: {  	[timem:s3], [sflag:s2] =	dma.local @!p0 [hbm:s0], s1  }
0xb0: {  	s0 =	simm.s32 @!p0 $0x4  }
0xb1: {  	_ =	swait.ge @!p0 [sflag:s0], s1  }
0xb2: {  	s1 =	ssub.s32 @!p0 $0x0, s1;
	[sflag:s0] =	ssyncset.done @!p0 $0x0  }
0xb3: {  	[sflag:s0] =	ssyncadd.s32 @!p0 s1  }
0xb4: {  	[bflag:$0x3] =	sbarrier.arrive $0xFFFF  }
0xb5: {  	_ =	shalt  }

</sc_bundles>
